<compile_context>
chip_gen: v7x
topology: tpu7x:2x2x1
jax: 0.10.2.dev20260603
libtpu: 0.0.44.dev20260713+nightly
codegen_flags: <defaults>
</compile_context>

<pallas_src>
import functools

import jax
import jax.numpy as jnp
from jax import lax
from jax.experimental import pallas as pl
from jax.experimental.pallas import tpu as pltpu
from jax.experimental.pallas import tpu_sc as plsc

N = 10000
NP = 10240
E = 320000
D = 128
H = 256
G = 64
GF = 16
P = 128
BN = 1024
NBLK = NP // BN
SLAB = 8
CHA = 80
EA = 32 * CHA * 128
CHB = 160
EB = 16 * CHB * 128
RPW = NP // 16


def _sc_mesh():
    return plsc.VectorSubcoreMesh(core_axis_name="c", subcore_axis_name="s")


def _zero_rows(rows):
    def zrow(r, carry):
        for j in range(8):
            rows[r, pl.ds(j * 16, 16)] = jnp.zeros((16,), jnp.float32)
        return carry
    lax.fori_loop(0, 128, zrow, 0)


def _zero_acc(rows, acc, sid):
    _zero_rows(rows)
    for t in range(RPW // 128):
        pltpu.sync_copy(rows, acc.at[pl.ds(sid * RPW + t * 128, 128)])


def _sc_agg(tab, gidx, sidx, ch):
    nslab = ch // SLAB

    @functools.partial(
        pl.kernel,
        mesh=_sc_mesh(),
        out_type=jax.ShapeDtypeStruct((2, NP, 128), jnp.float32),
        scratch_types=[
            pltpu.VMEM((2, SLAB, 128), jnp.int32),
            pltpu.VMEM((2, SLAB, 128), jnp.int32),
            pltpu.VMEM((2, 128, 128), jnp.float32),
            pltpu.VMEM_SHARED((NP, 128), jnp.float32),
            pltpu.SemaphoreType.DMA,
            pltpu.SemaphoreType.DMA,
        ],
    )
    def k(t_hbm, g_hbm, s_hbm, out_hbm, gv, sv, rows, acc, gsem, isem):
        cid = lax.axis_index("c")
        sid = lax.axis_index("s")
        _zero_acc(rows.at[0], acc, sid)
        plsc.subcore_barrier()

        pltpu.sync_copy(g_hbm.at[cid, sid, pl.ds(0, SLAB)], gv.at[0])
        pltpu.sync_copy(s_hbm.at[cid, sid, pl.ds(0, SLAB)], sv.at[0])
        pltpu.async_copy(t_hbm.at[gv.at[0, 0]], rows.at[0], gsem)
        pltpu.async_copy(t_hbm.at[gv.at[0, 1]], rows.at[1], gsem)

        def slab(sl, carry):
            cur = sl % 2
            nxt = 1 - cur

            @pl.when(sl + 1 < nslab)
            def _prefetch_idx():
                pltpu.async_copy(
                    g_hbm.at[cid, sid, pl.ds((sl + 1) * SLAB, SLAB)],
                    gv.at[nxt], isem)
                pltpu.async_copy(
                    s_hbm.at[cid, sid, pl.ds((sl + 1) * SLAB, SLAB)],
                    sv.at[nxt], isem)

            for t in range(SLAB):
                b = t % 2
                pltpu.make_async_copy(
                    t_hbm.at[gv.at[cur, t]], rows.at[b], gsem).wait()
                pltpu.sync_copy(rows.at[b], acc.at[sv.at[cur, t]], add=True)
                if t == SLAB - 2:
                    @pl.when(sl + 1 < nslab)
                    def _idx_ready():
                        pltpu.make_async_copy(
                            g_hbm.at[cid, sid, pl.ds((sl + 1) * SLAB, SLAB)],
                            gv.at[nxt], isem).wait()
                        pltpu.make_async_copy(
                            s_hbm.at[cid, sid, pl.ds((sl + 1) * SLAB, SLAB)],
                            sv.at[nxt], isem).wait()
                if t + 2 < SLAB:
                    pltpu.async_copy(
                        t_hbm.at[gv.at[cur, t + 2]], rows.at[b], gsem)
                else:
                    @pl.when(sl + 1 < nslab)
                    def _issue_next_slab():
                        pltpu.async_copy(
                            t_hbm.at[gv.at[nxt, t + 2 - SLAB]],
                            rows.at[b], gsem)
            return carry

        lax.fori_loop(0, nslab, slab, 0)
        plsc.subcore_barrier()
        pltpu.sync_copy(acc.at[pl.ds(sid * RPW, RPW)],
                        out_hbm.at[cid, pl.ds(sid * RPW, RPW)])

    return k(tab, gidx, sidx)


def _mlp0_body(x_ref, a_ref, b_ref, w1_ref, b1_ref, w2_ref, b2_ref,
               g_ref, bb_ref, o_ref):
    t = x_ref[...] + a_ref[...] + b_ref[...]
    u = jnp.maximum(
        jnp.dot(t, w1_ref[...], preferred_element_type=jnp.float32)
        + b1_ref[...], 0.0)
    v = jnp.dot(u, w2_ref[...], preferred_element_type=jnp.float32) + b2_ref[...]
    mu = jnp.mean(v, axis=-1, keepdims=True)
    dv = v - mu
    var = jnp.mean(dv * dv, axis=-1, keepdims=True)
    o_ref[...] = jnp.maximum(
        dv * lax.rsqrt(var + 1e-5) * g_ref[...] + bb_ref[...], 0.0)


def _tc_mlp0(x_pad, agg_a, agg_b, W1, b1, W2, b2, g0, bb0):
    full = lambda shape: pl.BlockSpec(shape, lambda i: (0, 0))
    return pl.pallas_call(
        _mlp0_body,
        grid=(NBLK,),
        in_specs=[
            pl.BlockSpec((BN, D), lambda i: (i, 0)),
            pl.BlockSpec((BN, D), lambda i: (i, 0)),
            pl.BlockSpec((BN, D), lambda i: (i, 0)),
            full((D, H)), full((1, H)), full((H, H)), full((1, H)),
            full((1, H)), full((1, H)),
        ],
        out_specs=pl.BlockSpec((BN, H), lambda i: (i, 0)),
        out_shape=jax.ShapeDtypeStruct((NP, H), jnp.float32),
    )(x_pad, agg_a, agg_b, W1, b1, W2, b2, g0, bb0)


def _mlp1_body(h_ref, lo_ref, hi_ref, w3a_ref, w3b_ref, b3_ref, w4_ref,
               b4_ref, g_ref, bb_ref, wg1_ref, bg1_ref, wg2_ref, bg2_ref,
               h2_ref, gate_ref):
    hb = h_ref[...]
    tlo = hb[:, :D] + lo_ref[...]
    thi = hb[:, D:] + hi_ref[...]
    u = jnp.maximum(
        jnp.dot(tlo, w3a_ref[...], preferred_element_type=jnp.float32)
        + jnp.dot(thi, w3b_ref[...], preferred_element_type=jnp.float32)
        + b3_ref[...], 0.0)
    v = jnp.dot(u, w4_ref[...], preferred_element_type=jnp.float32) + b4_ref[...]
    mu = jnp.mean(v, axis=-1, keepdims=True)
    dv = v - mu
    var = jnp.mean(dv * dv, axis=-1, keepdims=True)
    h2 = jnp.maximum(
        dv * lax.rsqrt(var + 1e-5) * g_ref[...] + bb_ref[...], 0.0)
    h2_ref[...] = h2
    z = jnp.maximum(
        jnp.dot(h2, wg1_ref[...], preferred_element_type=jnp.float32)
        + bg1_ref[...], 0.0)
    gate_ref[...] = (
        jnp.dot(z, wg2_ref[...], preferred_element_type=jnp.float32)
        + bg2_ref[...])


def _tc_mlp1(h, agg_lo, agg_hi, W3a, W3b, b3, W4, b4, g1, bb1,
             Wg1, bg1, Wg2, bg2):
    full = lambda shape: pl.BlockSpec(shape, lambda i: (0, 0))
    return pl.pallas_call(
        _mlp1_body,
        grid=(NBLK,),
        in_specs=[
            pl.BlockSpec((BN, H), lambda i: (i, 0)),
            pl.BlockSpec((BN, D), lambda i: (i, 0)),
            pl.BlockSpec((BN, D), lambda i: (i, 0)),
            full((D, H)), full((D, H)), full((1, H)),
            full((H, H)), full((1, H)), full((1, H)), full((1, H)),
            full((H, P)), full((1, P)), full((P, 1)), full((1, 1)),
        ],
        out_specs=[
            pl.BlockSpec((BN, H), lambda i: (i, 0)),
            pl.BlockSpec((BN, 1), lambda i: (i, 0)),
        ],
        out_shape=[
            jax.ShapeDtypeStruct((NP, H), jnp.float32),
            jax.ShapeDtypeStruct((NP, 1), jnp.float32),
        ],
    )(h, agg_lo, agg_hi, W3a, W3b, b3, W4, b4, g1, bb1, Wg1, bg1, Wg2, bg2)


def _pool_body(h2_ref, gate_ref, batch_ref, gf_ref, wc1a_ref, wc1b_ref,
               bc1_ref, wc2_ref, bc2_ref, o_ref, m_ref, p_ref):
    i = pl.program_id(0)

    @pl.when(i == 0)
    def _init():
        m_ref[...] = jnp.full((1, G), -jnp.inf, jnp.float32)
        p_ref[...] = jnp.zeros((G, H + 128), jnp.float32)

    gids = lax.broadcasted_iota(jnp.int32, (1, G), 1)
    nids = lax.broadcasted_iota(jnp.int32, (BN, 1), 0) + (i % NBLK) * BN
    onehot = jnp.logical_and(batch_ref[...] == gids, nids < N)
    gate_m = jnp.where(onehot, gate_ref[...], -jnp.inf)

    @pl.when(i < NBLK)
    def _pass_max():
        m_ref[...] = jnp.maximum(m_ref[...],
                                 jnp.max(gate_m, axis=0, keepdims=True))

    @pl.when(i >= NBLK)
    def _pass_sum():
        e = jnp.where(onehot, jnp.exp(gate_m - m_ref[...]), 0.0)
        hh = jnp.concatenate(
            [h2_ref[...], jnp.ones((BN, 128), jnp.float32)], axis=1)
        p_ref[...] = p_ref[...] + lax.dot_general(
            e, hh, (((0,), (0,)), ((), ())),
            preferred_element_type=jnp.float32)

    @pl.when(i == 2 * NBLK - 1)
    def _final():
        s_col = p_ref[:, H:H + 1]
        pooled = p_ref[:, :H] / (s_col + 1e-16)
        z = jnp.maximum(
            jnp.dot(pooled, wc1a_ref[...], preferred_element_type=jnp.float32)
            + jnp.dot(gf_ref[...], wc1b_ref[...],
                      preferred_element_type=jnp.float32)
            + bc1_ref[...], 0.0)
        o_ref[...] = (
            jnp.dot(z, wc2_ref[...], preferred_element_type=jnp.float32)
            + bc2_ref[...])


def _tc_pool(h2, gate, batch2d, gf, Wc1a, Wc1b, bc1, Wc2, bc2):
    blk = lambda i: (i % NBLK, 0)
    full = lambda shape: pl.BlockSpec(shape, lambda i: (0, 0))
    return pl.pallas_call(
        _pool_body,
        grid=(2 * NBLK,),
        in_specs=[
            pl.BlockSpec((BN, H), blk),
            pl.BlockSpec((BN, 1), blk),
            pl.BlockSpec((BN, 1), blk),
            full((G, GF)), full((H, P)), full((GF, P)), full((1, P)),
            full((P, 2)), full((1, 2)),
        ],
        out_specs=pl.BlockSpec((G, 2), lambda i: (0, 0)),
        out_shape=jax.ShapeDtypeStruct((G, 2), jnp.float32),
        scratch_shapes=[
            pltpu.VMEM((1, G), jnp.float32),
            pltpu.VMEM((G, H + 128), jnp.float32),
        ],
        compiler_params=pltpu.CompilerParams(
            dimension_semantics=("arbitrary",)),
    )(h2, gate, batch2d, gf, Wc1a, Wc1b, bc1, Wc2, bc2)


def kernel(x, edge_index, edge_attr, batch, global_features, W1, b1, W2, b2,
           W3, b3, W4, b4, ln0_g, ln0_b, ln1_g, ln1_b, Wg1, bg1, Wg2, bg2,
           Wc1, bc1, Wc2, bc2):
    src = edge_index[0]
    dst = edge_index[1]
    x_pad = jnp.pad(x, ((0, NP - N), (0, 0)))

    g_a = jnp.pad(src, (0, EA - E)).reshape(2, 16, CHA, 128)
    s_a = jnp.pad(dst, (0, EA - E),
                  constant_values=N).reshape(2, 16, CHA, 128)
    src2 = 2 * src
    g_b = jnp.stack([
        jnp.pad(src2, (0, EB - E)).reshape(16, CHB, 128),
        jnp.pad(src2 + 1, (0, EB - E)).reshape(16, CHB, 128),
    ])
    dstp = jnp.pad(dst, (0, EB - E), constant_values=N).reshape(16, CHB, 128)
    s_b = jnp.stack([dstp, dstp])

    agg0 = _sc_agg(x_pad, g_a, s_a, CHA)
    h = _tc_mlp0(x_pad, agg0[0], agg0[1], W1, b1.reshape(1, H),
                 W2, b2.reshape(1, H), ln0_g.reshape(1, H),
                 ln0_b.reshape(1, H))
    agg1 = _sc_agg(h.reshape(2 * NP, D), g_b, s_b, CHB)
    h2, gate = _tc_mlp1(h, agg1[0], agg1[1], W3[:D], W3[D:],
                        b3.reshape(1, H), W4, b4.reshape(1, H),
                        ln1_g.reshape(1, H), ln1_b.reshape(1, H),
                        Wg1, bg1.reshape(1, P), Wg2, bg2.reshape(1, 1))
    batch2d = jnp.pad(batch, (0, NP - N)).reshape(NP, 1)
    return _tc_pool(h2, gate, batch2d, global_features,
                    Wc1[:H], Wc1[H:], bc1.reshape(1, P), Wc2,
                    bc2.reshape(1, 2))

# --- scband reference (transcript-rebuilt; emitter-appended) ---
"""Pipeline reference for scband-gincombinedv2-13262859010608 (READ-ONLY COPY).

The authoritative reference and input builder live on the scoring server;
editing this copy changes nothing except your own understanding.
"""

import jax, jax.numpy as jnp
import numpy as np

N, E, D = 10000, 320000, 128
G, GF = 64, 16
H, P = 256, 128

def _glorot(k, shape):
    lim = float(np.sqrt(6.0 / (shape[0] + shape[1])))
    return jax.random.uniform(k, shape, jnp.float32, -lim, lim)

def setup_inputs(seed: int = 0) -> dict:
    key = jax.random.key(seed)
    ks = jax.random.split(key, 32)
    inp = {}
    inp["x"] = jax.random.normal(ks[0], (N, D), jnp.float32)
    inp["edge_index"] = jax.random.randint(ks[1], (2, E), 0, N, dtype=jnp.int32)
    inp["edge_attr"] = jax.random.normal(ks[2], (E, GF), jnp.float32)
    inp["batch"] = jnp.sort(jax.random.randint(ks[3], (N,), 0, G, dtype=jnp.int32))
    inp["global_features"] = jax.random.normal(ks[4], (G, GF), jnp.float32)
    # GIN layer 0 MLP: Linear(D,H), Linear(H,H)
    inp["W1"] = _glorot(ks[5], (D, H)); inp["b1"] = jnp.zeros((H,), jnp.float32)
    inp["W2"] = _glorot(ks[6], (H, H)); inp["b2"] = jnp.zeros((H,), jnp.float32)
    # GIN layer 1 MLP: Linear(H,H), Linear(H,H)
    inp["W3"] = _glorot(ks[7], (H, H)); inp["b3"] = jnp.zeros((H,), jnp.float32)
    inp["W4"] = _glorot(ks[8], (H, H)); inp["b4"] = jnp.zeros((H,), jnp.float32)
    # LayerNorms
    inp["ln0_g"] = jnp.ones((H,), jnp.float32); inp["ln0_b"] = jnp.zeros((H,), jnp.float32)
    inp["ln1_g"] = jnp.ones((H,), jnp.float32); inp["ln1_b"] = jnp.zeros((H,), jnp.float32)
    # Attention pooling gate nn: Linear(H,P), Linear(P,1)
    inp["Wg1"] = _glorot(ks[9], (H, P)); inp["bg1"] = jnp.zeros((P,), jnp.float32)
    inp["Wg2"] = _glorot(ks[10], (P, 1)); inp["bg2"] = jnp.zeros((1,), jnp.float32)
    # Classifier: Linear(H+GF,P), Linear(P,2)
    inp["Wc1"] = _glorot(ks[11], (H + GF, P)); inp["bc1"] = jnp.zeros((P,), jnp.float32)
    inp["Wc2"] = _glorot(ks[12], (P, 2)); inp["bc2"] = jnp.zeros((2,), jnp.float32)
    return inp

def _layer_norm(h, g, b):
    m = jnp.mean(h, axis=-1, keepdims=True)
    v = jnp.var(h, axis=-1, keepdims=True)
    return (h - m) / jnp.sqrt(v + 1e-5) * g + b

def reference(x, edge_index, edge_attr, batch, global_features, W1, b1, W2, b2, W3, b3, W4, b4, ln0_g, ln0_b, ln1_g, ln1_b, Wg1, bg1, Wg2, bg2, Wc1, bc1, Wc2, bc2):
    num_graphs = global_features.shape[0]
    src, dst = edge_index[0], edge_index[1]
    # GIN layer 0: h = MLP((1+eps)*x + sum_{j in N(i)} x_j), eps=0 (dropout is eval no-op)
    agg = jnp.zeros_like(x).at[dst].add(x[src])
    h = x + agg
    h = jnp.maximum(h @ W1 + b1, 0.0) @ W2 + b2
    h = jnp.maximum(_layer_norm(h, ln0_g, ln0_b), 0.0)
    # GIN layer 1
    agg = jnp.zeros_like(h).at[dst].add(h[src])
    h2 = h + agg
    h2 = jnp.maximum(h2 @ W3 + b3, 0.0) @ W4 + b4
    h2 = jnp.maximum(_layer_norm(h2, ln1_g, ln1_b), 0.0)
    # Attentional aggregation: softmax(gate_nn(x)) per graph segment
    gate = jnp.maximum(h2 @ Wg1 + bg1, 0.0) @ Wg2 + bg2  # [N, 1]
    gmax = jax.ops.segment_max(gate, batch, num_segments=num_graphs)
    gmax = jnp.where(jnp.isfinite(gmax), gmax, 0.0)
    e = jnp.exp(gate - gmax[batch])
    s = jax.ops.segment_sum(e, batch, num_segments=num_graphs)
    alpha = e / (s[batch] + 1e-16)
    pooled = jax.ops.segment_sum(alpha * h2, batch, num_segments=num_graphs)  # [G, H]
    comb = jnp.concatenate([pooled, global_features], axis=1)
    out = jnp.maximum(comb @ Wc1 + bc1, 0.0) @ Wc2 + bc2
    return out

if __name__ == "__main__":
    import jax
    _d = setup_inputs()
    print(jax.jit(kernel)(*tuple(_d.values())))

</pallas_src>

<mosaic_0001>
#map = affine_map<(d0, d1) -> (0, 0)>
#map1 = affine_map<(d0, d1) -> (0, 0, 0, 0)>
#map2 = affine_map<(d0, d1) -> (0, 0, 0)>
module attributes {stable_mosaic.version = 14 : i64} {
  func.func @k(%arg0: i32, %arg1: i32, %arg2: memref<10240x128xf32, #tpu.memory_space<hbm>>, %arg3: memref<2x16x80x128xi32, #tpu.memory_space<hbm>>, %arg4: memref<2x16x80x128xi32, #tpu.memory_space<hbm>>, %arg5: memref<2x10240x128xf32, #tpu.memory_space<hbm>>, %arg6: memref<2x8x128xi32, #tpu.memory_space<vmem>>, %arg7: memref<2x8x128xi32, #tpu.memory_space<vmem>>, %arg8: memref<2x128x128xf32, #tpu.memory_space<vmem>>, %arg9: memref<10240x128xf32, #tpu.memory_space<vmem_shared>>, %arg10: memref<!tpu.dma_semaphore, #tpu.memory_space<semaphore_mem>>, %arg11: memref<!tpu.dma_semaphore, #tpu.memory_space<semaphore_mem>>) attributes {dimension_semantics = [#tpu.dimension_semantics<core_parallel>, #tpu.dimension_semantics<subcore_parallel>], iteration_bounds = array<i64: 2, 16>, scalar_prefetch = 0 : i64, scratch_operands = 6 : i64, tpu.core_type = #tpu.core_type<sc_vector_subcore>, window_params = [{transform_indices = #map}, {transform_indices = #map1}, {transform_indices = #map1}, {transform_indices = #map2}]} {
    %scan3A = arith.constant 0 : i32
    %scan3A_0 = arith.constant 0 : i32
    %scan3A_1 = arith.constant 0 : i32
    %scan3A_2 = arith.constant 128 : i32
    %scan3A_3 = arith.addi %scan3A_1, %scan3A_2 : i32
    %scan3A_4 = arith.constant 1 : i32
    scf.for %scan3A_66 = %scan3A_1 to %scan3A_3 step %scan3A_4  : i32 {
      %broadcast_in_dim3A = arith.constant 0.000000e+00 : f32
      %broadcast_in_dim3A_67 = vector.broadcast %broadcast_in_dim3A : f32 to vector<16xf32>
      %swap3A = arith.constant 0 : i32
      %swap3A_68 = arith.constant 0 : i32
      %swap3A_69 = tpu.memref_slice %arg8[%scan3A_0, %swap3A, %swap3A_68] : memref<2x128x128xf32, #tpu.memory_space<vmem>> -> memref<1x128x128xf32, #tpu.memory_space<vmem>>
      %swap3A_70 = tpu.memref_squeeze %swap3A_69 : memref<1x128x128xf32, #tpu.memory_space<vmem>> -> memref<128x128xf32, #tpu.memory_space<vmem>>
      %swap3A_71 = arith.index_cast %scan3A_66 : i32 to index
      %swap3A_72 = arith.constant 0 : index
      %swap3A_73 = tpu.vector_load %swap3A_70[%swap3A_71, %swap3A_72] {strides = array<i32>} : memref<128x128xf32, #tpu.memory_space<vmem>>, vector<1x16xf32>,
      %swap3A_74 = vector.shape_cast %swap3A_73 : vector<1x16xf32> to vector<16xf32>
      %swap3A_75 = vector.shape_cast %broadcast_in_dim3A_67 : vector<16xf32> to vector<1x16xf32>
      tpu.vector_store %swap3A_70[%swap3A_71, %swap3A_72], %swap3A_75 {strides = array<i32>} : memref<128x128xf32, #tpu.memory_space<vmem>>, vector<1x16xf32>,
      %broadcast_in_dim3A_76 = arith.constant 0.000000e+00 : f32
      %broadcast_in_dim3A_77 = vector.broadcast %broadcast_in_dim3A_76 : f32 to vector<16xf32>
      %swap3A_78 = arith.constant 0 : i32
      %swap3A_79 = arith.constant 0 : i32
      %swap3A_80 = tpu.memref_slice %arg8[%scan3A_0, %swap3A_78, %swap3A_79] : memref<2x128x128xf32, #tpu.memory_space<vmem>> -> memref<1x128x128xf32, #tpu.memory_space<vmem>>
      %swap3A_81 = tpu.memref_squeeze %swap3A_80 : memref<1x128x128xf32, #tpu.memory_space<vmem>> -> memref<128x128xf32, #tpu.memory_space<vmem>>
      %swap3A_82 = arith.index_cast %scan3A_66 : i32 to index
      %swap3A_83 = arith.constant 16 : index
      %swap3A_84 = tpu.vector_load %swap3A_81[%swap3A_82, %swap3A_83] {strides = array<i32>} : memref<128x128xf32, #tpu.memory_space<vmem>>, vector<1x16xf32>,
      %swap3A_85 = vector.shape_cast %swap3A_84 : vector<1x16xf32> to vector<16xf32>
      %swap3A_86 = vector.shape_cast %broadcast_in_dim3A_77 : vector<16xf32> to vector<1x16xf32>
      tpu.vector_store %swap3A_81[%swap3A_82, %swap3A_83], %swap3A_86 {strides = array<i32>} : memref<128x128xf32, #tpu.memory_space<vmem>>, vector<1x16xf32>,
      %broadcast_in_dim3A_87 = arith.constant 0.000000e+00 : f32
      %broadcast_in_dim3A_88 = vector.broadcast %broadcast_in_dim3A_87 : f32 to vector<16xf32>
      %swap3A_89 = arith.constant 0 : i32
      %swap3A_90 = arith.constant 0 : i32
      %swap3A_91 = tpu.memref_slice %arg8[%scan3A_0, %swap3A_89, %swap3A_90] : memref<2x128x128xf32, #tpu.memory_space<vmem>> -> memref<1x128x128xf32, #tpu.memory_space<vmem>>
      %swap3A_92 = tpu.memref_squeeze %swap3A_91 : memref<1x128x128xf32, #tpu.memory_space<vmem>> -> memref<128x128xf32, #tpu.memory_space<vmem>>
      %swap3A_93 = arith.index_cast %scan3A_66 : i32 to index
      %swap3A_94 = arith.constant 32 : index
      %swap3A_95 = tpu.vector_load %swap3A_92[%swap3A_93, %swap3A_94] {strides = array<i32>} : memref<128x128xf32, #tpu.memory_space<vmem>>, vector<1x16xf32>,
      %swap3A_96 = vector.shape_cast %swap3A_95 : vector<1x16xf32> to vector<16xf32>
      %swap3A_97 = vector.shape_cast %broadcast_in_dim3A_88 : vector<16xf32> to vector<1x16xf32>
      tpu.vector_store %swap3A_92[%swap3A_93, %swap3A_94], %swap3A_97 {strides = array<i32>} : memref<128x128xf32, #tpu.memory_space<vmem>>, vector<1x16xf32>,
      %broadcast_in_dim3A_98 = arith.constant 0.000000e+00 : f32
      %broadcast_in_dim3A_99 = vector.broadcast %broadcast_in_dim3A_98 : f32 to vector<16xf32>
      %swap3A_100 = arith.constant 0 : i32
      %swap3A_101 = arith.constant 0 : i32
      %swap3A_102 = tpu.memref_slice %arg8[%scan3A_0, %swap3A_100, %swap3A_101] : memref<2x128x128xf32, #tpu.memory_space<vmem>> -> memref<1x128x128xf32, #tpu.memory_space<vmem>>
      %swap3A_103 = tpu.memref_squeeze %swap3A_102 : memref<1x128x128xf32, #tpu.memory_space<vmem>> -> memref<128x128xf32, #tpu.memory_space<vmem>>
      %swap3A_104 = arith.index_cast %scan3A_66 : i32 to index
      %swap3A_105 = arith.constant 48 : index
      %swap3A_106 = tpu.vector_load %swap3A_103[%swap3A_104, %swap3A_105] {strides = array<i32>} : memref<128x128xf32, #tpu.memory_space<vmem>>, vector<1x16xf32>,
      %swap3A_107 = vector.shape_cast %swap3A_106 : vector<1x16xf32> to vector<16xf32>
      %swap3A_108 = vector.shape_cast %broadcast_in_dim3A_99 : vector<16xf32> to vector<1x16xf32>
      tpu.vector_store %swap3A_103[%swap3A_104, %swap3A_105], %swap3A_108 {strides = array<i32>} : memref<128x128xf32, #tpu.memory_space<vmem>>, vector<1x16xf32>,
      %broadcast_in_dim3A_109 = arith.constant 0.000000e+00 : f32
      %broadcast_in_dim3A_110 = vector.broadcast %broadcast_in_dim3A_109 : f32 to vector<16xf32>
      %swap3A_111 = arith.constant 0 : i32
      %swap3A_112 = arith.constant 0 : i32
      %swap3A_113 = tpu.memref_slice %arg8[%scan3A_0, %swap3A_111, %swap3A_112] : memref<2x128x128xf32, #tpu.memory_space<vmem>> -> memref<1x128x128xf32, #tpu.memory_space<vmem>>
      %swap3A_114 = tpu.memref_squeeze %swap3A_113 : memref<1x128x128xf32, #tpu.memory_space<vmem>> -> memref<128x128xf32, #tpu.memory_space<vmem>>
      %swap3A_115 = arith.index_cast %scan3A_66 : i32 to index
      %swap3A_116 = arith.constant 64 : index
      %swap3A_117 = tpu.vector_load %swap3A_114[%swap3A_115, %swap3A_116] {strides = array<i32>} : memref<128x128xf32, #tpu.memory_space<vmem>>, vector<1x16xf32>,
      %swap3A_118 = vector.shape_cast %swap3A_117 : vector<1x16xf32> to vector<16xf32>
      %swap3A_119 = vector.shape_cast %broadcast_in_dim3A_110 : vector<16xf32> to vector<1x16xf32>
      tpu.vector_store %swap3A_114[%swap3A_115, %swap3A_116], %swap3A_119 {strides = array<i32>} : memref<128x128xf32, #tpu.memory_space<vmem>>, vector<1x16xf32>,
      %broadcast_in_dim3A_120 = arith.constant 0.000000e+00 : f32
      %broadcast_in_dim3A_121 = vector.broadcast %broadcast_in_dim3A_120 : f32 to vector<16xf32>
      %swap3A_122 = arith.constant 0 : i32
      %swap3A_123 = arith.constant 0 : i32
      %swap3A_124 = tpu.memref_slice %arg8[%scan3A_0, %swap3A_122, %swap3A_123] : memref<2x128x128xf32, #tpu.memory_space<vmem>> -> memref<1x128x128xf32, #tpu.memory_space<vmem>>
      %swap3A_125 = tpu.memref_squeeze %swap3A_124 : memref<1x128x128xf32, #tpu.memory_space<vmem>> -> memref<128x128xf32, #tpu.memory_space<vmem>>
      %swap3A_126 = arith.index_cast %scan3A_66 : i32 to index
      %swap3A_127 = arith.constant 80 : index
      %swap3A_128 = tpu.vector_load %swap3A_125[%swap3A_126, %swap3A_127] {strides = array<i32>} : memref<128x128xf32, #tpu.memory_space<vmem>>, vector<1x16xf32>,
      %swap3A_129 = vector.shape_cast %swap3A_128 : vector<1x16xf32> to vector<16xf32>
      %swap3A_130 = vector.shape_cast %broadcast_in_dim3A_121 : vector<16xf32> to vector<1x16xf32>
      tpu.vector_store %swap3A_125[%swap3A_126, %swap3A_127], %swap3A_130 {strides = array<i32>} : memref<128x128xf32, #tpu.memory_space<vmem>>, vector<1x16xf32>,
      %broadcast_in_dim3A_131 = arith.constant 0.000000e+00 : f32
      %broadcast_in_dim3A_132 = vector.broadcast %broadcast_in_dim3A_131 : f32 to vector<16xf32>
      %swap3A_133 = arith.constant 0 : i32
      %swap3A_134 = arith.constant 0 : i32
      %swap3A_135 = tpu.memref_slice %arg8[%scan3A_0, %swap3A_133, %swap3A_134] : memref<2x128x128xf32, #tpu.memory_space<vmem>> -> memref<1x128x128xf32, #tpu.memory_space<vmem>>
      %swap3A_136 = tpu.memref_squeeze %swap3A_135 : memref<1x128x128xf32, #tpu.memory_space<vmem>> -> memref<128x128xf32, #tpu.memory_space<vmem>>
      %swap3A_137 = arith.index_cast %scan3A_66 : i32 to index
      %swap3A_138 = arith.constant 96 : index
      %swap3A_139 = tpu.vector_load %swap3A_136[%swap3A_137, %swap3A_138] {strides = array<i32>} : memref<128x128xf32, #tpu.memory_space<vmem>>, vector<1x16xf32>,
      %swap3A_140 = vector.shape_cast %swap3A_139 : vector<1x16xf32> to vector<16xf32>
      %swap3A_141 = vector.shape_cast %broadcast_in_dim3A_132 : vector<16xf32> to vector<1x16xf32>
      tpu.vector_store %swap3A_136[%swap3A_137, %swap3A_138], %swap3A_141 {strides = array<i32>} : memref<128x128xf32, #tpu.memory_space<vmem>>, vector<1x16xf32>,
      %broadcast_in_dim3A_142 = arith.constant 0.000000e+00 : f32
      %broadcast_in_dim3A_143 = vector.broadcast %broadcast_in_dim3A_142 : f32 to vector<16xf32>
      %swap3A_144 = arith.constant 0 : i32
      %swap3A_145 = arith.constant 0 : i32
      %swap3A_146 = tpu.memref_slice %arg8[%scan3A_0, %swap3A_144, %swap3A_145] : memref<2x128x128xf32, #tpu.memory_space<vmem>> -> memref<1x128x128xf32, #tpu.memory_space<vmem>>
      %swap3A_147 = tpu.memref_squeeze %swap3A_146 : memref<1x128x128xf32, #tpu.memory_space<vmem>> -> memref<128x128xf32, #tpu.memory_space<vmem>>
      %swap3A_148 = arith.index_cast %scan3A_66 : i32 to index
      %swap3A_149 = arith.constant 112 : index
      %swap3A_150 = tpu.vector_load %swap3A_147[%swap3A_148, %swap3A_149] {strides = array<i32>} : memref<128x128xf32, #tpu.memory_space<vmem>>, vector<1x16xf32>,
      %swap3A_151 = vector.shape_cast %swap3A_150 : vector<1x16xf32> to vector<16xf32>
      %swap3A_152 = vector.shape_cast %broadcast_in_dim3A_143 : vector<16xf32> to vector<1x16xf32>
      tpu.vector_store %swap3A_147[%swap3A_148, %swap3A_149], %swap3A_152 {strides = array<i32>} : memref<128x128xf32, #tpu.memory_space<vmem>>, vector<1x16xf32>,
    }
    %scan3A_5 = arith.constant 128 : i32
    %mul3A = arith.constant 640 : i32
    %mul3A_6 = arith.muli %arg1, %mul3A : i32
    %add3A = arith.constant 0 : i32
    %add3A_7 = arith.addi %mul3A_6, %add3A : i32
    %run_scoped3A = arith.constant 0 : i32
    "tpu.region"() ({
      %run_scoped3A_66 = tpu.sem_alloc : memref<!tpu.dma_semaphore, #tpu.memory_space<semaphore_mem>>
      %dma_start3A_67 = arith.constant 0 : i32
      %dma_start3A_68 = arith.constant 0 : i32
      %dma_start3A_69 = tpu.memref_slice %arg8[%run_scoped3A, %dma_start3A_67, %dma_start3A_68] : memref<2x128x128xf32, #tpu.memory_space<vmem>> -> memref<1x128x128xf32, #tpu.memory_space<vmem>>
      %dma_start3A_70 = tpu.memref_squeeze %dma_start3A_69 : memref<1x128x128xf32, #tpu.memory_space<vmem>> -> memref<128x128xf32, #tpu.memory_space<vmem>>
      %dma_start3A_71 = arith.constant 0 : i32
      %dma_start3A_72 = tpu.memref_slice %arg9[%add3A_7, %dma_start3A_71] : memref<10240x128xf32, #tpu.memory_space<vmem_shared>> -> memref<128x128xf32, #tpu.memory_space<vmem_shared>>
      %dma_start3A_73 = arith.constant 0 : i32
      %dma_start3A_74 = tpu.memref_slice %arg9[%add3A_7, %dma_start3A_73] : memref<10240x128xf32, #tpu.memory_space<vmem_shared>> -> memref<128x128xf32, #tpu.memory_space<vmem_shared>>
      %dma_start3A_75 = arith.constant 0 : i32
      %dma_start3A_76 = arith.constant 0 : i32
      %dma_start3A_77 = tpu.memref_slice %arg8[%run_scoped3A, %dma_start3A_75, %dma_start3A_76] : memref<2x128x128xf32, #tpu.memory_space<vmem>> -> memref<1x128x128xf32, #tpu.memory_space<vmem>>
      %dma_start3A_78 = tpu.memref_squeeze %dma_start3A_77 : memref<1x128x128xf32, #tpu.memory_space<vmem>> -> memref<128x128xf32, #tpu.memory_space<vmem>>
      tpu.enqueue_dma source(%dma_start3A_78 : memref<128x128xf32, #tpu.memory_space<vmem>>) target(%dma_start3A_74 : memref<128x128xf32, #tpu.memory_space<vmem_shared>>) target_semaphore(%run_scoped3A_66 : memref<!tpu.dma_semaphore, #tpu.memory_space<semaphore_mem>>)
      %dma_wait3A = arith.constant 0 : i32
      %dma_wait3A_79 = arith.constant 0 : i32
      %dma_wait3A_80 = tpu.memref_slice %arg8[%run_scoped3A, %dma_wait3A, %dma_wait3A_79] : memref<2x128x128xf32, #tpu.memory_space<vmem>> -> memref<1x128x128xf32, #tpu.memory_space<vmem>>
      %dma_wait3A_81 = tpu.memref_squeeze %dma_wait3A_80 : memref<1x128x128xf32, #tpu.memory_space<vmem>> -> memref<128x128xf32, #tpu.memory_space<vmem>>
      %dma_wait3A_82 = arith.constant 0 : i32
      %dma_wait3A_83 = tpu.memref_slice %arg9[%add3A_7, %dma_wait3A_82] : memref<10240x128xf32, #tpu.memory_space<vmem_shared>> -> memref<128x128xf32, #tpu.memory_space<vmem_shared>>
      %dma_wait3A_84 = arith.constant 0 : i32
      %dma_wait3A_85 = tpu.memref_slice %arg9[%add3A_7, %dma_wait3A_84] : memref<10240x128xf32, #tpu.memory_space<vmem_shared>> -> memref<128x128xf32, #tpu.memory_space<vmem_shared>>
      %dma_wait3A_86 = arith.constant 0 : i32
      %dma_wait3A_87 = arith.constant 0 : i32
      %dma_wait3A_88 = tpu.memref_slice %arg8[%run_scoped3A, %dma_wait3A_86, %dma_wait3A_87] : memref<2x128x128xf32, #tpu.memory_space<vmem>> -> memref<1x128x128xf32, #tpu.memory_space<vmem>>
      %dma_wait3A_89 = tpu.memref_squeeze %dma_wait3A_88 : memref<1x128x128xf32, #tpu.memory_space<vmem>> -> memref<128x128xf32, #tpu.memory_space<vmem>>
      tpu.wait_dma2 semaphore(%run_scoped3A_66 : memref<!tpu.dma_semaphore, #tpu.memory_space<semaphore_mem>>) src(%dma_wait3A_89 : memref<128x128xf32, #tpu.memory_space<vmem>>) dst(%dma_wait3A_85 : memref<128x128xf32, #tpu.memory_space<vmem_shared>>)
      tpu.yield
    }) : () -> ()
    %mul3A_8 = arith.constant 640 : i32
    %mul3A_9 = arith.muli %arg1, %mul3A_8 : i32
    %add3A_10 = arith.constant 128 : i32
    %add3A_11 = arith.addi %mul3A_9, %add3A_10 : i32
    %run_scoped3A_12 = arith.constant 0 : i32
    "tpu.region"() ({
      %run_scoped3A_66 = tpu.sem_alloc : memref<!tpu.dma_semaphore, #tpu.memory_space<semaphore_mem>>
      %dma_start3A_67 = arith.constant 0 : i32
      %dma_start3A_68 = arith.constant 0 : i32
      %dma_start3A_69 = tpu.memref_slice %arg8[%run_scoped3A_12, %dma_start3A_67, %dma_start3A_68] : memref<2x128x128xf32, #tpu.memory_space<vmem>> -> memref<1x128x128xf32, #tpu.memory_space<vmem>>
      %dma_start3A_70 = tpu.memref_squeeze %dma_start3A_69 : memref<1x128x128xf32, #tpu.memory_space<vmem>> -> memref<128x128xf32, #tpu.memory_space<vmem>>
      %dma_start3A_71 = arith.constant 0 : i32
      %dma_start3A_72 = tpu.memref_slice %arg9[%add3A_11, %dma_start3A_71] : memref<10240x128xf32, #tpu.memory_space<vmem_shared>> -> memref<128x128xf32, #tpu.memory_space<vmem_shared>>
      %dma_start3A_73 = arith.constant 0 : i32
      %dma_start3A_74 = tpu.memref_slice %arg9[%add3A_11, %dma_start3A_73] : memref<10240x128xf32, #tpu.memory_space<vmem_shared>> -> memref<128x128xf32, #tpu.memory_space<vmem_shared>>
      %dma_start3A_75 = arith.constant 0 : i32
      %dma_start3A_76 = arith.constant 0 : i32
      %dma_start3A_77 = tpu.memref_slice %arg8[%run_scoped3A_12, %dma_start3A_75, %dma_start3A_76] : memref<2x128x128xf32, #tpu.memory_space<vmem>> -> memref<1x128x128xf32, #tpu.memory_space<vmem>>
      %dma_start3A_78 = tpu.memref_squeeze %dma_start3A_77 : memref<1x128x128xf32, #tpu.memory_space<vmem>> -> memref<128x128xf32, #tpu.memory_space<vmem>>
      tpu.enqueue_dma source(%dma_start3A_78 : memref<128x128xf32, #tpu.memory_space<vmem>>) target(%dma_start3A_74 : memref<128x128xf32, #tpu.memory_space<vmem_shared>>) target_semaphore(%run_scoped3A_66 : memref<!tpu.dma_semaphore, #tpu.memory_space<semaphore_mem>>)
      %dma_wait3A = arith.constant 0 : i32
      %dma_wait3A_79 = arith.constant 0 : i32
      %dma_wait3A_80 = tpu.memref_slice %arg8[%run_scoped3A_12, %dma_wait3A, %dma_wait3A_79] : memref<2x128x128xf32, #tpu.memory_space<vmem>> -> memref<1x128x128xf32, #tpu.memory_space<vmem>>
      %dma_wait3A_81 = tpu.memref_squeeze %dma_wait3A_80 : memref<1x128x128xf32, #tpu.memory_space<vmem>> -> memref<128x128xf32, #tpu.memory_space<vmem>>
      %dma_wait3A_82 = arith.constant 0 : i32
      %dma_wait3A_83 = tpu.memref_slice %arg9[%add3A_11, %dma_wait3A_82] : memref<10240x128xf32, #tpu.memory_space<vmem_shared>> -> memref<128x128xf32, #tpu.memory_space<vmem_shared>>
      %dma_wait3A_84 = arith.constant 0 : i32
      %dma_wait3A_85 = tpu.memref_slice %arg9[%add3A_11, %dma_wait3A_84] : memref<10240x128xf32, #tpu.memory_space<vmem_shared>> -> memref<128x128xf32, #tpu.memory_space<vmem_shared>>
      %dma_wait3A_86 = arith.constant 0 : i32
      %dma_wait3A_87 = arith.constant 0 : i32
      %dma_wait3A_88 = tpu.memref_slice %arg8[%run_scoped3A_12, %dma_wait3A_86, %dma_wait3A_87] : memref<2x128x128xf32, #tpu.memory_space<vmem>> -> memref<1x128x128xf32, #tpu.memory_space<vmem>>
      %dma_wait3A_89 = tpu.memref_squeeze %dma_wait3A_88 : memref<1x128x128xf32, #tpu.memory_space<vmem>> -> memref<128x128xf32, #tpu.memory_space<vmem>>
      tpu.wait_dma2 semaphore(%run_scoped3A_66 : memref<!tpu.dma_semaphore, #tpu.memory_space<semaphore_mem>>) src(%dma_wait3A_89 : memref<128x128xf32, #tpu.memory_space<vmem>>) dst(%dma_wait3A_85 : memref<128x128xf32, #tpu.memory_space<vmem_shared>>)
      tpu.yield
    }) : () -> ()
    %mul3A_13 = arith.constant 640 : i32
    %mul3A_14 = arith.muli %arg1, %mul3A_13 : i32
    %add3A_15 = arith.constant 256 : i32
    %add3A_16 = arith.addi %mul3A_14, %add3A_15 : i32
    %run_scoped3A_17 = arith.constant 0 : i32
    "tpu.region"() ({
      %run_scoped3A_66 = tpu.sem_alloc : memref<!tpu.dma_semaphore, #tpu.memory_space<semaphore_mem>>
      %dma_start3A_67 = arith.constant 0 : i32
      %dma_start3A_68 = arith.constant 0 : i32
      %dma_start3A_69 = tpu.memref_slice %arg8[%run_scoped3A_17, %dma_start3A_67, %dma_start3A_68] : memref<2x128x128xf32, #tpu.memory_space<vmem>> -> memref<1x128x128xf32, #tpu.memory_space<vmem>>
      %dma_start3A_70 = tpu.memref_squeeze %dma_start3A_69 : memref<1x128x128xf32, #tpu.memory_space<vmem>> -> memref<128x128xf32, #tpu.memory_space<vmem>>
      %dma_start3A_71 = arith.constant 0 : i32
      %dma_start3A_72 = tpu.memref_slice %arg9[%add3A_16, %dma_start3A_71] : memref<10240x128xf32, #tpu.memory_space<vmem_shared>> -> memref<128x128xf32, #tpu.memory_space<vmem_shared>>
      %dma_start3A_73 = arith.constant 0 : i32
      %dma_start3A_74 = tpu.memref_slice %arg9[%add3A_16, %dma_start3A_73] : memref<10240x128xf32, #tpu.memory_space<vmem_shared>> -> memref<128x128xf32, #tpu.memory_space<vmem_shared>>
      %dma_start3A_75 = arith.constant 0 : i32
      %dma_start3A_76 = arith.constant 0 : i32
      %dma_start3A_77 = tpu.memref_slice %arg8[%run_scoped3A_17, %dma_start3A_75, %dma_start3A_76] : memref<2x128x128xf32, #tpu.memory_space<vmem>> -> memref<1x128x128xf32, #tpu.memory_space<vmem>>
      %dma_start3A_78 = tpu.memref_squeeze %dma_start3A_77 : memref<1x128x128xf32, #tpu.memory_space<vmem>> -> memref<128x128xf32, #tpu.memory_space<vmem>>
      tpu.enqueue_dma source(%dma_start3A_78 : memref<128x128xf32, #tpu.memory_space<vmem>>) target(%dma_start3A_74 : memref<128x128xf32, #tpu.memory_space<vmem_shared>>) target_semaphore(%run_scoped3A_66 : memref<!tpu.dma_semaphore, #tpu.memory_space<semaphore_mem>>)
      %dma_wait3A = arith.constant 0 : i32
      %dma_wait3A_79 = arith.constant 0 : i32
      %dma_wait3A_80 = tpu.memref_slice %arg8[%run_scoped3A_17, %dma_wait3A, %dma_wait3A_79] : memref<2x128x128xf32, #tpu.memory_space<vmem>> -> memref<1x128x128xf32, #tpu.memory_space<vmem>>
      %dma_wait3A_81 = tpu.memref_squeeze %dma_wait3A_80 : memref<1x128x128xf32, #tpu.memory_space<vmem>> -> memref<128x128xf32, #tpu.memory_space<vmem>>
      %dma_wait3A_82 = arith.constant 0 : i32
      %dma_wait3A_83 = tpu.memref_slice %arg9[%add3A_16, %dma_wait3A_82] : memref<10240x128xf32, #tpu.memory_space<vmem_shared>> -> memref<128x128xf32, #tpu.memory_space<vmem_shared>>
      %dma_wait3A_84 = arith.constant 0 : i32
      %dma_wait3A_85 = tpu.memref_slice %arg9[%add3A_16, %dma_wait3A_84] : memref<10240x128xf32, #tpu.memory_space<vmem_shared>> -> memref<128x128xf32, #tpu.memory_space<vmem_shared>>
      %dma_wait3A_86 = arith.constant 0 : i32
      %dma_wait3A_87 = arith.constant 0 : i32
      %dma_wait3A_88 = tpu.memref_slice %arg8[%run_scoped3A_17, %dma_wait3A_86, %dma_wait3A_87] : memref<2x128x128xf32, #tpu.memory_space<vmem>> -> memref<1x128x128xf32, #tpu.memory_space<vmem>>
      %dma_wait3A_89 = tpu.memref_squeeze %dma_wait3A_88 : memref<1x128x128xf32, #tpu.memory_space<vmem>> -> memref<128x128xf32, #tpu.memory_space<vmem>>
      tpu.wait_dma2 semaphore(%run_scoped3A_66 : memref<!tpu.dma_semaphore, #tpu.memory_space<semaphore_mem>>) src(%dma_wait3A_89 : memref<128x128xf32, #tpu.memory_space<vmem>>) dst(%dma_wait3A_85 : memref<128x128xf32, #tpu.memory_space<vmem_shared>>)
      tpu.yield
    }) : () -> ()
    %mul3A_18 = arith.constant 640 : i32
    %mul3A_19 = arith.muli %arg1, %mul3A_18 : i32
    %add3A_20 = arith.constant 384 : i32
    %add3A_21 = arith.addi %mul3A_19, %add3A_20 : i32
    %run_scoped3A_22 = arith.constant 0 : i32
    "tpu.region"() ({
      %run_scoped3A_66 = tpu.sem_alloc : memref<!tpu.dma_semaphore, #tpu.memory_space<semaphore_mem>>
      %dma_start3A_67 = arith.constant 0 : i32
      %dma_start3A_68 = arith.constant 0 : i32
      %dma_start3A_69 = tpu.memref_slice %arg8[%run_scoped3A_22, %dma_start3A_67, %dma_start3A_68] : memref<2x128x128xf32, #tpu.memory_space<vmem>> -> memref<1x128x128xf32, #tpu.memory_space<vmem>>
      %dma_start3A_70 = tpu.memref_squeeze %dma_start3A_69 : memref<1x128x128xf32, #tpu.memory_space<vmem>> -> memref<128x128xf32, #tpu.memory_space<vmem>>
      %dma_start3A_71 = arith.constant 0 : i32
      %dma_start3A_72 = tpu.memref_slice %arg9[%add3A_21, %dma_start3A_71] : memref<10240x128xf32, #tpu.memory_space<vmem_shared>> -> memref<128x128xf32, #tpu.memory_space<vmem_shared>>
      %dma_start3A_73 = arith.constant 0 : i32
      %dma_start3A_74 = tpu.memref_slice %arg9[%add3A_21, %dma_start3A_73] : memref<10240x128xf32, #tpu.memory_space<vmem_shared>> -> memref<128x128xf32, #tpu.memory_space<vmem_shared>>
      %dma_start3A_75 = arith.constant 0 : i32
      %dma_start3A_76 = arith.constant 0 : i32
      %dma_start3A_77 = tpu.memref_slice %arg8[%run_scoped3A_22, %dma_start3A_75, %dma_start3A_76] : memref<2x128x128xf32, #tpu.memory_space<vmem>> -> memref<1x128x128xf32, #tpu.memory_space<vmem>>
      %dma_start3A_78 = tpu.memref_squeeze %dma_start3A_77 : memref<1x128x128xf32, #tpu.memory_space<vmem>> -> memref<128x128xf32, #tpu.memory_space<vmem>>
      tpu.enqueue_dma source(%dma_start3A_78 : memref<128x128xf32, #tpu.memory_space<vmem>>) target(%dma_start3A_74 : memref<128x128xf32, #tpu.memory_space<vmem_shared>>) target_semaphore(%run_scoped3A_66 : memref<!tpu.dma_semaphore, #tpu.memory_space<semaphore_mem>>)
      %dma_wait3A = arith.constant 0 : i32
      %dma_wait3A_79 = arith.constant 0 : i32
      %dma_wait3A_80 = tpu.memref_slice %arg8[%run_scoped3A_22, %dma_wait3A, %dma_wait3A_79] : memref<2x128x128xf32, #tpu.memory_space<vmem>> -> memref<1x128x128xf32, #tpu.memory_space<vmem>>
      %dma_wait3A_81 = tpu.memref_squeeze %dma_wait3A_80 : memref<1x128x128xf32, #tpu.memory_space<vmem>> -> memref<128x128xf32, #tpu.memory_space<vmem>>
      %dma_wait3A_82 = arith.constant 0 : i32
      %dma_wait3A_83 = tpu.memref_slice %arg9[%add3A_21, %dma_wait3A_82] : memref<10240x128xf32, #tpu.memory_space<vmem_shared>> -> memref<128x128xf32, #tpu.memory_space<vmem_shared>>
      %dma_wait3A_84 = arith.constant 0 : i32
      %dma_wait3A_85 = tpu.memref_slice %arg9[%add3A_21, %dma_wait3A_84] : memref<10240x128xf32, #tpu.memory_space<vmem_shared>> -> memref<128x128xf32, #tpu.memory_space<vmem_shared>>
      %dma_wait3A_86 = arith.constant 0 : i32
      %dma_wait3A_87 = arith.constant 0 : i32
      %dma_wait3A_88 = tpu.memref_slice %arg8[%run_scoped3A_22, %dma_wait3A_86, %dma_wait3A_87] : memref<2x128x128xf32, #tpu.memory_space<vmem>> -> memref<1x128x128xf32, #tpu.memory_space<vmem>>
      %dma_wait3A_89 = tpu.memref_squeeze %dma_wait3A_88 : memref<1x128x128xf32, #tpu.memory_space<vmem>> -> memref<128x128xf32, #tpu.memory_space<vmem>>
      tpu.wait_dma2 semaphore(%run_scoped3A_66 : memref<!tpu.dma_semaphore, #tpu.memory_space<semaphore_mem>>) src(%dma_wait3A_89 : memref<128x128xf32, #tpu.memory_space<vmem>>) dst(%dma_wait3A_85 : memref<128x128xf32, #tpu.memory_space<vmem_shared>>)
      tpu.yield
    }) : () -> ()
    %mul3A_23 = arith.constant 640 : i32
    %mul3A_24 = arith.muli %arg1, %mul3A_23 : i32
    %add3A_25 = arith.constant 512 : i32
    %add3A_26 = arith.addi %mul3A_24, %add3A_25 : i32
    %run_scoped3A_27 = arith.constant 0 : i32
    "tpu.region"() ({
      %run_scoped3A_66 = tpu.sem_alloc : memref<!tpu.dma_semaphore, #tpu.memory_space<semaphore_mem>>
      %dma_start3A_67 = arith.constant 0 : i32
      %dma_start3A_68 = arith.constant 0 : i32
      %dma_start3A_69 = tpu.memref_slice %arg8[%run_scoped3A_27, %dma_start3A_67, %dma_start3A_68] : memref<2x128x128xf32, #tpu.memory_space<vmem>> -> memref<1x128x128xf32, #tpu.memory_space<vmem>>
      %dma_start3A_70 = tpu.memref_squeeze %dma_start3A_69 : memref<1x128x128xf32, #tpu.memory_space<vmem>> -> memref<128x128xf32, #tpu.memory_space<vmem>>
      %dma_start3A_71 = arith.constant 0 : i32
      %dma_start3A_72 = tpu.memref_slice %arg9[%add3A_26, %dma_start3A_71] : memref<10240x128xf32, #tpu.memory_space<vmem_shared>> -> memref<128x128xf32, #tpu.memory_space<vmem_shared>>
      %dma_start3A_73 = arith.constant 0 : i32
      %dma_start3A_74 = tpu.memref_slice %arg9[%add3A_26, %dma_start3A_73] : memref<10240x128xf32, #tpu.memory_space<vmem_shared>> -> memref<128x128xf32, #tpu.memory_space<vmem_shared>>
      %dma_start3A_75 = arith.constant 0 : i32
      %dma_start3A_76 = arith.constant 0 : i32
      %dma_start3A_77 = tpu.memref_slice %arg8[%run_scoped3A_27, %dma_start3A_75, %dma_start3A_76] : memref<2x128x128xf32, #tpu.memory_space<vmem>> -> memref<1x128x128xf32, #tpu.memory_space<vmem>>
      %dma_start3A_78 = tpu.memref_squeeze %dma_start3A_77 : memref<1x128x128xf32, #tpu.memory_space<vmem>> -> memref<128x128xf32, #tpu.memory_space<vmem>>
      tpu.enqueue_dma source(%dma_start3A_78 : memref<128x128xf32, #tpu.memory_space<vmem>>) target(%dma_start3A_74 : memref<128x128xf32, #tpu.memory_space<vmem_shared>>) target_semaphore(%run_scoped3A_66 : memref<!tpu.dma_semaphore, #tpu.memory_space<semaphore_mem>>)
      %dma_wait3A = arith.constant 0 : i32
      %dma_wait3A_79 = arith.constant 0 : i32
      %dma_wait3A_80 = tpu.memref_slice %arg8[%run_scoped3A_27, %dma_wait3A, %dma_wait3A_79] : memref<2x128x128xf32, #tpu.memory_space<vmem>> -> memref<1x128x128xf32, #tpu.memory_space<vmem>>
      %dma_wait3A_81 = tpu.memref_squeeze %dma_wait3A_80 : memref<1x128x128xf32, #tpu.memory_space<vmem>> -> memref<128x128xf32, #tpu.memory_space<vmem>>
      %dma_wait3A_82 = arith.constant 0 : i32
      %dma_wait3A_83 = tpu.memref_slice %arg9[%add3A_26, %dma_wait3A_82] : memref<10240x128xf32, #tpu.memory_space<vmem_shared>> -> memref<128x128xf32, #tpu.memory_space<vmem_shared>>
      %dma_wait3A_84 = arith.constant 0 : i32
      %dma_wait3A_85 = tpu.memref_slice %arg9[%add3A_26, %dma_wait3A_84] : memref<10240x128xf32, #tpu.memory_space<vmem_shared>> -> memref<128x128xf32, #tpu.memory_space<vmem_shared>>
      %dma_wait3A_86 = arith.constant 0 : i32
      %dma_wait3A_87 = arith.constant 0 : i32
      %dma_wait3A_88 = tpu.memref_slice %arg8[%run_scoped3A_27, %dma_wait3A_86, %dma_wait3A_87] : memref<2x128x128xf32, #tpu.memory_space<vmem>> -> memref<1x128x128xf32, #tpu.memory_space<vmem>>
      %dma_wait3A_89 = tpu.memref_squeeze %dma_wait3A_88 : memref<1x128x128xf32, #tpu.memory_space<vmem>> -> memref<128x128xf32, #tpu.memory_space<vmem>>
      tpu.wait_dma2 semaphore(%run_scoped3A_66 : memref<!tpu.dma_semaphore, #tpu.memory_space<semaphore_mem>>) src(%dma_wait3A_89 : memref<128x128xf32, #tpu.memory_space<vmem>>) dst(%dma_wait3A_85 : memref<128x128xf32, #tpu.memory_space<vmem_shared>>)
      tpu.yield
    }) : () -> ()
    %barrier3A = arith.constant 0 : index
    tpu.barrier barrier_id(%barrier3A)
    %run_scoped3A_28 = arith.constant 0 : i32
    "tpu.region"() ({
      %run_scoped3A_66 = tpu.sem_alloc : memref<!tpu.dma_semaphore, #tpu.memory_space<semaphore_mem>>
      %dma_start3A_67 = arith.constant 0 : i32
      %dma_start3A_68 = arith.constant 0 : i32
      %dma_start3A_69 = tpu.memref_slice %arg6[%run_scoped3A_28, %dma_start3A_67, %dma_start3A_68] : memref<2x8x128xi32, #tpu.memory_space<vmem>> -> memref<1x8x128xi32, #tpu.memory_space<vmem>>
      %dma_start3A_70 = tpu.memref_squeeze %dma_start3A_69 : memref<1x8x128xi32, #tpu.memory_space<vmem>> -> memref<8x128xi32, #tpu.memory_space<vmem>>
      %dma_start3A_71 = arith.constant 0 : i32
      %dma_start3A_72 = arith.constant 0 : i32
      %dma_start3A_73 = tpu.memref_slice %arg3[%arg0, %arg1, %dma_start3A_71, %dma_start3A_72] : memref<2x16x80x128xi32, #tpu.memory_space<hbm>> -> memref<1x1x8x128xi32, #tpu.memory_space<hbm>>
      %dma_start3A_74 = tpu.memref_squeeze %dma_start3A_73 : memref<1x1x8x128xi32, #tpu.memory_space<hbm>> -> memref<8x128xi32, #tpu.memory_space<hbm>>
      %dma_start3A_75 = arith.constant 0 : i32
      %dma_start3A_76 = arith.constant 0 : i32
      %dma_start3A_77 = tpu.memref_slice %arg6[%run_scoped3A_28, %dma_start3A_75, %dma_start3A_76] : memref<2x8x128xi32, #tpu.memory_space<vmem>> -> memref<1x8x128xi32, #tpu.memory_space<vmem>>
      %dma_start3A_78 = tpu.memref_squeeze %dma_start3A_77 : memref<1x8x128xi32, #tpu.memory_space<vmem>> -> memref<8x128xi32, #tpu.memory_space<vmem>>
      %dma_start3A_79 = arith.constant 0 : i32
      %dma_start3A_80 = arith.constant 0 : i32
      %dma_start3A_81 = tpu.memref_slice %arg3[%arg0, %arg1, %dma_start3A_79, %dma_start3A_80] : memref<2x16x80x128xi32, #tpu.memory_space<hbm>> -> memref<1x1x8x128xi32, #tpu.memory_space<hbm>>
      %dma_start3A_82 = tpu.memref_squeeze %dma_start3A_81 : memref<1x1x8x128xi32, #tpu.memory_space<hbm>> -> memref<8x128xi32, #tpu.memory_space<hbm>>
      tpu.enqueue_dma source(%dma_start3A_82 : memref<8x128xi32, #tpu.memory_space<hbm>>) target(%dma_start3A_78 : memref<8x128xi32, #tpu.memory_space<vmem>>) target_semaphore(%run_scoped3A_66 : memref<!tpu.dma_semaphore, #tpu.memory_space<semaphore_mem>>)
      %dma_wait3A = arith.constant 0 : i32
      %dma_wait3A_83 = arith.constant 0 : i32
      %dma_wait3A_84 = tpu.memref_slice %arg6[%run_scoped3A_28, %dma_wait3A, %dma_wait3A_83] : memref<2x8x128xi32, #tpu.memory_space<vmem>> -> memref<1x8x128xi32, #tpu.memory_space<vmem>>
      %dma_wait3A_85 = tpu.memref_squeeze %dma_wait3A_84 : memref<1x8x128xi32, #tpu.memory_space<vmem>> -> memref<8x128xi32, #tpu.memory_space<vmem>>
      %dma_wait3A_86 = arith.constant 0 : i32
      %dma_wait3A_87 = arith.constant 0 : i32
      %dma_wait3A_88 = tpu.memref_slice %arg3[%arg0, %arg1, %dma_wait3A_86, %dma_wait3A_87] : memref<2x16x80x128xi32, #tpu.memory_space<hbm>> -> memref<1x1x8x128xi32, #tpu.memory_space<hbm>>
      %dma_wait3A_89 = tpu.memref_squeeze %dma_wait3A_88 : memref<1x1x8x128xi32, #tpu.memory_space<hbm>> -> memref<8x128xi32, #tpu.memory_space<hbm>>
      %dma_wait3A_90 = arith.constant 0 : i32
      %dma_wait3A_91 = arith.constant 0 : i32
      %dma_wait3A_92 = tpu.memref_slice %arg6[%run_scoped3A_28, %dma_wait3A_90, %dma_wait3A_91] : memref<2x8x128xi32, #tpu.memory_space<vmem>> -> memref<1x8x128xi32, #tpu.memory_space<vmem>>
      %dma_wait3A_93 = tpu.memref_squeeze %dma_wait3A_92 : memref<1x8x128xi32, #tpu.memory_space<vmem>> -> memref<8x128xi32, #tpu.memory_space<vmem>>
      %dma_wait3A_94 = arith.constant 0 : i32
      %dma_wait3A_95 = arith.constant 0 : i32
      %dma_wait3A_96 = tpu.memref_slice %arg3[%arg0, %arg1, %dma_wait3A_94, %dma_wait3A_95] : memref<2x16x80x128xi32, #tpu.memory_space<hbm>> -> memref<1x1x8x128xi32, #tpu.memory_space<hbm>>
      %dma_wait3A_97 = tpu.memref_squeeze %dma_wait3A_96 : memref<1x1x8x128xi32, #tpu.memory_space<hbm>> -> memref<8x128xi32, #tpu.memory_space<hbm>>
      tpu.wait_dma2 semaphore(%run_scoped3A_66 : memref<!tpu.dma_semaphore, #tpu.memory_space<semaphore_mem>>) src(%dma_wait3A_97 : memref<8x128xi32, #tpu.memory_space<hbm>>) dst(%dma_wait3A_93 : memref<8x128xi32, #tpu.memory_space<vmem>>)
      tpu.yield
    }) : () -> ()
    %run_scoped3A_29 = arith.constant 0 : i32
    "tpu.region"() ({
      %run_scoped3A_66 = tpu.sem_alloc : memref<!tpu.dma_semaphore, #tpu.memory_space<semaphore_mem>>
      %dma_start3A_67 = arith.constant 0 : i32
      %dma_start3A_68 = arith.constant 0 : i32
      %dma_start3A_69 = tpu.memref_slice %arg7[%run_scoped3A_29, %dma_start3A_67, %dma_start3A_68] : memref<2x8x128xi32, #tpu.memory_space<vmem>> -> memref<1x8x128xi32, #tpu.memory_space<vmem>>
      %dma_start3A_70 = tpu.memref_squeeze %dma_start3A_69 : memref<1x8x128xi32, #tpu.memory_space<vmem>> -> memref<8x128xi32, #tpu.memory_space<vmem>>
      %dma_start3A_71 = arith.constant 0 : i32
      %dma_start3A_72 = arith.constant 0 : i32
      %dma_start3A_73 = tpu.memref_slice %arg4[%arg0, %arg1, %dma_start3A_71, %dma_start3A_72] : memref<2x16x80x128xi32, #tpu.memory_space<hbm>> -> memref<1x1x8x128xi32, #tpu.memory_space<hbm>>
      %dma_start3A_74 = tpu.memref_squeeze %dma_start3A_73 : memref<1x1x8x128xi32, #tpu.memory_space<hbm>> -> memref<8x128xi32, #tpu.memory_space<hbm>>
      %dma_start3A_75 = arith.constant 0 : i32
      %dma_start3A_76 = arith.constant 0 : i32
      %dma_start3A_77 = tpu.memref_slice %arg7[%run_scoped3A_29, %dma_start3A_75, %dma_start3A_76] : memref<2x8x128xi32, #tpu.memory_space<vmem>> -> memref<1x8x128xi32, #tpu.memory_space<vmem>>
      %dma_start3A_78 = tpu.memref_squeeze %dma_start3A_77 : memref<1x8x128xi32, #tpu.memory_space<vmem>> -> memref<8x128xi32, #tpu.memory_space<vmem>>
      %dma_start3A_79 = arith.constant 0 : i32
      %dma_start3A_80 = arith.constant 0 : i32
      %dma_start3A_81 = tpu.memref_slice %arg4[%arg0, %arg1, %dma_start3A_79, %dma_start3A_80] : memref<2x16x80x128xi32, #tpu.memory_space<hbm>> -> memref<1x1x8x128xi32, #tpu.memory_space<hbm>>
      %dma_start3A_82 = tpu.memref_squeeze %dma_start3A_81 : memref<1x1x8x128xi32, #tpu.memory_space<hbm>> -> memref<8x128xi32, #tpu.memory_space<hbm>>
      tpu.enqueue_dma source(%dma_start3A_82 : memref<8x128xi32, #tpu.memory_space<hbm>>) target(%dma_start3A_78 : memref<8x128xi32, #tpu.memory_space<vmem>>) target_semaphore(%run_scoped3A_66 : memref<!tpu.dma_semaphore, #tpu.memory_space<semaphore_mem>>)
      %dma_wait3A = arith.constant 0 : i32
      %dma_wait3A_83 = arith.constant 0 : i32
      %dma_wait3A_84 = tpu.memref_slice %arg7[%run_scoped3A_29, %dma_wait3A, %dma_wait3A_83] : memref<2x8x128xi32, #tpu.memory_space<vmem>> -> memref<1x8x128xi32, #tpu.memory_space<vmem>>
      %dma_wait3A_85 = tpu.memref_squeeze %dma_wait3A_84 : memref<1x8x128xi32, #tpu.memory_space<vmem>> -> memref<8x128xi32, #tpu.memory_space<vmem>>
      %dma_wait3A_86 = arith.constant 0 : i32
      %dma_wait3A_87 = arith.constant 0 : i32
      %dma_wait3A_88 = tpu.memref_slice %arg4[%arg0, %arg1, %dma_wait3A_86, %dma_wait3A_87] : memref<2x16x80x128xi32, #tpu.memory_space<hbm>> -> memref<1x1x8x128xi32, #tpu.memory_space<hbm>>
      %dma_wait3A_89 = tpu.memref_squeeze %dma_wait3A_88 : memref<1x1x8x128xi32, #tpu.memory_space<hbm>> -> memref<8x128xi32, #tpu.memory_space<hbm>>
      %dma_wait3A_90 = arith.constant 0 : i32
      %dma_wait3A_91 = arith.constant 0 : i32
      %dma_wait3A_92 = tpu.memref_slice %arg7[%run_scoped3A_29, %dma_wait3A_90, %dma_wait3A_91] : memref<2x8x128xi32, #tpu.memory_space<vmem>> -> memref<1x8x128xi32, #tpu.memory_space<vmem>>
      %dma_wait3A_93 = tpu.memref_squeeze %dma_wait3A_92 : memref<1x8x128xi32, #tpu.memory_space<vmem>> -> memref<8x128xi32, #tpu.memory_space<vmem>>
      %dma_wait3A_94 = arith.constant 0 : i32
      %dma_wait3A_95 = arith.constant 0 : i32
      %dma_wait3A_96 = tpu.memref_slice %arg4[%arg0, %arg1, %dma_wait3A_94, %dma_wait3A_95] : memref<2x16x80x128xi32, #tpu.memory_space<hbm>> -> memref<1x1x8x128xi32, #tpu.memory_space<hbm>>
      %dma_wait3A_97 = tpu.memref_squeeze %dma_wait3A_96 : memref<1x1x8x128xi32, #tpu.memory_space<hbm>> -> memref<8x128xi32, #tpu.memory_space<hbm>>
      tpu.wait_dma2 semaphore(%run_scoped3A_66 : memref<!tpu.dma_semaphore, #tpu.memory_space<semaphore_mem>>) src(%dma_wait3A_97 : memref<8x128xi32, #tpu.memory_space<hbm>>) dst(%dma_wait3A_93 : memref<8x128xi32, #tpu.memory_space<vmem>>)
      tpu.yield
    }) : () -> ()
    %dma_start3A = arith.constant 0 : i32
    %dma_start3A_30 = arith.constant 0 : i32
    %dma_start3A_31 = arith.constant 0 : i32
    %dma_start3A_32 = arith.constant 0 : i32
    %dma_start3A_33 = arith.constant 0 : i32
    %dma_start3A_34 = tpu.memref_slice %arg8[%dma_start3A_31, %dma_start3A_32, %dma_start3A_33] : memref<2x128x128xf32, #tpu.memory_space<vmem>> -> memref<1x128x128xf32, #tpu.memory_space<vmem>>
    %dma_start3A_35 = tpu.memref_squeeze %dma_start3A_34 : memref<1x128x128xf32, #tpu.memory_space<vmem>> -> memref<128x128xf32, #tpu.memory_space<vmem>>
    %dma_start3A_36 = arith.constant 0 : i32
    %dma_start3A_37 = tpu.memref_slice %arg6[%dma_start3A, %dma_start3A_30, %dma_start3A_36] : memref<2x8x128xi32, #tpu.memory_space<vmem>> -> memref<1x1x128xi32, #tpu.memory_space<vmem>>
    %dma_start3A_38 = tpu.memref_squeeze %dma_start3A_37 : memref<1x1x128xi32, #tpu.memory_space<vmem>> -> memref<128xi32, #tpu.memory_space<vmem>>
    %dma_start3A_39 = arith.constant 0 : i32
    %dma_start3A_40 = arith.constant 0 : i32
    %dma_start3A_41 = tpu.memref_slice %arg2[%dma_start3A_39, %dma_start3A_40] : memref<10240x128xf32, #tpu.memory_space<hbm>> -> memref<10240x128xf32, #tpu.memory_space<hbm>>
    tpu.enqueue_indirect_dma source(%dma_start3A_41 : memref<10240x128xf32, #tpu.memory_space<hbm>>) target(%dma_start3A_35 : memref<128x128xf32, #tpu.memory_space<vmem>>) offsets(%dma_start3A_38 : memref<128xi32, #tpu.memory_space<vmem>>) semaphore(%arg10 : memref<!tpu.dma_semaphore, #tpu.memory_space<semaphore_mem>>)
    %dma_start3A_42 = arith.constant 0 : i32
    %dma_start3A_43 = arith.constant 1 : i32
    %dma_start3A_44 = arith.constant 1 : i32
    %dma_start3A_45 = arith.constant 0 : i32
    %dma_start3A_46 = arith.constant 0 : i32
    %dma_start3A_47 = tpu.memref_slice %arg8[%dma_start3A_44, %dma_start3A_45, %dma_start3A_46] : memref<2x128x128xf32, #tpu.memory_space<vmem>> -> memref<1x128x128xf32, #tpu.memory_space<vmem>>
    %dma_start3A_48 = tpu.memref_squeeze %dma_start3A_47 : memref<1x128x128xf32, #tpu.memory_space<vmem>> -> memref<128x128xf32, #tpu.memory_space<vmem>>
    %dma_start3A_49 = arith.constant 0 : i32
    %dma_start3A_50 = tpu.memref_slice %arg6[%dma_start3A_42, %dma_start3A_43, %dma_start3A_49] : memref<2x8x128xi32, #tpu.memory_space<vmem>> -> memref<1x1x128xi32, #tpu.memory_space<vmem>>
    %dma_start3A_51 = tpu.memref_squeeze %dma_start3A_50 : memref<1x1x128xi32, #tpu.memory_space<vmem>> -> memref<128xi32, #tpu.memory_space<vmem>>
    %dma_start3A_52 = arith.constant 0 : i32
    %dma_start3A_53 = arith.constant 0 : i32
    %dma_start3A_54 = tpu.memref_slice %arg2[%dma_start3A_52, %dma_start3A_53] : memref<10240x128xf32, #tpu.memory_space<hbm>> -> memref<10240x128xf32, #tpu.memory_space<hbm>>
    tpu.enqueue_indirect_dma source(%dma_start3A_54 : memref<10240x128xf32, #tpu.memory_space<hbm>>) target(%dma_start3A_48 : memref<128x128xf32, #tpu.memory_space<vmem>>) offsets(%dma_start3A_51 : memref<128xi32, #tpu.memory_space<vmem>>) semaphore(%arg10 : memref<!tpu.dma_semaphore, #tpu.memory_space<semaphore_mem>>)
    %scan3A_55 = arith.constant 0 : i32
    %scan3A_56 = arith.constant 0 : i32
    %scan3A_57 = arith.constant 10 : i32
    %scan3A_58 = arith.addi %scan3A_56, %scan3A_57 : i32
    %scan3A_59 = arith.constant 1 : i32
    scf.for %scan3A_66 = %scan3A_56 to %scan3A_58 step %scan3A_59  : i32 {
      %jit3A = arith.constant 2 : i32
      %eq3A = arith.constant 0 : i32
      %eq3A_67 = arith.cmpi eq, %jit3A, %eq3A : i32
      %jit3A_68 = arith.constant 1 : i32
      %select_n3A = arith.select %eq3A_67, %jit3A_68, %jit3A : i32
      %rem3A = arith.remsi %scan3A_66, %select_n3A : i32
      %ne3A = arith.constant 0 : i32
      %ne3A_69 = arith.cmpi ne, %rem3A, %ne3A : i32
      %lt3A = arith.constant 0 : i32
      %lt3A_70 = arith.cmpi slt, %rem3A, %lt3A : i32
      %lt3A_71 = arith.constant 0 : i32
      %lt3A_72 = arith.cmpi slt, %select_n3A, %lt3A_71 : i32
      %ne3A_73 = arith.xori %lt3A_70, %lt3A_72 : i1
      %and3A = arith.andi %ne3A_73, %ne3A_69 : i1
      %add3A_74 = arith.addi %rem3A, %select_n3A : i32
      %select_n3A_75 = arith.select %and3A, %add3A_74, %rem3A : i32
      %sub3A = arith.constant 1 : i32
      %sub3A_76 = arith.subi %sub3A, %select_n3A_75 : i32
      %add3A_77 = arith.constant 1 : i32
      %add3A_78 = arith.addi %scan3A_66, %add3A_77 : i32
      %lt3A_79 = arith.constant 10 : i32
      %lt3A_80 = arith.cmpi slt, %add3A_78, %lt3A_79 : i32
      %convert_element_type3A = arith.extui %lt3A_80 : i1 to i32
      %cond3A = arith.constant 0 : i32
      %cond3A_81 = arith.cmpi ne, %convert_element_type3A, %cond3A : i32
      scf.if %cond3A_81 {
        %add3A_286 = arith.constant 1 : i32
        %add3A_287 = arith.addi %scan3A_66, %add3A_286 : i32
        %mul3A_288 = arith.constant 8 : i32
        %mul3A_289 = arith.muli %add3A_287, %mul3A_288 : i32
        %dma_start3A_290 = arith.constant 0 : i32
        %dma_start3A_291 = arith.constant 0 : i32
        %dma_start3A_292 = tpu.memref_slice %arg6[%sub3A_76, %dma_start3A_290, %dma_start3A_291] : memref<2x8x128xi32, #tpu.memory_space<vmem>> -> memref<1x8x128xi32, #tpu.memory_space<vmem>>
        %dma_start3A_293 = tpu.memref_squeeze %dma_start3A_292 : memref<1x8x128xi32, #tpu.memory_space<vmem>> -> memref<8x128xi32, #tpu.memory_space<vmem>>
        %dma_start3A_294 = arith.constant 0 : i32
        %dma_start3A_295 = tpu.memref_slice %arg3[%arg0, %arg1, %mul3A_289, %dma_start3A_294] : memref<2x16x80x128xi32, #tpu.memory_space<hbm>> -> memref<1x1x8x128xi32, #tpu.memory_space<hbm>>
        %dma_start3A_296 = tpu.memref_squeeze %dma_start3A_295 : memref<1x1x8x128xi32, #tpu.memory_space<hbm>> -> memref<8x128xi32, #tpu.memory_space<hbm>>
        %dma_start3A_297 = arith.constant 0 : i32
        %dma_start3A_298 = arith.constant 0 : i32
        %dma_start3A_299 = tpu.memref_slice %arg6[%sub3A_76, %dma_start3A_297, %dma_start3A_298] : memref<2x8x128xi32, #tpu.memory_space<vmem>> -> memref<1x8x128xi32, #tpu.memory_space<vmem>>
        %dma_start3A_300 = tpu.memref_squeeze %dma_start3A_299 : memref<1x8x128xi32, #tpu.memory_space<vmem>> -> memref<8x128xi32, #tpu.memory_space<vmem>>
        %dma_start3A_301 = arith.constant 0 : i32
        %dma_start3A_302 = tpu.memref_slice %arg3[%arg0, %arg1, %mul3A_289, %dma_start3A_301] : memref<2x16x80x128xi32, #tpu.memory_space<hbm>> -> memref<1x1x8x128xi32, #tpu.memory_space<hbm>>
        %dma_start3A_303 = tpu.memref_squeeze %dma_start3A_302 : memref<1x1x8x128xi32, #tpu.memory_space<hbm>> -> memref<8x128xi32, #tpu.memory_space<hbm>>
        tpu.enqueue_dma source(%dma_start3A_303 : memref<8x128xi32, #tpu.memory_space<hbm>>) target(%dma_start3A_300 : memref<8x128xi32, #tpu.memory_space<vmem>>) target_semaphore(%arg11 : memref<!tpu.dma_semaphore, #tpu.memory_space<semaphore_mem>>)
        %add3A_304 = arith.constant 1 : i32
        %add3A_305 = arith.addi %scan3A_66, %add3A_304 : i32
        %mul3A_306 = arith.constant 8 : i32
        %mul3A_307 = arith.muli %add3A_305, %mul3A_306 : i32
        %dma_start3A_308 = arith.constant 0 : i32
        %dma_start3A_309 = arith.constant 0 : i32
        %dma_start3A_310 = tpu.memref_slice %arg7[%sub3A_76, %dma_start3A_308, %dma_start3A_309] : memref<2x8x128xi32, #tpu.memory_space<vmem>> -> memref<1x8x128xi32, #tpu.memory_space<vmem>>
        %dma_start3A_311 = tpu.memref_squeeze %dma_start3A_310 : memref<1x8x128xi32, #tpu.memory_space<vmem>> -> memref<8x128xi32, #tpu.memory_space<vmem>>
        %dma_start3A_312 = arith.constant 0 : i32
        %dma_start3A_313 = tpu.memref_slice %arg4[%arg0, %arg1, %mul3A_307, %dma_start3A_312] : memref<2x16x80x128xi32, #tpu.memory_space<hbm>> -> memref<1x1x8x128xi32, #tpu.memory_space<hbm>>
        %dma_start3A_314 = tpu.memref_squeeze %dma_start3A_313 : memref<1x1x8x128xi32, #tpu.memory_space<hbm>> -> memref<8x128xi32, #tpu.memory_space<hbm>>
        %dma_start3A_315 = arith.constant 0 : i32
        %dma_start3A_316 = arith.constant 0 : i32
        %dma_start3A_317 = tpu.memref_slice %arg7[%sub3A_76, %dma_start3A_315, %dma_start3A_316] : memref<2x8x128xi32, #tpu.memory_space<vmem>> -> memref<1x8x128xi32, #tpu.memory_space<vmem>>
        %dma_start3A_318 = tpu.memref_squeeze %dma_start3A_317 : memref<1x8x128xi32, #tpu.memory_space<vmem>> -> memref<8x128xi32, #tpu.memory_space<vmem>>
        %dma_start3A_319 = arith.constant 0 : i32
        %dma_start3A_320 = tpu.memref_slice %arg4[%arg0, %arg1, %mul3A_307, %dma_start3A_319] : memref<2x16x80x128xi32, #tpu.memory_space<hbm>> -> memref<1x1x8x128xi32, #tpu.memory_space<hbm>>
        %dma_start3A_321 = tpu.memref_squeeze %dma_start3A_320 : memref<1x1x8x128xi32, #tpu.memory_space<hbm>> -> memref<8x128xi32, #tpu.memory_space<hbm>>
        tpu.enqueue_dma source(%dma_start3A_321 : memref<8x128xi32, #tpu.memory_space<hbm>>) target(%dma_start3A_318 : memref<8x128xi32, #tpu.memory_space<vmem>>) target_semaphore(%arg11 : memref<!tpu.dma_semaphore, #tpu.memory_space<semaphore_mem>>)
      } else {
      }
      %dma_wait3A = arith.constant 0 : i32
      %dma_wait3A_82 = arith.constant 0 : i32
      %dma_wait3A_83 = arith.constant 0 : i32
      %dma_wait3A_84 = arith.constant 0 : i32
      %dma_wait3A_85 = tpu.memref_slice %arg8[%dma_wait3A_82, %dma_wait3A_83, %dma_wait3A_84] : memref<2x128x128xf32, #tpu.memory_space<vmem>> -> memref<1x128x128xf32, #tpu.memory_space<vmem>>
      %dma_wait3A_86 = tpu.memref_squeeze %dma_wait3A_85 : memref<1x128x128xf32, #tpu.memory_space<vmem>> -> memref<128x128xf32, #tpu.memory_space<vmem>>
      %dma_wait3A_87 = arith.constant 0 : i32
      %dma_wait3A_88 = tpu.memref_slice %arg6[%select_n3A_75, %dma_wait3A, %dma_wait3A_87] : memref<2x8x128xi32, #tpu.memory_space<vmem>> -> memref<1x1x128xi32, #tpu.memory_space<vmem>>
      %dma_wait3A_89 = tpu.memref_squeeze %dma_wait3A_88 : memref<1x1x128xi32, #tpu.memory_space<vmem>> -> memref<128xi32, #tpu.memory_space<vmem>>
      %dma_wait3A_90 = arith.constant 0 : i32
      %dma_wait3A_91 = arith.constant 0 : i32
      %dma_wait3A_92 = tpu.memref_slice %arg2[%dma_wait3A_90, %dma_wait3A_91] : memref<10240x128xf32, #tpu.memory_space<hbm>> -> memref<10240x128xf32, #tpu.memory_space<hbm>>
      tpu.wait_indirect_dma semaphore(%arg10 : memref<!tpu.dma_semaphore, #tpu.memory_space<semaphore_mem>>) src(%dma_wait3A_92 : memref<10240x128xf32, #tpu.memory_space<hbm>>) dst(%dma_wait3A_86 : memref<128x128xf32, #tpu.memory_space<vmem>>)
      %run_scoped3A_93 = arith.constant 0 : i32
      %run_scoped3A_94 = arith.constant 0 : i32
      "tpu.region"() ({
        %run_scoped3A_286 = tpu.sem_alloc : memref<!tpu.dma_semaphore, #tpu.memory_space<semaphore_mem>>
        %dma_start3A_287 = arith.constant 0 : i32
        %dma_start3A_288 = arith.constant 0 : i32
        %dma_start3A_289 = tpu.memref_slice %arg8[%run_scoped3A_93, %dma_start3A_287, %dma_start3A_288] : memref<2x128x128xf32, #tpu.memory_space<vmem>> -> memref<1x128x128xf32, #tpu.memory_space<vmem>>
        %dma_start3A_290 = tpu.memref_squeeze %dma_start3A_289 : memref<1x128x128xf32, #tpu.memory_space<vmem>> -> memref<128x128xf32, #tpu.memory_space<vmem>>
        %dma_start3A_291 = arith.constant 0 : i32
        %dma_start3A_292 = tpu.memref_slice %arg7[%select_n3A_75, %run_scoped3A_94, %dma_start3A_291] : memref<2x8x128xi32, #tpu.memory_space<vmem>> -> memref<1x1x128xi32, #tpu.memory_space<vmem>>
        %dma_start3A_293 = tpu.memref_squeeze %dma_start3A_292 : memref<1x1x128xi32, #tpu.memory_space<vmem>> -> memref<128xi32, #tpu.memory_space<vmem>>
        %dma_start3A_294 = arith.constant 0 : i32
        %dma_start3A_295 = arith.constant 0 : i32
        %dma_start3A_296 = tpu.memref_slice %arg9[%dma_start3A_294, %dma_start3A_295] : memref<10240x128xf32, #tpu.memory_space<vmem_shared>> -> memref<10240x128xf32, #tpu.memory_space<vmem_shared>>
        tpu.enqueue_indirect_dma source(%dma_start3A_290 : memref<128x128xf32, #tpu.memory_space<vmem>>) target(%dma_start3A_296 : memref<10240x128xf32, #tpu.memory_space<vmem_shared>>) offsets(%dma_start3A_293 : memref<128xi32, #tpu.memory_space<vmem>>) semaphore(%run_scoped3A_286 : memref<!tpu.dma_semaphore, #tpu.memory_space<semaphore_mem>>) {add = true}
        %dma_wait3A_297 = arith.constant 0 : i32
        %dma_wait3A_298 = arith.constant 0 : i32
        %dma_wait3A_299 = tpu.memref_slice %arg8[%run_scoped3A_93, %dma_wait3A_297, %dma_wait3A_298] : memref<2x128x128xf32, #tpu.memory_space<vmem>> -> memref<1x128x128xf32, #tpu.memory_space<vmem>>
        %dma_wait3A_300 = tpu.memref_squeeze %dma_wait3A_299 : memref<1x128x128xf32, #tpu.memory_space<vmem>> -> memref<128x128xf32, #tpu.memory_space<vmem>>
        %dma_wait3A_301 = arith.constant 0 : i32
        %dma_wait3A_302 = tpu.memref_slice %arg7[%select_n3A_75, %run_scoped3A_94, %dma_wait3A_301] : memref<2x8x128xi32, #tpu.memory_space<vmem>> -> memref<1x1x128xi32, #tpu.memory_space<vmem>>
        %dma_wait3A_303 = tpu.memref_squeeze %dma_wait3A_302 : memref<1x1x128xi32, #tpu.memory_space<vmem>> -> memref<128xi32, #tpu.memory_space<vmem>>
        %dma_wait3A_304 = arith.constant 0 : i32
        %dma_wait3A_305 = arith.constant 0 : i32
        %dma_wait3A_306 = tpu.memref_slice %arg9[%dma_wait3A_304, %dma_wait3A_305] : memref<10240x128xf32, #tpu.memory_space<vmem_shared>> -> memref<10240x128xf32, #tpu.memory_space<vmem_shared>>
        tpu.wait_indirect_dma semaphore(%run_scoped3A_286 : memref<!tpu.dma_semaphore, #tpu.memory_space<semaphore_mem>>) src(%dma_wait3A_300 : memref<128x128xf32, #tpu.memory_space<vmem>>) dst(%dma_wait3A_306 : memref<10240x128xf32, #tpu.memory_space<vmem_shared>>)
        tpu.yield
      }) : () -> ()
      %dma_start3A_95 = arith.constant 2 : i32
      %dma_start3A_96 = arith.constant 0 : i32
      %dma_start3A_97 = arith.constant 0 : i32
      %dma_start3A_98 = arith.constant 0 : i32
      %dma_start3A_99 = tpu.memref_slice %arg8[%dma_start3A_96, %dma_start3A_97, %dma_start3A_98] : memref<2x128x128xf32, #tpu.memory_space<vmem>> -> memref<1x128x128xf32, #tpu.memory_space<vmem>>
      %dma_start3A_100 = tpu.memref_squeeze %dma_start3A_99 : memref<1x128x128xf32, #tpu.memory_space<vmem>> -> memref<128x128xf32, #tpu.memory_space<vmem>>
      %dma_start3A_101 = arith.constant 0 : i32
      %dma_start3A_102 = tpu.memref_slice %arg6[%select_n3A_75, %dma_start3A_95, %dma_start3A_101] : memref<2x8x128xi32, #tpu.memory_space<vmem>> -> memref<1x1x128xi32, #tpu.memory_space<vmem>>
      %dma_start3A_103 = tpu.memref_squeeze %dma_start3A_102 : memref<1x1x128xi32, #tpu.memory_space<vmem>> -> memref<128xi32, #tpu.memory_space<vmem>>
      %dma_start3A_104 = arith.constant 0 : i32
      %dma_start3A_105 = arith.constant 0 : i32
      %dma_start3A_106 = tpu.memref_slice %arg2[%dma_start3A_104, %dma_start3A_105] : memref<10240x128xf32, #tpu.memory_space<hbm>> -> memref<10240x128xf32, #tpu.memory_space<hbm>>
      tpu.enqueue_indirect_dma source(%dma_start3A_106 : memref<10240x128xf32, #tpu.memory_space<hbm>>) target(%dma_start3A_100 : memref<128x128xf32, #tpu.memory_space<vmem>>) offsets(%dma_start3A_103 : memref<128xi32, #tpu.memory_space<vmem>>) semaphore(%arg10 : memref<!tpu.dma_semaphore, #tpu.memory_space<semaphore_mem>>)
      %dma_wait3A_107 = arith.constant 1 : i32
      %dma_wait3A_108 = arith.constant 1 : i32
      %dma_wait3A_109 = arith.constant 0 : i32
      %dma_wait3A_110 = arith.constant 0 : i32
      %dma_wait3A_111 = tpu.memref_slice %arg8[%dma_wait3A_108, %dma_wait3A_109, %dma_wait3A_110] : memref<2x128x128xf32, #tpu.memory_space<vmem>> -> memref<1x128x128xf32, #tpu.memory_space<vmem>>
      %dma_wait3A_112 = tpu.memref_squeeze %dma_wait3A_111 : memref<1x128x128xf32, #tpu.memory_space<vmem>> -> memref<128x128xf32, #tpu.memory_space<vmem>>
      %dma_wait3A_113 = arith.constant 0 : i32
      %dma_wait3A_114 = tpu.memref_slice %arg6[%select_n3A_75, %dma_wait3A_107, %dma_wait3A_113] : memref<2x8x128xi32, #tpu.memory_space<vmem>> -> memref<1x1x128xi32, #tpu.memory_space<vmem>>
      %dma_wait3A_115 = tpu.memref_squeeze %dma_wait3A_114 : memref<1x1x128xi32, #tpu.memory_space<vmem>> -> memref<128xi32, #tpu.memory_space<vmem>>
      %dma_wait3A_116 = arith.constant 0 : i32
      %dma_wait3A_117 = arith.constant 0 : i32
      %dma_wait3A_118 = tpu.memref_slice %arg2[%dma_wait3A_116, %dma_wait3A_117] : memref<10240x128xf32, #tpu.memory_space<hbm>> -> memref<10240x128xf32, #tpu.memory_space<hbm>>
      tpu.wait_indirect_dma semaphore(%arg10 : memref<!tpu.dma_semaphore, #tpu.memory_space<semaphore_mem>>) src(%dma_wait3A_118 : memref<10240x128xf32, #tpu.memory_space<hbm>>) dst(%dma_wait3A_112 : memref<128x128xf32, #tpu.memory_space<vmem>>)
      %run_scoped3A_119 = arith.constant 1 : i32
      %run_scoped3A_120 = arith.constant 1 : i32
      "tpu.region"() ({
        %run_scoped3A_286 = tpu.sem_alloc : memref<!tpu.dma_semaphore, #tpu.memory_space<semaphore_mem>>
        %dma_start3A_287 = arith.constant 0 : i32
        %dma_start3A_288 = arith.constant 0 : i32
        %dma_start3A_289 = tpu.memref_slice %arg8[%run_scoped3A_119, %dma_start3A_287, %dma_start3A_288] : memref<2x128x128xf32, #tpu.memory_space<vmem>> -> memref<1x128x128xf32, #tpu.memory_space<vmem>>
        %dma_start3A_290 = tpu.memref_squeeze %dma_start3A_289 : memref<1x128x128xf32, #tpu.memory_space<vmem>> -> memref<128x128xf32, #tpu.memory_space<vmem>>
        %dma_start3A_291 = arith.constant 0 : i32
        %dma_start3A_292 = tpu.memref_slice %arg7[%select_n3A_75, %run_scoped3A_120, %dma_start3A_291] : memref<2x8x128xi32, #tpu.memory_space<vmem>> -> memref<1x1x128xi32, #tpu.memory_space<vmem>>
        %dma_start3A_293 = tpu.memref_squeeze %dma_start3A_292 : memref<1x1x128xi32, #tpu.memory_space<vmem>> -> memref<128xi32, #tpu.memory_space<vmem>>
        %dma_start3A_294 = arith.constant 0 : i32
        %dma_start3A_295 = arith.constant 0 : i32
        %dma_start3A_296 = tpu.memref_slice %arg9[%dma_start3A_294, %dma_start3A_295] : memref<10240x128xf32, #tpu.memory_space<vmem_shared>> -> memref<10240x128xf32, #tpu.memory_space<vmem_shared>>
        tpu.enqueue_indirect_dma source(%dma_start3A_290 : memref<128x128xf32, #tpu.memory_space<vmem>>) target(%dma_start3A_296 : memref<10240x128xf32, #tpu.memory_space<vmem_shared>>) offsets(%dma_start3A_293 : memref<128xi32, #tpu.memory_space<vmem>>) semaphore(%run_scoped3A_286 : memref<!tpu.dma_semaphore, #tpu.memory_space<semaphore_mem>>) {add = true}
        %dma_wait3A_297 = arith.constant 0 : i32
        %dma_wait3A_298 = arith.constant 0 : i32
        %dma_wait3A_299 = tpu.memref_slice %arg8[%run_scoped3A_119, %dma_wait3A_297, %dma_wait3A_298] : memref<2x128x128xf32, #tpu.memory_space<vmem>> -> memref<1x128x128xf32, #tpu.memory_space<vmem>>
        %dma_wait3A_300 = tpu.memref_squeeze %dma_wait3A_299 : memref<1x128x128xf32, #tpu.memory_space<vmem>> -> memref<128x128xf32, #tpu.memory_space<vmem>>
        %dma_wait3A_301 = arith.constant 0 : i32
        %dma_wait3A_302 = tpu.memref_slice %arg7[%select_n3A_75, %run_scoped3A_120, %dma_wait3A_301] : memref<2x8x128xi32, #tpu.memory_space<vmem>> -> memref<1x1x128xi32, #tpu.memory_space<vmem>>
        %dma_wait3A_303 = tpu.memref_squeeze %dma_wait3A_302 : memref<1x1x128xi32, #tpu.memory_space<vmem>> -> memref<128xi32, #tpu.memory_space<vmem>>
        %dma_wait3A_304 = arith.constant 0 : i32
        %dma_wait3A_305 = arith.constant 0 : i32
        %dma_wait3A_306 = tpu.memref_slice %arg9[%dma_wait3A_304, %dma_wait3A_305] : memref<10240x128xf32, #tpu.memory_space<vmem_shared>> -> memref<10240x128xf32, #tpu.memory_space<vmem_shared>>
        tpu.wait_indirect_dma semaphore(%run_scoped3A_286 : memref<!tpu.dma_semaphore, #tpu.memory_space<semaphore_mem>>) src(%dma_wait3A_300 : memref<128x128xf32, #tpu.memory_space<vmem>>) dst(%dma_wait3A_306 : memref<10240x128xf32, #tpu.memory_space<vmem_shared>>)
        tpu.yield
      }) : () -> ()
      %dma_start3A_121 = arith.constant 3 : i32
      %dma_start3A_122 = arith.constant 1 : i32
      %dma_start3A_123 = arith.constant 0 : i32
      %dma_start3A_124 = arith.constant 0 : i32
      %dma_start3A_125 = tpu.memref_slice %arg8[%dma_start3A_122, %dma_start3A_123, %dma_start3A_124] : memref<2x128x128xf32, #tpu.memory_space<vmem>> -> memref<1x128x128xf32, #tpu.memory_space<vmem>>
      %dma_start3A_126 = tpu.memref_squeeze %dma_start3A_125 : memref<1x128x128xf32, #tpu.memory_space<vmem>> -> memref<128x128xf32, #tpu.memory_space<vmem>>
      %dma_start3A_127 = arith.constant 0 : i32
      %dma_start3A_128 = tpu.memref_slice %arg6[%select_n3A_75, %dma_start3A_121, %dma_start3A_127] : memref<2x8x128xi32, #tpu.memory_space<vmem>> -> memref<1x1x128xi32, #tpu.memory_space<vmem>>
      %dma_start3A_129 = tpu.memref_squeeze %dma_start3A_128 : memref<1x1x128xi32, #tpu.memory_space<vmem>> -> memref<128xi32, #tpu.memory_space<vmem>>
      %dma_start3A_130 = arith.constant 0 : i32
      %dma_start3A_131 = arith.constant 0 : i32
      %dma_start3A_132 = tpu.memref_slice %arg2[%dma_start3A_130, %dma_start3A_131] : memref<10240x128xf32, #tpu.memory_space<hbm>> -> memref<10240x128xf32, #tpu.memory_space<hbm>>
      tpu.enqueue_indirect_dma source(%dma_start3A_132 : memref<10240x128xf32, #tpu.memory_space<hbm>>) target(%dma_start3A_126 : memref<128x128xf32, #tpu.memory_space<vmem>>) offsets(%dma_start3A_129 : memref<128xi32, #tpu.memory_space<vmem>>) semaphore(%arg10 : memref<!tpu.dma_semaphore, #tpu.memory_space<semaphore_mem>>)
      %dma_wait3A_133 = arith.constant 2 : i32
      %dma_wait3A_134 = arith.constant 0 : i32
      %dma_wait3A_135 = arith.constant 0 : i32
      %dma_wait3A_136 = arith.constant 0 : i32
      %dma_wait3A_137 = tpu.memref_slice %arg8[%dma_wait3A_134, %dma_wait3A_135, %dma_wait3A_136] : memref<2x128x128xf32, #tpu.memory_space<vmem>> -> memref<1x128x128xf32, #tpu.memory_space<vmem>>
      %dma_wait3A_138 = tpu.memref_squeeze %dma_wait3A_137 : memref<1x128x128xf32, #tpu.memory_space<vmem>> -> memref<128x128xf32, #tpu.memory_space<vmem>>
      %dma_wait3A_139 = arith.constant 0 : i32
      %dma_wait3A_140 = tpu.memref_slice %arg6[%select_n3A_75, %dma_wait3A_133, %dma_wait3A_139] : memref<2x8x128xi32, #tpu.memory_space<vmem>> -> memref<1x1x128xi32, #tpu.memory_space<vmem>>
      %dma_wait3A_141 = tpu.memref_squeeze %dma_wait3A_140 : memref<1x1x128xi32, #tpu.memory_space<vmem>> -> memref<128xi32, #tpu.memory_space<vmem>>
      %dma_wait3A_142 = arith.constant 0 : i32
      %dma_wait3A_143 = arith.constant 0 : i32
      %dma_wait3A_144 = tpu.memref_slice %arg2[%dma_wait3A_142, %dma_wait3A_143] : memref<10240x128xf32, #tpu.memory_space<hbm>> -> memref<10240x128xf32, #tpu.memory_space<hbm>>
      tpu.wait_indirect_dma semaphore(%arg10 : memref<!tpu.dma_semaphore, #tpu.memory_space<semaphore_mem>>) src(%dma_wait3A_144 : memref<10240x128xf32, #tpu.memory_space<hbm>>) dst(%dma_wait3A_138 : memref<128x128xf32, #tpu.memory_space<vmem>>)
      %run_scoped3A_145 = arith.constant 0 : i32
      %run_scoped3A_146 = arith.constant 2 : i32
      "tpu.region"() ({
        %run_scoped3A_286 = tpu.sem_alloc : memref<!tpu.dma_semaphore, #tpu.memory_space<semaphore_mem>>
        %dma_start3A_287 = arith.constant 0 : i32
        %dma_start3A_288 = arith.constant 0 : i32
        %dma_start3A_289 = tpu.memref_slice %arg8[%run_scoped3A_145, %dma_start3A_287, %dma_start3A_288] : memref<2x128x128xf32, #tpu.memory_space<vmem>> -> memref<1x128x128xf32, #tpu.memory_space<vmem>>
        %dma_start3A_290 = tpu.memref_squeeze %dma_start3A_289 : memref<1x128x128xf32, #tpu.memory_space<vmem>> -> memref<128x128xf32, #tpu.memory_space<vmem>>
        %dma_start3A_291 = arith.constant 0 : i32
        %dma_start3A_292 = tpu.memref_slice %arg7[%select_n3A_75, %run_scoped3A_146, %dma_start3A_291] : memref<2x8x128xi32, #tpu.memory_space<vmem>> -> memref<1x1x128xi32, #tpu.memory_space<vmem>>
        %dma_start3A_293 = tpu.memref_squeeze %dma_start3A_292 : memref<1x1x128xi32, #tpu.memory_space<vmem>> -> memref<128xi32, #tpu.memory_space<vmem>>
        %dma_start3A_294 = arith.constant 0 : i32
        %dma_start3A_295 = arith.constant 0 : i32
        %dma_start3A_296 = tpu.memref_slice %arg9[%dma_start3A_294, %dma_start3A_295] : memref<10240x128xf32, #tpu.memory_space<vmem_shared>> -> memref<10240x128xf32, #tpu.memory_space<vmem_shared>>
        tpu.enqueue_indirect_dma source(%dma_start3A_290 : memref<128x128xf32, #tpu.memory_space<vmem>>) target(%dma_start3A_296 : memref<10240x128xf32, #tpu.memory_space<vmem_shared>>) offsets(%dma_start3A_293 : memref<128xi32, #tpu.memory_space<vmem>>) semaphore(%run_scoped3A_286 : memref<!tpu.dma_semaphore, #tpu.memory_space<semaphore_mem>>) {add = true}
        %dma_wait3A_297 = arith.constant 0 : i32
        %dma_wait3A_298 = arith.constant 0 : i32
        %dma_wait3A_299 = tpu.memref_slice %arg8[%run_scoped3A_145, %dma_wait3A_297, %dma_wait3A_298] : memref<2x128x128xf32, #tpu.memory_space<vmem>> -> memref<1x128x128xf32, #tpu.memory_space<vmem>>
        %dma_wait3A_300 = tpu.memref_squeeze %dma_wait3A_299 : memref<1x128x128xf32, #tpu.memory_space<vmem>> -> memref<128x128xf32, #tpu.memory_space<vmem>>
        %dma_wait3A_301 = arith.constant 0 : i32
        %dma_wait3A_302 = tpu.memref_slice %arg7[%select_n3A_75, %run_scoped3A_146, %dma_wait3A_301] : memref<2x8x128xi32, #tpu.memory_space<vmem>> -> memref<1x1x128xi32, #tpu.memory_space<vmem>>
        %dma_wait3A_303 = tpu.memref_squeeze %dma_wait3A_302 : memref<1x1x128xi32, #tpu.memory_space<vmem>> -> memref<128xi32, #tpu.memory_space<vmem>>
        %dma_wait3A_304 = arith.constant 0 : i32
        %dma_wait3A_305 = arith.constant 0 : i32
        %dma_wait3A_306 = tpu.memref_slice %arg9[%dma_wait3A_304, %dma_wait3A_305] : memref<10240x128xf32, #tpu.memory_space<vmem_shared>> -> memref<10240x128xf32, #tpu.memory_space<vmem_shared>>
        tpu.wait_indirect_dma semaphore(%run_scoped3A_286 : memref<!tpu.dma_semaphore, #tpu.memory_space<semaphore_mem>>) src(%dma_wait3A_300 : memref<128x128xf32, #tpu.memory_space<vmem>>) dst(%dma_wait3A_306 : memref<10240x128xf32, #tpu.memory_space<vmem_shared>>)
        tpu.yield
      }) : () -> ()
      %dma_start3A_147 = arith.constant 4 : i32
      %dma_start3A_148 = arith.constant 0 : i32
      %dma_start3A_149 = arith.constant 0 : i32
      %dma_start3A_150 = arith.constant 0 : i32
      %dma_start3A_151 = tpu.memref_slice %arg8[%dma_start3A_148, %dma_start3A_149, %dma_start3A_150] : memref<2x128x128xf32, #tpu.memory_space<vmem>> -> memref<1x128x128xf32, #tpu.memory_space<vmem>>
      %dma_start3A_152 = tpu.memref_squeeze %dma_start3A_151 : memref<1x128x128xf32, #tpu.memory_space<vmem>> -> memref<128x128xf32, #tpu.memory_space<vmem>>
      %dma_start3A_153 = arith.constant 0 : i32
      %dma_start3A_154 = tpu.memref_slice %arg6[%select_n3A_75, %dma_start3A_147, %dma_start3A_153] : memref<2x8x128xi32, #tpu.memory_space<vmem>> -> memref<1x1x128xi32, #tpu.memory_space<vmem>>
      %dma_start3A_155 = tpu.memref_squeeze %dma_start3A_154 : memref<1x1x128xi32, #tpu.memory_space<vmem>> -> memref<128xi32, #tpu.memory_space<vmem>>
      %dma_start3A_156 = arith.constant 0 : i32
      %dma_start3A_157 = arith.constant 0 : i32
      %dma_start3A_158 = tpu.memref_slice %arg2[%dma_start3A_156, %dma_start3A_157] : memref<10240x128xf32, #tpu.memory_space<hbm>> -> memref<10240x128xf32, #tpu.memory_space<hbm>>
      tpu.enqueue_indirect_dma source(%dma_start3A_158 : memref<10240x128xf32, #tpu.memory_space<hbm>>) target(%dma_start3A_152 : memref<128x128xf32, #tpu.memory_space<vmem>>) offsets(%dma_start3A_155 : memref<128xi32, #tpu.memory_space<vmem>>) semaphore(%arg10 : memref<!tpu.dma_semaphore, #tpu.memory_space<semaphore_mem>>)
      %dma_wait3A_159 = arith.constant 3 : i32
      %dma_wait3A_160 = arith.constant 1 : i32
      %dma_wait3A_161 = arith.constant 0 : i32
      %dma_wait3A_162 = arith.constant 0 : i32
      %dma_wait3A_163 = tpu.memref_slice %arg8[%dma_wait3A_160, %dma_wait3A_161, %dma_wait3A_162] : memref<2x128x128xf32, #tpu.memory_space<vmem>> -> memref<1x128x128xf32, #tpu.memory_space<vmem>>
      %dma_wait3A_164 = tpu.memref_squeeze %dma_wait3A_163 : memref<1x128x128xf32, #tpu.memory_space<vmem>> -> memref<128x128xf32, #tpu.memory_space<vmem>>
      %dma_wait3A_165 = arith.constant 0 : i32
      %dma_wait3A_166 = tpu.memref_slice %arg6[%select_n3A_75, %dma_wait3A_159, %dma_wait3A_165] : memref<2x8x128xi32, #tpu.memory_space<vmem>> -> memref<1x1x128xi32, #tpu.memory_space<vmem>>
      %dma_wait3A_167 = tpu.memref_squeeze %dma_wait3A_166 : memref<1x1x128xi32, #tpu.memory_space<vmem>> -> memref<128xi32, #tpu.memory_space<vmem>>
      %dma_wait3A_168 = arith.constant 0 : i32
      %dma_wait3A_169 = arith.constant 0 : i32
      %dma_wait3A_170 = tpu.memref_slice %arg2[%dma_wait3A_168, %dma_wait3A_169] : memref<10240x128xf32, #tpu.memory_space<hbm>> -> memref<10240x128xf32, #tpu.memory_space<hbm>>
      tpu.wait_indirect_dma semaphore(%arg10 : memref<!tpu.dma_semaphore, #tpu.memory_space<semaphore_mem>>) src(%dma_wait3A_170 : memref<10240x128xf32, #tpu.memory_space<hbm>>) dst(%dma_wait3A_164 : memref<128x128xf32, #tpu.memory_space<vmem>>)
      %run_scoped3A_171 = arith.constant 1 : i32
      %run_scoped3A_172 = arith.constant 3 : i32
      "tpu.region"() ({
        %run_scoped3A_286 = tpu.sem_alloc : memref<!tpu.dma_semaphore, #tpu.memory_space<semaphore_mem>>
        %dma_start3A_287 = arith.constant 0 : i32
        %dma_start3A_288 = arith.constant 0 : i32
        %dma_start3A_289 = tpu.memref_slice %arg8[%run_scoped3A_171, %dma_start3A_287, %dma_start3A_288] : memref<2x128x128xf32, #tpu.memory_space<vmem>> -> memref<1x128x128xf32, #tpu.memory_space<vmem>>
        %dma_start3A_290 = tpu.memref_squeeze %dma_start3A_289 : memref<1x128x128xf32, #tpu.memory_space<vmem>> -> memref<128x128xf32, #tpu.memory_space<vmem>>
        %dma_start3A_291 = arith.constant 0 : i32
        %dma_start3A_292 = tpu.memref_slice %arg7[%select_n3A_75, %run_scoped3A_172, %dma_start3A_291] : memref<2x8x128xi32, #tpu.memory_space<vmem>> -> memref<1x1x128xi32, #tpu.memory_space<vmem>>
        %dma_start3A_293 = tpu.memref_squeeze %dma_start3A_292 : memref<1x1x128xi32, #tpu.memory_space<vmem>> -> memref<128xi32, #tpu.memory_space<vmem>>
        %dma_start3A_294 = arith.constant 0 : i32
        %dma_start3A_295 = arith.constant 0 : i32
        %dma_start3A_296 = tpu.memref_slice %arg9[%dma_start3A_294, %dma_start3A_295] : memref<10240x128xf32, #tpu.memory_space<vmem_shared>> -> memref<10240x128xf32, #tpu.memory_space<vmem_shared>>
        tpu.enqueue_indirect_dma source(%dma_start3A_290 : memref<128x128xf32, #tpu.memory_space<vmem>>) target(%dma_start3A_296 : memref<10240x128xf32, #tpu.memory_space<vmem_shared>>) offsets(%dma_start3A_293 : memref<128xi32, #tpu.memory_space<vmem>>) semaphore(%run_scoped3A_286 : memref<!tpu.dma_semaphore, #tpu.memory_space<semaphore_mem>>) {add = true}
        %dma_wait3A_297 = arith.constant 0 : i32
        %dma_wait3A_298 = arith.constant 0 : i32
        %dma_wait3A_299 = tpu.memref_slice %arg8[%run_scoped3A_171, %dma_wait3A_297, %dma_wait3A_298] : memref<2x128x128xf32, #tpu.memory_space<vmem>> -> memref<1x128x128xf32, #tpu.memory_space<vmem>>
        %dma_wait3A_300 = tpu.memref_squeeze %dma_wait3A_299 : memref<1x128x128xf32, #tpu.memory_space<vmem>> -> memref<128x128xf32, #tpu.memory_space<vmem>>
        %dma_wait3A_301 = arith.constant 0 : i32
        %dma_wait3A_302 = tpu.memref_slice %arg7[%select_n3A_75, %run_scoped3A_172, %dma_wait3A_301] : memref<2x8x128xi32, #tpu.memory_space<vmem>> -> memref<1x1x128xi32, #tpu.memory_space<vmem>>
        %dma_wait3A_303 = tpu.memref_squeeze %dma_wait3A_302 : memref<1x1x128xi32, #tpu.memory_space<vmem>> -> memref<128xi32, #tpu.memory_space<vmem>>
        %dma_wait3A_304 = arith.constant 0 : i32
        %dma_wait3A_305 = arith.constant 0 : i32
        %dma_wait3A_306 = tpu.memref_slice %arg9[%dma_wait3A_304, %dma_wait3A_305] : memref<10240x128xf32, #tpu.memory_space<vmem_shared>> -> memref<10240x128xf32, #tpu.memory_space<vmem_shared>>
        tpu.wait_indirect_dma semaphore(%run_scoped3A_286 : memref<!tpu.dma_semaphore, #tpu.memory_space<semaphore_mem>>) src(%dma_wait3A_300 : memref<128x128xf32, #tpu.memory_space<vmem>>) dst(%dma_wait3A_306 : memref<10240x128xf32, #tpu.memory_space<vmem_shared>>)
        tpu.yield
      }) : () -> ()
      %dma_start3A_173 = arith.constant 5 : i32
      %dma_start3A_174 = arith.constant 1 : i32
      %dma_start3A_175 = arith.constant 0 : i32
      %dma_start3A_176 = arith.constant 0 : i32
      %dma_start3A_177 = tpu.memref_slice %arg8[%dma_start3A_174, %dma_start3A_175, %dma_start3A_176] : memref<2x128x128xf32, #tpu.memory_space<vmem>> -> memref<1x128x128xf32, #tpu.memory_space<vmem>>
      %dma_start3A_178 = tpu.memref_squeeze %dma_start3A_177 : memref<1x128x128xf32, #tpu.memory_space<vmem>> -> memref<128x128xf32, #tpu.memory_space<vmem>>
      %dma_start3A_179 = arith.constant 0 : i32
      %dma_start3A_180 = tpu.memref_slice %arg6[%select_n3A_75, %dma_start3A_173, %dma_start3A_179] : memref<2x8x128xi32, #tpu.memory_space<vmem>> -> memref<1x1x128xi32, #tpu.memory_space<vmem>>
      %dma_start3A_181 = tpu.memref_squeeze %dma_start3A_180 : memref<1x1x128xi32, #tpu.memory_space<vmem>> -> memref<128xi32, #tpu.memory_space<vmem>>
      %dma_start3A_182 = arith.constant 0 : i32
      %dma_start3A_183 = arith.constant 0 : i32
      %dma_start3A_184 = tpu.memref_slice %arg2[%dma_start3A_182, %dma_start3A_183] : memref<10240x128xf32, #tpu.memory_space<hbm>> -> memref<10240x128xf32, #tpu.memory_space<hbm>>
      tpu.enqueue_indirect_dma source(%dma_start3A_184 : memref<10240x128xf32, #tpu.memory_space<hbm>>) target(%dma_start3A_178 : memref<128x128xf32, #tpu.memory_space<vmem>>) offsets(%dma_start3A_181 : memref<128xi32, #tpu.memory_space<vmem>>) semaphore(%arg10 : memref<!tpu.dma_semaphore, #tpu.memory_space<semaphore_mem>>)
      %dma_wait3A_185 = arith.constant 4 : i32
      %dma_wait3A_186 = arith.constant 0 : i32
      %dma_wait3A_187 = arith.constant 0 : i32
      %dma_wait3A_188 = arith.constant 0 : i32
      %dma_wait3A_189 = tpu.memref_slice %arg8[%dma_wait3A_186, %dma_wait3A_187, %dma_wait3A_188] : memref<2x128x128xf32, #tpu.memory_space<vmem>> -> memref<1x128x128xf32, #tpu.memory_space<vmem>>
      %dma_wait3A_190 = tpu.memref_squeeze %dma_wait3A_189 : memref<1x128x128xf32, #tpu.memory_space<vmem>> -> memref<128x128xf32, #tpu.memory_space<vmem>>
      %dma_wait3A_191 = arith.constant 0 : i32
      %dma_wait3A_192 = tpu.memref_slice %arg6[%select_n3A_75, %dma_wait3A_185, %dma_wait3A_191] : memref<2x8x128xi32, #tpu.memory_space<vmem>> -> memref<1x1x128xi32, #tpu.memory_space<vmem>>
      %dma_wait3A_193 = tpu.memref_squeeze %dma_wait3A_192 : memref<1x1x128xi32, #tpu.memory_space<vmem>> -> memref<128xi32, #tpu.memory_space<vmem>>
      %dma_wait3A_194 = arith.constant 0 : i32
      %dma_wait3A_195 = arith.constant 0 : i32
      %dma_wait3A_196 = tpu.memref_slice %arg2[%dma_wait3A_194, %dma_wait3A_195] : memref<10240x128xf32, #tpu.memory_space<hbm>> -> memref<10240x128xf32, #tpu.memory_space<hbm>>
      tpu.wait_indirect_dma semaphore(%arg10 : memref<!tpu.dma_semaphore, #tpu.memory_space<semaphore_mem>>) src(%dma_wait3A_196 : memref<10240x128xf32, #tpu.memory_space<hbm>>) dst(%dma_wait3A_190 : memref<128x128xf32, #tpu.memory_space<vmem>>)
      %run_scoped3A_197 = arith.constant 0 : i32
      %run_scoped3A_198 = arith.constant 4 : i32
      "tpu.region"() ({
        %run_scoped3A_286 = tpu.sem_alloc : memref<!tpu.dma_semaphore, #tpu.memory_space<semaphore_mem>>
        %dma_start3A_287 = arith.constant 0 : i32
        %dma_start3A_288 = arith.constant 0 : i32
        %dma_start3A_289 = tpu.memref_slice %arg8[%run_scoped3A_197, %dma_start3A_287, %dma_start3A_288] : memref<2x128x128xf32, #tpu.memory_space<vmem>> -> memref<1x128x128xf32, #tpu.memory_space<vmem>>
        %dma_start3A_290 = tpu.memref_squeeze %dma_start3A_289 : memref<1x128x128xf32, #tpu.memory_space<vmem>> -> memref<128x128xf32, #tpu.memory_space<vmem>>
        %dma_start3A_291 = arith.constant 0 : i32
        %dma_start3A_292 = tpu.memref_slice %arg7[%select_n3A_75, %run_scoped3A_198, %dma_start3A_291] : memref<2x8x128xi32, #tpu.memory_space<vmem>> -> memref<1x1x128xi32, #tpu.memory_space<vmem>>
        %dma_start3A_293 = tpu.memref_squeeze %dma_start3A_292 : memref<1x1x128xi32, #tpu.memory_space<vmem>> -> memref<128xi32, #tpu.memory_space<vmem>>
        %dma_start3A_294 = arith.constant 0 : i32
        %dma_start3A_295 = arith.constant 0 : i32
        %dma_start3A_296 = tpu.memref_slice %arg9[%dma_start3A_294, %dma_start3A_295] : memref<10240x128xf32, #tpu.memory_space<vmem_shared>> -> memref<10240x128xf32, #tpu.memory_space<vmem_shared>>
        tpu.enqueue_indirect_dma source(%dma_start3A_290 : memref<128x128xf32, #tpu.memory_space<vmem>>) target(%dma_start3A_296 : memref<10240x128xf32, #tpu.memory_space<vmem_shared>>) offsets(%dma_start3A_293 : memref<128xi32, #tpu.memory_space<vmem>>) semaphore(%run_scoped3A_286 : memref<!tpu.dma_semaphore, #tpu.memory_space<semaphore_mem>>) {add = true}
        %dma_wait3A_297 = arith.constant 0 : i32
        %dma_wait3A_298 = arith.constant 0 : i32
        %dma_wait3A_299 = tpu.memref_slice %arg8[%run_scoped3A_197, %dma_wait3A_297, %dma_wait3A_298] : memref<2x128x128xf32, #tpu.memory_space<vmem>> -> memref<1x128x128xf32, #tpu.memory_space<vmem>>
        %dma_wait3A_300 = tpu.memref_squeeze %dma_wait3A_299 : memref<1x128x128xf32, #tpu.memory_space<vmem>> -> memref<128x128xf32, #tpu.memory_space<vmem>>
        %dma_wait3A_301 = arith.constant 0 : i32
        %dma_wait3A_302 = tpu.memref_slice %arg7[%select_n3A_75, %run_scoped3A_198, %dma_wait3A_301] : memref<2x8x128xi32, #tpu.memory_space<vmem>> -> memref<1x1x128xi32, #tpu.memory_space<vmem>>
        %dma_wait3A_303 = tpu.memref_squeeze %dma_wait3A_302 : memref<1x1x128xi32, #tpu.memory_space<vmem>> -> memref<128xi32, #tpu.memory_space<vmem>>
        %dma_wait3A_304 = arith.constant 0 : i32
        %dma_wait3A_305 = arith.constant 0 : i32
        %dma_wait3A_306 = tpu.memref_slice %arg9[%dma_wait3A_304, %dma_wait3A_305] : memref<10240x128xf32, #tpu.memory_space<vmem_shared>> -> memref<10240x128xf32, #tpu.memory_space<vmem_shared>>
        tpu.wait_indirect_dma semaphore(%run_scoped3A_286 : memref<!tpu.dma_semaphore, #tpu.memory_space<semaphore_mem>>) src(%dma_wait3A_300 : memref<128x128xf32, #tpu.memory_space<vmem>>) dst(%dma_wait3A_306 : memref<10240x128xf32, #tpu.memory_space<vmem_shared>>)
        tpu.yield
      }) : () -> ()
      %dma_start3A_199 = arith.constant 6 : i32
      %dma_start3A_200 = arith.constant 0 : i32
      %dma_start3A_201 = arith.constant 0 : i32
      %dma_start3A_202 = arith.constant 0 : i32
      %dma_start3A_203 = tpu.memref_slice %arg8[%dma_start3A_200, %dma_start3A_201, %dma_start3A_202] : memref<2x128x128xf32, #tpu.memory_space<vmem>> -> memref<1x128x128xf32, #tpu.memory_space<vmem>>
      %dma_start3A_204 = tpu.memref_squeeze %dma_start3A_203 : memref<1x128x128xf32, #tpu.memory_space<vmem>> -> memref<128x128xf32, #tpu.memory_space<vmem>>
      %dma_start3A_205 = arith.constant 0 : i32
      %dma_start3A_206 = tpu.memref_slice %arg6[%select_n3A_75, %dma_start3A_199, %dma_start3A_205] : memref<2x8x128xi32, #tpu.memory_space<vmem>> -> memref<1x1x128xi32, #tpu.memory_space<vmem>>
      %dma_start3A_207 = tpu.memref_squeeze %dma_start3A_206 : memref<1x1x128xi32, #tpu.memory_space<vmem>> -> memref<128xi32, #tpu.memory_space<vmem>>
      %dma_start3A_208 = arith.constant 0 : i32
      %dma_start3A_209 = arith.constant 0 : i32
      %dma_start3A_210 = tpu.memref_slice %arg2[%dma_start3A_208, %dma_start3A_209] : memref<10240x128xf32, #tpu.memory_space<hbm>> -> memref<10240x128xf32, #tpu.memory_space<hbm>>
      tpu.enqueue_indirect_dma source(%dma_start3A_210 : memref<10240x128xf32, #tpu.memory_space<hbm>>) target(%dma_start3A_204 : memref<128x128xf32, #tpu.memory_space<vmem>>) offsets(%dma_start3A_207 : memref<128xi32, #tpu.memory_space<vmem>>) semaphore(%arg10 : memref<!tpu.dma_semaphore, #tpu.memory_space<semaphore_mem>>)
      %dma_wait3A_211 = arith.constant 5 : i32
      %dma_wait3A_212 = arith.constant 1 : i32
      %dma_wait3A_213 = arith.constant 0 : i32
      %dma_wait3A_214 = arith.constant 0 : i32
      %dma_wait3A_215 = tpu.memref_slice %arg8[%dma_wait3A_212, %dma_wait3A_213, %dma_wait3A_214] : memref<2x128x128xf32, #tpu.memory_space<vmem>> -> memref<1x128x128xf32, #tpu.memory_space<vmem>>
      %dma_wait3A_216 = tpu.memref_squeeze %dma_wait3A_215 : memref<1x128x128xf32, #tpu.memory_space<vmem>> -> memref<128x128xf32, #tpu.memory_space<vmem>>
      %dma_wait3A_217 = arith.constant 0 : i32
      %dma_wait3A_218 = tpu.memref_slice %arg6[%select_n3A_75, %dma_wait3A_211, %dma_wait3A_217] : memref<2x8x128xi32, #tpu.memory_space<vmem>> -> memref<1x1x128xi32, #tpu.memory_space<vmem>>
      %dma_wait3A_219 = tpu.memref_squeeze %dma_wait3A_218 : memref<1x1x128xi32, #tpu.memory_space<vmem>> -> memref<128xi32, #tpu.memory_space<vmem>>
      %dma_wait3A_220 = arith.constant 0 : i32
      %dma_wait3A_221 = arith.constant 0 : i32
      %dma_wait3A_222 = tpu.memref_slice %arg2[%dma_wait3A_220, %dma_wait3A_221] : memref<10240x128xf32, #tpu.memory_space<hbm>> -> memref<10240x128xf32, #tpu.memory_space<hbm>>
      tpu.wait_indirect_dma semaphore(%arg10 : memref<!tpu.dma_semaphore, #tpu.memory_space<semaphore_mem>>) src(%dma_wait3A_222 : memref<10240x128xf32, #tpu.memory_space<hbm>>) dst(%dma_wait3A_216 : memref<128x128xf32, #tpu.memory_space<vmem>>)
      %run_scoped3A_223 = arith.constant 1 : i32
      %run_scoped3A_224 = arith.constant 5 : i32
      "tpu.region"() ({
        %run_scoped3A_286 = tpu.sem_alloc : memref<!tpu.dma_semaphore, #tpu.memory_space<semaphore_mem>>
        %dma_start3A_287 = arith.constant 0 : i32
        %dma_start3A_288 = arith.constant 0 : i32
        %dma_start3A_289 = tpu.memref_slice %arg8[%run_scoped3A_223, %dma_start3A_287, %dma_start3A_288] : memref<2x128x128xf32, #tpu.memory_space<vmem>> -> memref<1x128x128xf32, #tpu.memory_space<vmem>>
        %dma_start3A_290 = tpu.memref_squeeze %dma_start3A_289 : memref<1x128x128xf32, #tpu.memory_space<vmem>> -> memref<128x128xf32, #tpu.memory_space<vmem>>
        %dma_start3A_291 = arith.constant 0 : i32
        %dma_start3A_292 = tpu.memref_slice %arg7[%select_n3A_75, %run_scoped3A_224, %dma_start3A_291] : memref<2x8x128xi32, #tpu.memory_space<vmem>> -> memref<1x1x128xi32, #tpu.memory_space<vmem>>
        %dma_start3A_293 = tpu.memref_squeeze %dma_start3A_292 : memref<1x1x128xi32, #tpu.memory_space<vmem>> -> memref<128xi32, #tpu.memory_space<vmem>>
        %dma_start3A_294 = arith.constant 0 : i32
        %dma_start3A_295 = arith.constant 0 : i32
        %dma_start3A_296 = tpu.memref_slice %arg9[%dma_start3A_294, %dma_start3A_295] : memref<10240x128xf32, #tpu.memory_space<vmem_shared>> -> memref<10240x128xf32, #tpu.memory_space<vmem_shared>>
        tpu.enqueue_indirect_dma source(%dma_start3A_290 : memref<128x128xf32, #tpu.memory_space<vmem>>) target(%dma_start3A_296 : memref<10240x128xf32, #tpu.memory_space<vmem_shared>>) offsets(%dma_start3A_293 : memref<128xi32, #tpu.memory_space<vmem>>) semaphore(%run_scoped3A_286 : memref<!tpu.dma_semaphore, #tpu.memory_space<semaphore_mem>>) {add = true}
        %dma_wait3A_297 = arith.constant 0 : i32
        %dma_wait3A_298 = arith.constant 0 : i32
        %dma_wait3A_299 = tpu.memref_slice %arg8[%run_scoped3A_223, %dma_wait3A_297, %dma_wait3A_298] : memref<2x128x128xf32, #tpu.memory_space<vmem>> -> memref<1x128x128xf32, #tpu.memory_space<vmem>>
        %dma_wait3A_300 = tpu.memref_squeeze %dma_wait3A_299 : memref<1x128x128xf32, #tpu.memory_space<vmem>> -> memref<128x128xf32, #tpu.memory_space<vmem>>
        %dma_wait3A_301 = arith.constant 0 : i32
        %dma_wait3A_302 = tpu.memref_slice %arg7[%select_n3A_75, %run_scoped3A_224, %dma_wait3A_301] : memref<2x8x128xi32, #tpu.memory_space<vmem>> -> memref<1x1x128xi32, #tpu.memory_space<vmem>>
        %dma_wait3A_303 = tpu.memref_squeeze %dma_wait3A_302 : memref<1x1x128xi32, #tpu.memory_space<vmem>> -> memref<128xi32, #tpu.memory_space<vmem>>
        %dma_wait3A_304 = arith.constant 0 : i32
        %dma_wait3A_305 = arith.constant 0 : i32
        %dma_wait3A_306 = tpu.memref_slice %arg9[%dma_wait3A_304, %dma_wait3A_305] : memref<10240x128xf32, #tpu.memory_space<vmem_shared>> -> memref<10240x128xf32, #tpu.memory_space<vmem_shared>>
        tpu.wait_indirect_dma semaphore(%run_scoped3A_286 : memref<!tpu.dma_semaphore, #tpu.memory_space<semaphore_mem>>) src(%dma_wait3A_300 : memref<128x128xf32, #tpu.memory_space<vmem>>) dst(%dma_wait3A_306 : memref<10240x128xf32, #tpu.memory_space<vmem_shared>>)
        tpu.yield
      }) : () -> ()
      %dma_start3A_225 = arith.constant 7 : i32
      %dma_start3A_226 = arith.constant 1 : i32
      %dma_start3A_227 = arith.constant 0 : i32
      %dma_start3A_228 = arith.constant 0 : i32
      %dma_start3A_229 = tpu.memref_slice %arg8[%dma_start3A_226, %dma_start3A_227, %dma_start3A_228] : memref<2x128x128xf32, #tpu.memory_space<vmem>> -> memref<1x128x128xf32, #tpu.memory_space<vmem>>
      %dma_start3A_230 = tpu.memref_squeeze %dma_start3A_229 : memref<1x128x128xf32, #tpu.memory_space<vmem>> -> memref<128x128xf32, #tpu.memory_space<vmem>>
      %dma_start3A_231 = arith.constant 0 : i32
      %dma_start3A_232 = tpu.memref_slice %arg6[%select_n3A_75, %dma_start3A_225, %dma_start3A_231] : memref<2x8x128xi32, #tpu.memory_space<vmem>> -> memref<1x1x128xi32, #tpu.memory_space<vmem>>
      %dma_start3A_233 = tpu.memref_squeeze %dma_start3A_232 : memref<1x1x128xi32, #tpu.memory_space<vmem>> -> memref<128xi32, #tpu.memory_space<vmem>>
      %dma_start3A_234 = arith.constant 0 : i32
      %dma_start3A_235 = arith.constant 0 : i32
      %dma_start3A_236 = tpu.memref_slice %arg2[%dma_start3A_234, %dma_start3A_235] : memref<10240x128xf32, #tpu.memory_space<hbm>> -> memref<10240x128xf32, #tpu.memory_space<hbm>>
      tpu.enqueue_indirect_dma source(%dma_start3A_236 : memref<10240x128xf32, #tpu.memory_space<hbm>>) target(%dma_start3A_230 : memref<128x128xf32, #tpu.memory_space<vmem>>) offsets(%dma_start3A_233 : memref<128xi32, #tpu.memory_space<vmem>>) semaphore(%arg10 : memref<!tpu.dma_semaphore, #tpu.memory_space<semaphore_mem>>)
      %dma_wait3A_237 = arith.constant 6 : i32
      %dma_wait3A_238 = arith.constant 0 : i32
      %dma_wait3A_239 = arith.constant 0 : i32
      %dma_wait3A_240 = arith.constant 0 : i32
      %dma_wait3A_241 = tpu.memref_slice %arg8[%dma_wait3A_238, %dma_wait3A_239, %dma_wait3A_240] : memref<2x128x128xf32, #tpu.memory_space<vmem>> -> memref<1x128x128xf32, #tpu.memory_space<vmem>>
      %dma_wait3A_242 = tpu.memref_squeeze %dma_wait3A_241 : memref<1x128x128xf32, #tpu.memory_space<vmem>> -> memref<128x128xf32, #tpu.memory_space<vmem>>
      %dma_wait3A_243 = arith.constant 0 : i32
      %dma_wait3A_244 = tpu.memref_slice %arg6[%select_n3A_75, %dma_wait3A_237, %dma_wait3A_243] : memref<2x8x128xi32, #tpu.memory_space<vmem>> -> memref<1x1x128xi32, #tpu.memory_space<vmem>>
      %dma_wait3A_245 = tpu.memref_squeeze %dma_wait3A_244 : memref<1x1x128xi32, #tpu.memory_space<vmem>> -> memref<128xi32, #tpu.memory_space<vmem>>
      %dma_wait3A_246 = arith.constant 0 : i32
      %dma_wait3A_247 = arith.constant 0 : i32
      %dma_wait3A_248 = tpu.memref_slice %arg2[%dma_wait3A_246, %dma_wait3A_247] : memref<10240x128xf32, #tpu.memory_space<hbm>> -> memref<10240x128xf32, #tpu.memory_space<hbm>>
      tpu.wait_indirect_dma semaphore(%arg10 : memref<!tpu.dma_semaphore, #tpu.memory_space<semaphore_mem>>) src(%dma_wait3A_248 : memref<10240x128xf32, #tpu.memory_space<hbm>>) dst(%dma_wait3A_242 : memref<128x128xf32, #tpu.memory_space<vmem>>)
      %run_scoped3A_249 = arith.constant 0 : i32
      %run_scoped3A_250 = arith.constant 6 : i32
      "tpu.region"() ({
        %run_scoped3A_286 = tpu.sem_alloc : memref<!tpu.dma_semaphore, #tpu.memory_space<semaphore_mem>>
        %dma_start3A_287 = arith.constant 0 : i32
        %dma_start3A_288 = arith.constant 0 : i32
        %dma_start3A_289 = tpu.memref_slice %arg8[%run_scoped3A_249, %dma_start3A_287, %dma_start3A_288] : memref<2x128x128xf32, #tpu.memory_space<vmem>> -> memref<1x128x128xf32, #tpu.memory_space<vmem>>
        %dma_start3A_290 = tpu.memref_squeeze %dma_start3A_289 : memref<1x128x128xf32, #tpu.memory_space<vmem>> -> memref<128x128xf32, #tpu.memory_space<vmem>>
        %dma_start3A_291 = arith.constant 0 : i32
        %dma_start3A_292 = tpu.memref_slice %arg7[%select_n3A_75, %run_scoped3A_250, %dma_start3A_291] : memref<2x8x128xi32, #tpu.memory_space<vmem>> -> memref<1x1x128xi32, #tpu.memory_space<vmem>>
        %dma_start3A_293 = tpu.memref_squeeze %dma_start3A_292 : memref<1x1x128xi32, #tpu.memory_space<vmem>> -> memref<128xi32, #tpu.memory_space<vmem>>
        %dma_start3A_294 = arith.constant 0 : i32
        %dma_start3A_295 = arith.constant 0 : i32
        %dma_start3A_296 = tpu.memref_slice %arg9[%dma_start3A_294, %dma_start3A_295] : memref<10240x128xf32, #tpu.memory_space<vmem_shared>> -> memref<10240x128xf32, #tpu.memory_space<vmem_shared>>
        tpu.enqueue_indirect_dma source(%dma_start3A_290 : memref<128x128xf32, #tpu.memory_space<vmem>>) target(%dma_start3A_296 : memref<10240x128xf32, #tpu.memory_space<vmem_shared>>) offsets(%dma_start3A_293 : memref<128xi32, #tpu.memory_space<vmem>>) semaphore(%run_scoped3A_286 : memref<!tpu.dma_semaphore, #tpu.memory_space<semaphore_mem>>) {add = true}
        %dma_wait3A_297 = arith.constant 0 : i32
        %dma_wait3A_298 = arith.constant 0 : i32
        %dma_wait3A_299 = tpu.memref_slice %arg8[%run_scoped3A_249, %dma_wait3A_297, %dma_wait3A_298] : memref<2x128x128xf32, #tpu.memory_space<vmem>> -> memref<1x128x128xf32, #tpu.memory_space<vmem>>
        %dma_wait3A_300 = tpu.memref_squeeze %dma_wait3A_299 : memref<1x128x128xf32, #tpu.memory_space<vmem>> -> memref<128x128xf32, #tpu.memory_space<vmem>>
        %dma_wait3A_301 = arith.constant 0 : i32
        %dma_wait3A_302 = tpu.memref_slice %arg7[%select_n3A_75, %run_scoped3A_250, %dma_wait3A_301] : memref<2x8x128xi32, #tpu.memory_space<vmem>> -> memref<1x1x128xi32, #tpu.memory_space<vmem>>
        %dma_wait3A_303 = tpu.memref_squeeze %dma_wait3A_302 : memref<1x1x128xi32, #tpu.memory_space<vmem>> -> memref<128xi32, #tpu.memory_space<vmem>>
        %dma_wait3A_304 = arith.constant 0 : i32
        %dma_wait3A_305 = arith.constant 0 : i32
        %dma_wait3A_306 = tpu.memref_slice %arg9[%dma_wait3A_304, %dma_wait3A_305] : memref<10240x128xf32, #tpu.memory_space<vmem_shared>> -> memref<10240x128xf32, #tpu.memory_space<vmem_shared>>
        tpu.wait_indirect_dma semaphore(%run_scoped3A_286 : memref<!tpu.dma_semaphore, #tpu.memory_space<semaphore_mem>>) src(%dma_wait3A_300 : memref<128x128xf32, #tpu.memory_space<vmem>>) dst(%dma_wait3A_306 : memref<10240x128xf32, #tpu.memory_space<vmem_shared>>)
        tpu.yield
      }) : () -> ()
      %add3A_251 = arith.constant 1 : i32
      %add3A_252 = arith.addi %scan3A_66, %add3A_251 : i32
      %lt3A_253 = arith.constant 10 : i32
      %lt3A_254 = arith.cmpi slt, %add3A_252, %lt3A_253 : i32
      %convert_element_type3A_255 = arith.extui %lt3A_254 : i1 to i32
      %cond3A_256 = arith.constant 0 : i32
      %cond3A_257 = arith.cmpi ne, %convert_element_type3A_255, %cond3A_256 : i32
      scf.if %cond3A_257 {
        %add3A_286 = arith.constant 1 : i32
        %add3A_287 = arith.addi %scan3A_66, %add3A_286 : i32
        %mul3A_288 = arith.constant 8 : i32
        %mul3A_289 = arith.muli %add3A_287, %mul3A_288 : i32
        %dma_wait3A_290 = arith.constant 0 : i32
        %dma_wait3A_291 = arith.constant 0 : i32
        %dma_wait3A_292 = tpu.memref_slice %arg6[%sub3A_76, %dma_wait3A_290, %dma_wait3A_291] : memref<2x8x128xi32, #tpu.memory_space<vmem>> -> memref<1x8x128xi32, #tpu.memory_space<vmem>>
        %dma_wait3A_293 = tpu.memref_squeeze %dma_wait3A_292 : memref<1x8x128xi32, #tpu.memory_space<vmem>> -> memref<8x128xi32, #tpu.memory_space<vmem>>
        %dma_wait3A_294 = arith.constant 0 : i32
        %dma_wait3A_295 = tpu.memref_slice %arg3[%arg0, %arg1, %mul3A_289, %dma_wait3A_294] : memref<2x16x80x128xi32, #tpu.memory_space<hbm>> -> memref<1x1x8x128xi32, #tpu.memory_space<hbm>>
        %dma_wait3A_296 = tpu.memref_squeeze %dma_wait3A_295 : memref<1x1x8x128xi32, #tpu.memory_space<hbm>> -> memref<8x128xi32, #tpu.memory_space<hbm>>
        %dma_wait3A_297 = arith.constant 0 : i32
        %dma_wait3A_298 = arith.constant 0 : i32
        %dma_wait3A_299 = tpu.memref_slice %arg6[%sub3A_76, %dma_wait3A_297, %dma_wait3A_298] : memref<2x8x128xi32, #tpu.memory_space<vmem>> -> memref<1x8x128xi32, #tpu.memory_space<vmem>>
        %dma_wait3A_300 = tpu.memref_squeeze %dma_wait3A_299 : memref<1x8x128xi32, #tpu.memory_space<vmem>> -> memref<8x128xi32, #tpu.memory_space<vmem>>
        %dma_wait3A_301 = arith.constant 0 : i32
        %dma_wait3A_302 = tpu.memref_slice %arg3[%arg0, %arg1, %mul3A_289, %dma_wait3A_301] : memref<2x16x80x128xi32, #tpu.memory_space<hbm>> -> memref<1x1x8x128xi32, #tpu.memory_space<hbm>>
        %dma_wait3A_303 = tpu.memref_squeeze %dma_wait3A_302 : memref<1x1x8x128xi32, #tpu.memory_space<hbm>> -> memref<8x128xi32, #tpu.memory_space<hbm>>
        tpu.wait_dma2 semaphore(%arg11 : memref<!tpu.dma_semaphore, #tpu.memory_space<semaphore_mem>>) src(%dma_wait3A_303 : memref<8x128xi32, #tpu.memory_space<hbm>>) dst(%dma_wait3A_300 : memref<8x128xi32, #tpu.memory_space<vmem>>)
        %add3A_304 = arith.constant 1 : i32
        %add3A_305 = arith.addi %scan3A_66, %add3A_304 : i32
        %mul3A_306 = arith.constant 8 : i32
        %mul3A_307 = arith.muli %add3A_305, %mul3A_306 : i32
        %dma_wait3A_308 = arith.constant 0 : i32
        %dma_wait3A_309 = arith.constant 0 : i32
        %dma_wait3A_310 = tpu.memref_slice %arg7[%sub3A_76, %dma_wait3A_308, %dma_wait3A_309] : memref<2x8x128xi32, #tpu.memory_space<vmem>> -> memref<1x8x128xi32, #tpu.memory_space<vmem>>
        %dma_wait3A_311 = tpu.memref_squeeze %dma_wait3A_310 : memref<1x8x128xi32, #tpu.memory_space<vmem>> -> memref<8x128xi32, #tpu.memory_space<vmem>>
        %dma_wait3A_312 = arith.constant 0 : i32
        %dma_wait3A_313 = tpu.memref_slice %arg4[%arg0, %arg1, %mul3A_307, %dma_wait3A_312] : memref<2x16x80x128xi32, #tpu.memory_space<hbm>> -> memref<1x1x8x128xi32, #tpu.memory_space<hbm>>
        %dma_wait3A_314 = tpu.memref_squeeze %dma_wait3A_313 : memref<1x1x8x128xi32, #tpu.memory_space<hbm>> -> memref<8x128xi32, #tpu.memory_space<hbm>>
        %dma_wait3A_315 = arith.constant 0 : i32
        %dma_wait3A_316 = arith.constant 0 : i32
        %dma_wait3A_317 = tpu.memref_slice %arg7[%sub3A_76, %dma_wait3A_315, %dma_wait3A_316] : memref<2x8x128xi32, #tpu.memory_space<vmem>> -> memref<1x8x128xi32, #tpu.memory_space<vmem>>
        %dma_wait3A_318 = tpu.memref_squeeze %dma_wait3A_317 : memref<1x8x128xi32, #tpu.memory_space<vmem>> -> memref<8x128xi32, #tpu.memory_space<vmem>>
        %dma_wait3A_319 = arith.constant 0 : i32
        %dma_wait3A_320 = tpu.memref_slice %arg4[%arg0, %arg1, %mul3A_307, %dma_wait3A_319] : memref<2x16x80x128xi32, #tpu.memory_space<hbm>> -> memref<1x1x8x128xi32, #tpu.memory_space<hbm>>
        %dma_wait3A_321 = tpu.memref_squeeze %dma_wait3A_320 : memref<1x1x8x128xi32, #tpu.memory_space<hbm>> -> memref<8x128xi32, #tpu.memory_space<hbm>>
        tpu.wait_dma2 semaphore(%arg11 : memref<!tpu.dma_semaphore, #tpu.memory_space<semaphore_mem>>) src(%dma_wait3A_321 : memref<8x128xi32, #tpu.memory_space<hbm>>) dst(%dma_wait3A_318 : memref<8x128xi32, #tpu.memory_space<vmem>>)
      } else {
      }
      %add3A_258 = arith.constant 1 : i32
      %add3A_259 = arith.addi %scan3A_66, %add3A_258 : i32
      %lt3A_260 = arith.constant 10 : i32
      %lt3A_261 = arith.cmpi slt, %add3A_259, %lt3A_260 : i32
      %convert_element_type3A_262 = arith.extui %lt3A_261 : i1 to i32
      %cond3A_263 = arith.constant 0 : i32
      %cond3A_264 = arith.cmpi ne, %convert_element_type3A_262, %cond3A_263 : i32
      scf.if %cond3A_264 {
        %dma_start3A_286 = arith.constant 0 : i32
        %dma_start3A_287 = arith.constant 0 : i32
        %dma_start3A_288 = arith.constant 0 : i32
        %dma_start3A_289 = arith.constant 0 : i32
        %dma_start3A_290 = tpu.memref_slice %arg8[%dma_start3A_287, %dma_start3A_288, %dma_start3A_289] : memref<2x128x128xf32, #tpu.memory_space<vmem>> -> memref<1x128x128xf32, #tpu.memory_space<vmem>>
        %dma_start3A_291 = tpu.memref_squeeze %dma_start3A_290 : memref<1x128x128xf32, #tpu.memory_space<vmem>> -> memref<128x128xf32, #tpu.memory_space<vmem>>
        %dma_start3A_292 = arith.constant 0 : i32
        %dma_start3A_293 = tpu.memref_slice %arg6[%sub3A_76, %dma_start3A_286, %dma_start3A_292] : memref<2x8x128xi32, #tpu.memory_space<vmem>> -> memref<1x1x128xi32, #tpu.memory_space<vmem>>
        %dma_start3A_294 = tpu.memref_squeeze %dma_start3A_293 : memref<1x1x128xi32, #tpu.memory_space<vmem>> -> memref<128xi32, #tpu.memory_space<vmem>>
        %dma_start3A_295 = arith.constant 0 : i32
        %dma_start3A_296 = arith.constant 0 : i32
        %dma_start3A_297 = tpu.memref_slice %arg2[%dma_start3A_295, %dma_start3A_296] : memref<10240x128xf32, #tpu.memory_space<hbm>> -> memref<10240x128xf32, #tpu.memory_space<hbm>>
        tpu.enqueue_indirect_dma source(%dma_start3A_297 : memref<10240x128xf32, #tpu.memory_space<hbm>>) target(%dma_start3A_291 : memref<128x128xf32, #tpu.memory_space<vmem>>) offsets(%dma_start3A_294 : memref<128xi32, #tpu.memory_space<vmem>>) semaphore(%arg10 : memref<!tpu.dma_semaphore, #tpu.memory_space<semaphore_mem>>)
      } else {
      }
      %dma_wait3A_265 = arith.constant 7 : i32
      %dma_wait3A_266 = arith.constant 1 : i32
      %dma_wait3A_267 = arith.constant 0 : i32
      %dma_wait3A_268 = arith.constant 0 : i32
      %dma_wait3A_269 = tpu.memref_slice %arg8[%dma_wait3A_266, %dma_wait3A_267, %dma_wait3A_268] : memref<2x128x128xf32, #tpu.memory_space<vmem>> -> memref<1x128x128xf32, #tpu.memory_space<vmem>>
      %dma_wait3A_270 = tpu.memref_squeeze %dma_wait3A_269 : memref<1x128x128xf32, #tpu.memory_space<vmem>> -> memref<128x128xf32, #tpu.memory_space<vmem>>
      %dma_wait3A_271 = arith.constant 0 : i32
      %dma_wait3A_272 = tpu.memref_slice %arg6[%select_n3A_75, %dma_wait3A_265, %dma_wait3A_271] : memref<2x8x128xi32, #tpu.memory_space<vmem>> -> memref<1x1x128xi32, #tpu.memory_space<vmem>>
      %dma_wait3A_273 = tpu.memref_squeeze %dma_wait3A_272 : memref<1x1x128xi32, #tpu.memory_space<vmem>> -> memref<128xi32, #tpu.memory_space<vmem>>
      %dma_wait3A_274 = arith.constant 0 : i32
      %dma_wait3A_275 = arith.constant 0 : i32
      %dma_wait3A_276 = tpu.memref_slice %arg2[%dma_wait3A_274, %dma_wait3A_275] : memref<10240x128xf32, #tpu.memory_space<hbm>> -> memref<10240x128xf32, #tpu.memory_space<hbm>>
      tpu.wait_indirect_dma semaphore(%arg10 : memref<!tpu.dma_semaphore, #tpu.memory_space<semaphore_mem>>) src(%dma_wait3A_276 : memref<10240x128xf32, #tpu.memory_space<hbm>>) dst(%dma_wait3A_270 : memref<128x128xf32, #tpu.memory_space<vmem>>)
      %run_scoped3A_277 = arith.constant 1 : i32
      %run_scoped3A_278 = arith.constant 7 : i32
      "tpu.region"() ({
        %run_scoped3A_286 = tpu.sem_alloc : memref<!tpu.dma_semaphore, #tpu.memory_space<semaphore_mem>>
        %dma_start3A_287 = arith.constant 0 : i32
        %dma_start3A_288 = arith.constant 0 : i32
        %dma_start3A_289 = tpu.memref_slice %arg8[%run_scoped3A_277, %dma_start3A_287, %dma_start3A_288] : memref<2x128x128xf32, #tpu.memory_space<vmem>> -> memref<1x128x128xf32, #tpu.memory_space<vmem>>
        %dma_start3A_290 = tpu.memref_squeeze %dma_start3A_289 : memref<1x128x128xf32, #tpu.memory_space<vmem>> -> memref<128x128xf32, #tpu.memory_space<vmem>>
        %dma_start3A_291 = arith.constant 0 : i32
        %dma_start3A_292 = tpu.memref_slice %arg7[%select_n3A_75, %run_scoped3A_278, %dma_start3A_291] : memref<2x8x128xi32, #tpu.memory_space<vmem>> -> memref<1x1x128xi32, #tpu.memory_space<vmem>>
        %dma_start3A_293 = tpu.memref_squeeze %dma_start3A_292 : memref<1x1x128xi32, #tpu.memory_space<vmem>> -> memref<128xi32, #tpu.memory_space<vmem>>
        %dma_start3A_294 = arith.constant 0 : i32
        %dma_start3A_295 = arith.constant 0 : i32
        %dma_start3A_296 = tpu.memref_slice %arg9[%dma_start3A_294, %dma_start3A_295] : memref<10240x128xf32, #tpu.memory_space<vmem_shared>> -> memref<10240x128xf32, #tpu.memory_space<vmem_shared>>
        tpu.enqueue_indirect_dma source(%dma_start3A_290 : memref<128x128xf32, #tpu.memory_space<vmem>>) target(%dma_start3A_296 : memref<10240x128xf32, #tpu.memory_space<vmem_shared>>) offsets(%dma_start3A_293 : memref<128xi32, #tpu.memory_space<vmem>>) semaphore(%run_scoped3A_286 : memref<!tpu.dma_semaphore, #tpu.memory_space<semaphore_mem>>) {add = true}
        %dma_wait3A_297 = arith.constant 0 : i32
        %dma_wait3A_298 = arith.constant 0 : i32
        %dma_wait3A_299 = tpu.memref_slice %arg8[%run_scoped3A_277, %dma_wait3A_297, %dma_wait3A_298] : memref<2x128x128xf32, #tpu.memory_space<vmem>> -> memref<1x128x128xf32, #tpu.memory_space<vmem>>
        %dma_wait3A_300 = tpu.memref_squeeze %dma_wait3A_299 : memref<1x128x128xf32, #tpu.memory_space<vmem>> -> memref<128x128xf32, #tpu.memory_space<vmem>>
        %dma_wait3A_301 = arith.constant 0 : i32
        %dma_wait3A_302 = tpu.memref_slice %arg7[%select_n3A_75, %run_scoped3A_278, %dma_wait3A_301] : memref<2x8x128xi32, #tpu.memory_space<vmem>> -> memref<1x1x128xi32, #tpu.memory_space<vmem>>
        %dma_wait3A_303 = tpu.memref_squeeze %dma_wait3A_302 : memref<1x1x128xi32, #tpu.memory_space<vmem>> -> memref<128xi32, #tpu.memory_space<vmem>>
        %dma_wait3A_304 = arith.constant 0 : i32
        %dma_wait3A_305 = arith.constant 0 : i32
        %dma_wait3A_306 = tpu.memref_slice %arg9[%dma_wait3A_304, %dma_wait3A_305] : memref<10240x128xf32, #tpu.memory_space<vmem_shared>> -> memref<10240x128xf32, #tpu.memory_space<vmem_shared>>
        tpu.wait_indirect_dma semaphore(%run_scoped3A_286 : memref<!tpu.dma_semaphore, #tpu.memory_space<semaphore_mem>>) src(%dma_wait3A_300 : memref<128x128xf32, #tpu.memory_space<vmem>>) dst(%dma_wait3A_306 : memref<10240x128xf32, #tpu.memory_space<vmem_shared>>)
        tpu.yield
      }) : () -> ()
      %add3A_279 = arith.constant 1 : i32
      %add3A_280 = arith.addi %scan3A_66, %add3A_279 : i32
      %lt3A_281 = arith.constant 10 : i32
      %lt3A_282 = arith.cmpi slt, %add3A_280, %lt3A_281 : i32
      %convert_element_type3A_283 = arith.extui %lt3A_282 : i1 to i32
      %cond3A_284 = arith.constant 0 : i32
      %cond3A_285 = arith.cmpi ne, %convert_element_type3A_283, %cond3A_284 : i32
      scf.if %cond3A_285 {
        %dma_start3A_286 = arith.constant 1 : i32
        %dma_start3A_287 = arith.constant 1 : i32
        %dma_start3A_288 = arith.constant 0 : i32
        %dma_start3A_289 = arith.constant 0 : i32
        %dma_start3A_290 = tpu.memref_slice %arg8[%dma_start3A_287, %dma_start3A_288, %dma_start3A_289] : memref<2x128x128xf32, #tpu.memory_space<vmem>> -> memref<1x128x128xf32, #tpu.memory_space<vmem>>
        %dma_start3A_291 = tpu.memref_squeeze %dma_start3A_290 : memref<1x128x128xf32, #tpu.memory_space<vmem>> -> memref<128x128xf32, #tpu.memory_space<vmem>>
        %dma_start3A_292 = arith.constant 0 : i32
        %dma_start3A_293 = tpu.memref_slice %arg6[%sub3A_76, %dma_start3A_286, %dma_start3A_292] : memref<2x8x128xi32, #tpu.memory_space<vmem>> -> memref<1x1x128xi32, #tpu.memory_space<vmem>>
        %dma_start3A_294 = tpu.memref_squeeze %dma_start3A_293 : memref<1x1x128xi32, #tpu.memory_space<vmem>> -> memref<128xi32, #tpu.memory_space<vmem>>
        %dma_start3A_295 = arith.constant 0 : i32
        %dma_start3A_296 = arith.constant 0 : i32
        %dma_start3A_297 = tpu.memref_slice %arg2[%dma_start3A_295, %dma_start3A_296] : memref<10240x128xf32, #tpu.memory_space<hbm>> -> memref<10240x128xf32, #tpu.memory_space<hbm>>
        tpu.enqueue_indirect_dma source(%dma_start3A_297 : memref<10240x128xf32, #tpu.memory_space<hbm>>) target(%dma_start3A_291 : memref<128x128xf32, #tpu.memory_space<vmem>>) offsets(%dma_start3A_294 : memref<128xi32, #tpu.memory_space<vmem>>) semaphore(%arg10 : memref<!tpu.dma_semaphore, #tpu.memory_space<semaphore_mem>>)
      } else {
      }
    }
    %scan3A_60 = arith.constant 10 : i32
    %barrier3A_61 = arith.constant 0 : index
    tpu.barrier barrier_id(%barrier3A_61)
    %mul3A_62 = arith.constant 640 : i32
    %mul3A_63 = arith.muli %arg1, %mul3A_62 : i32
    %mul3A_64 = arith.constant 640 : i32
    %mul3A_65 = arith.muli %arg1, %mul3A_64 : i32
    "tpu.region"() ({
      %run_scoped3A_66 = tpu.sem_alloc : memref<!tpu.dma_semaphore, #tpu.memory_space<semaphore_mem>>
      %dma_start3A_67 = arith.constant 0 : i32
      %dma_start3A_68 = tpu.memref_slice %arg5[%arg0, %mul3A_65, %dma_start3A_67] : memref<2x10240x128xf32, #tpu.memory_space<hbm>> -> memref<1x640x128xf32, #tpu.memory_space<hbm>>
      %dma_start3A_69 = tpu.memref_squeeze %dma_start3A_68 : memref<1x640x128xf32, #tpu.memory_space<hbm>> -> memref<640x128xf32, #tpu.memory_space<hbm>>
      %dma_start3A_70 = arith.constant 0 : i32
      %dma_start3A_71 = tpu.memref_slice %arg9[%mul3A_63, %dma_start3A_70] : memref<10240x128xf32, #tpu.memory_space<vmem_shared>> -> memref<640x128xf32, #tpu.memory_space<vmem_shared>>
      tpu.enqueue_dma source(%dma_start3A_71 : memref<640x128xf32, #tpu.memory_space<vmem_shared>>) target(%dma_start3A_69 : memref<640x128xf32, #tpu.memory_space<hbm>>) target_semaphore(%run_scoped3A_66 : memref<!tpu.dma_semaphore, #tpu.memory_space<semaphore_mem>>)
      %dma_wait3A = arith.constant 0 : i32
      %dma_wait3A_72 = tpu.memref_slice %arg5[%arg0, %mul3A_65, %dma_wait3A] : memref<2x10240x128xf32, #tpu.memory_space<hbm>> -> memref<1x640x128xf32, #tpu.memory_space<hbm>>
      %dma_wait3A_73 = tpu.memref_squeeze %dma_wait3A_72 : memref<1x640x128xf32, #tpu.memory_space<hbm>> -> memref<640x128xf32, #tpu.memory_space<hbm>>
      %dma_wait3A_74 = arith.constant 0 : i32
      %dma_wait3A_75 = tpu.memref_slice %arg9[%mul3A_63, %dma_wait3A_74] : memref<10240x128xf32, #tpu.memory_space<vmem_shared>> -> memref<640x128xf32, #tpu.memory_space<vmem_shared>>
      tpu.wait_dma2 semaphore(%run_scoped3A_66 : memref<!tpu.dma_semaphore, #tpu.memory_space<semaphore_mem>>) src(%dma_wait3A_75 : memref<640x128xf32, #tpu.memory_space<vmem_shared>>) dst(%dma_wait3A_73 : memref<640x128xf32, #tpu.memory_space<hbm>>)
      tpu.yield
    }) : () -> ()
    return
  }
}

#map = affine_map<(d0, d1) -> (0, 0)>
#map1 = affine_map<(d0, d1) -> (0, 0, 0, 0)>
#map2 = affine_map<(d0, d1) -> (0, 0, 0)>
module attributes {stable_mosaic.version = 14 : i64} {
  func.func @k(%arg0: i32, %arg1: i32, %arg2: memref<20480x128xf32, #tpu.memory_space<hbm>>, %arg3: memref<2x16x160x128xi32, #tpu.memory_space<hbm>>, %arg4: memref<2x16x160x128xi32, #tpu.memory_space<hbm>>, %arg5: memref<2x10240x128xf32, #tpu.memory_space<hbm>>, %arg6: memref<2x8x128xi32, #tpu.memory_space<vmem>>, %arg7: memref<2x8x128xi32, #tpu.memory_space<vmem>>, %arg8: memref<2x128x128xf32, #tpu.memory_space<vmem>>, %arg9: memref<10240x128xf32, #tpu.memory_space<vmem_shared>>, %arg10: memref<!tpu.dma_semaphore, #tpu.memory_space<semaphore_mem>>, %arg11: memref<!tpu.dma_semaphore, #tpu.memory_space<semaphore_mem>>) attributes {dimension_semantics = [#tpu.dimension_semantics<core_parallel>, #tpu.dimension_semantics<subcore_parallel>], iteration_bounds = array<i64: 2, 16>, scalar_prefetch = 0 : i64, scratch_operands = 6 : i64, tpu.core_type = #tpu.core_type<sc_vector_subcore>, window_params = [{transform_indices = #map}, {transform_indices = #map1}, {transform_indices = #map1}, {transform_indices = #map2}]} {
    %scan3A = arith.constant 0 : i32
    %scan3A_0 = arith.constant 0 : i32
    %scan3A_1 = arith.constant 0 : i32
    %scan3A_2 = arith.constant 128 : i32
    %scan3A_3 = arith.addi %scan3A_1, %scan3A_2 : i32
    %scan3A_4 = arith.constant 1 : i32
    scf.for %scan3A_66 = %scan3A_1 to %scan3A_3 step %scan3A_4  : i32 {
      %broadcast_in_dim3A = arith.constant 0.000000e+00 : f32
      %broadcast_in_dim3A_67 = vector.broadcast %broadcast_in_dim3A : f32 to vector<16xf32>
      %swap3A = arith.constant 0 : i32
      %swap3A_68 = arith.constant 0 : i32
      %swap3A_69 = tpu.memref_slice %arg8[%scan3A_0, %swap3A, %swap3A_68] : memref<2x128x128xf32, #tpu.memory_space<vmem>> -> memref<1x128x128xf32, #tpu.memory_space<vmem>>
      %swap3A_70 = tpu.memref_squeeze %swap3A_69 : memref<1x128x128xf32, #tpu.memory_space<vmem>> -> memref<128x128xf32, #tpu.memory_space<vmem>>
      %swap3A_71 = arith.index_cast %scan3A_66 : i32 to index
      %swap3A_72 = arith.constant 0 : index
      %swap3A_73 = tpu.vector_load %swap3A_70[%swap3A_71, %swap3A_72] {strides = array<i32>} : memref<128x128xf32, #tpu.memory_space<vmem>>, vector<1x16xf32>,
      %swap3A_74 = vector.shape_cast %swap3A_73 : vector<1x16xf32> to vector<16xf32>
      %swap3A_75 = vector.shape_cast %broadcast_in_dim3A_67 : vector<16xf32> to vector<1x16xf32>
      tpu.vector_store %swap3A_70[%swap3A_71, %swap3A_72], %swap3A_75 {strides = array<i32>} : memref<128x128xf32, #tpu.memory_space<vmem>>, vector<1x16xf32>,
      %broadcast_in_dim3A_76 = arith.constant 0.000000e+00 : f32
      %broadcast_in_dim3A_77 = vector.broadcast %broadcast_in_dim3A_76 : f32 to vector<16xf32>
      %swap3A_78 = arith.constant 0 : i32
      %swap3A_79 = arith.constant 0 : i32
      %swap3A_80 = tpu.memref_slice %arg8[%scan3A_0, %swap3A_78, %swap3A_79] : memref<2x128x128xf32, #tpu.memory_space<vmem>> -> memref<1x128x128xf32, #tpu.memory_space<vmem>>
      %swap3A_81 = tpu.memref_squeeze %swap3A_80 : memref<1x128x128xf32, #tpu.memory_space<vmem>> -> memref<128x128xf32, #tpu.memory_space<vmem>>
      %swap3A_82 = arith.index_cast %scan3A_66 : i32 to index
      %swap3A_83 = arith.constant 16 : index
      %swap3A_84 = tpu.vector_load %swap3A_81[%swap3A_82, %swap3A_83] {strides = array<i32>} : memref<128x128xf32, #tpu.memory_space<vmem>>, vector<1x16xf32>,
      %swap3A_85 = vector.shape_cast %swap3A_84 : vector<1x16xf32> to vector<16xf32>
      %swap3A_86 = vector.shape_cast %broadcast_in_dim3A_77 : vector<16xf32> to vector<1x16xf32>
      tpu.vector_store %swap3A_81[%swap3A_82, %swap3A_83], %swap3A_86 {strides = array<i32>} : memref<128x128xf32, #tpu.memory_space<vmem>>, vector<1x16xf32>,
      %broadcast_in_dim3A_87 = arith.constant 0.000000e+00 : f32
      %broadcast_in_dim3A_88 = vector.broadcast %broadcast_in_dim3A_87 : f32 to vector<16xf32>
      %swap3A_89 = arith.constant 0 : i32
      %swap3A_90 = arith.constant 0 : i32
      %swap3A_91 = tpu.memref_slice %arg8[%scan3A_0, %swap3A_89, %swap3A_90] : memref<2x128x128xf32, #tpu.memory_space<vmem>> -> memref<1x128x128xf32, #tpu.memory_space<vmem>>
      %swap3A_92 = tpu.memref_squeeze %swap3A_91 : memref<1x128x128xf32, #tpu.memory_space<vmem>> -> memref<128x128xf32, #tpu.memory_space<vmem>>
      %swap3A_93 = arith.index_cast %scan3A_66 : i32 to index
      %swap3A_94 = arith.constant 32 : index
      %swap3A_95 = tpu.vector_load %swap3A_92[%swap3A_93, %swap3A_94] {strides = array<i32>} : memref<128x128xf32, #tpu.memory_space<vmem>>, vector<1x16xf32>,
      %swap3A_96 = vector.shape_cast %swap3A_95 : vector<1x16xf32> to vector<16xf32>
      %swap3A_97 = vector.shape_cast %broadcast_in_dim3A_88 : vector<16xf32> to vector<1x16xf32>
      tpu.vector_store %swap3A_92[%swap3A_93, %swap3A_94], %swap3A_97 {strides = array<i32>} : memref<128x128xf32, #tpu.memory_space<vmem>>, vector<1x16xf32>,
      %broadcast_in_dim3A_98 = arith.constant 0.000000e+00 : f32
      %broadcast_in_dim3A_99 = vector.broadcast %broadcast_in_dim3A_98 : f32 to vector<16xf32>
      %swap3A_100 = arith.constant 0 : i32
      %swap3A_101 = arith.constant 0 : i32
      %swap3A_102 = tpu.memref_slice %arg8[%scan3A_0, %swap3A_100, %swap3A_101] : memref<2x128x128xf32, #tpu.memory_space<vmem>> -> memref<1x128x128xf32, #tpu.memory_space<vmem>>
      %swap3A_103 = tpu.memref_squeeze %swap3A_102 : memref<1x128x128xf32, #tpu.memory_space<vmem>> -> memref<128x128xf32, #tpu.memory_space<vmem>>
      %swap3A_104 = arith.index_cast %scan3A_66 : i32 to index
      %swap3A_105 = arith.constant 48 : index
      %swap3A_106 = tpu.vector_load %swap3A_103[%swap3A_104, %swap3A_105] {strides = array<i32>} : memref<128x128xf32, #tpu.memory_space<vmem>>, vector<1x16xf32>,
      %swap3A_107 = vector.shape_cast %swap3A_106 : vector<1x16xf32> to vector<16xf32>
      %swap3A_108 = vector.shape_cast %broadcast_in_dim3A_99 : vector<16xf32> to vector<1x16xf32>
      tpu.vector_store %swap3A_103[%swap3A_104, %swap3A_105], %swap3A_108 {strides = array<i32>} : memref<128x128xf32, #tpu.memory_space<vmem>>, vector<1x16xf32>,
      %broadcast_in_dim3A_109 = arith.constant 0.000000e+00 : f32
      %broadcast_in_dim3A_110 = vector.broadcast %broadcast_in_dim3A_109 : f32 to vector<16xf32>
      %swap3A_111 = arith.constant 0 : i32
      %swap3A_112 = arith.constant 0 : i32
      %swap3A_113 = tpu.memref_slice %arg8[%scan3A_0, %swap3A_111, %swap3A_112] : memref<2x128x128xf32, #tpu.memory_space<vmem>> -> memref<1x128x128xf32, #tpu.memory_space<vmem>>
      %swap3A_114 = tpu.memref_squeeze %swap3A_113 : memref<1x128x128xf32, #tpu.memory_space<vmem>> -> memref<128x128xf32, #tpu.memory_space<vmem>>
      %swap3A_115 = arith.index_cast %scan3A_66 : i32 to index
      %swap3A_116 = arith.constant 64 : index
      %swap3A_117 = tpu.vector_load %swap3A_114[%swap3A_115, %swap3A_116] {strides = array<i32>} : memref<128x128xf32, #tpu.memory_space<vmem>>, vector<1x16xf32>,
      %swap3A_118 = vector.shape_cast %swap3A_117 : vector<1x16xf32> to vector<16xf32>
      %swap3A_119 = vector.shape_cast %broadcast_in_dim3A_110 : vector<16xf32> to vector<1x16xf32>
      tpu.vector_store %swap3A_114[%swap3A_115, %swap3A_116], %swap3A_119 {strides = array<i32>} : memref<128x128xf32, #tpu.memory_space<vmem>>, vector<1x16xf32>,
      %broadcast_in_dim3A_120 = arith.constant 0.000000e+00 : f32
      %broadcast_in_dim3A_121 = vector.broadcast %broadcast_in_dim3A_120 : f32 to vector<16xf32>
      %swap3A_122 = arith.constant 0 : i32
      %swap3A_123 = arith.constant 0 : i32
      %swap3A_124 = tpu.memref_slice %arg8[%scan3A_0, %swap3A_122, %swap3A_123] : memref<2x128x128xf32, #tpu.memory_space<vmem>> -> memref<1x128x128xf32, #tpu.memory_space<vmem>>
      %swap3A_125 = tpu.memref_squeeze %swap3A_124 : memref<1x128x128xf32, #tpu.memory_space<vmem>> -> memref<128x128xf32, #tpu.memory_space<vmem>>
      %swap3A_126 = arith.index_cast %scan3A_66 : i32 to index
      %swap3A_127 = arith.constant 80 : index
      %swap3A_128 = tpu.vector_load %swap3A_125[%swap3A_126, %swap3A_127] {strides = array<i32>} : memref<128x128xf32, #tpu.memory_space<vmem>>, vector<1x16xf32>,
      %swap3A_129 = vector.shape_cast %swap3A_128 : vector<1x16xf32> to vector<16xf32>
      %swap3A_130 = vector.shape_cast %broadcast_in_dim3A_121 : vector<16xf32> to vector<1x16xf32>
      tpu.vector_store %swap3A_125[%swap3A_126, %swap3A_127], %swap3A_130 {strides = array<i32>} : memref<128x128xf32, #tpu.memory_space<vmem>>, vector<1x16xf32>,
      %broadcast_in_dim3A_131 = arith.constant 0.000000e+00 : f32
      %broadcast_in_dim3A_132 = vector.broadcast %broadcast_in_dim3A_131 : f32 to vector<16xf32>
      %swap3A_133 = arith.constant 0 : i32
      %swap3A_134 = arith.constant 0 : i32
      %swap3A_135 = tpu.memref_slice %arg8[%scan3A_0, %swap3A_133, %swap3A_134] : memref<2x128x128xf32, #tpu.memory_space<vmem>> -> memref<1x128x128xf32, #tpu.memory_space<vmem>>
      %swap3A_136 = tpu.memref_squeeze %swap3A_135 : memref<1x128x128xf32, #tpu.memory_space<vmem>> -> memref<128x128xf32, #tpu.memory_space<vmem>>
      %swap3A_137 = arith.index_cast %scan3A_66 : i32 to index
      %swap3A_138 = arith.constant 96 : index
      %swap3A_139 = tpu.vector_load %swap3A_136[%swap3A_137, %swap3A_138] {strides = array<i32>} : memref<128x128xf32, #tpu.memory_space<vmem>>, vector<1x16xf32>,
      %swap3A_140 = vector.shape_cast %swap3A_139 : vector<1x16xf32> to vector<16xf32>
      %swap3A_141 = vector.shape_cast %broadcast_in_dim3A_132 : vector<16xf32> to vector<1x16xf32>
      tpu.vector_store %swap3A_136[%swap3A_137, %swap3A_138], %swap3A_141 {strides = array<i32>} : memref<128x128xf32, #tpu.memory_space<vmem>>, vector<1x16xf32>,
      %broadcast_in_dim3A_142 = arith.constant 0.000000e+00 : f32
      %broadcast_in_dim3A_143 = vector.broadcast %broadcast_in_dim3A_142 : f32 to vector<16xf32>
      %swap3A_144 = arith.constant 0 : i32
      %swap3A_145 = arith.constant 0 : i32
      %swap3A_146 = tpu.memref_slice %arg8[%scan3A_0, %swap3A_144, %swap3A_145] : memref<2x128x128xf32, #tpu.memory_space<vmem>> -> memref<1x128x128xf32, #tpu.memory_space<vmem>>
      %swap3A_147 = tpu.memref_squeeze %swap3A_146 : memref<1x128x128xf32, #tpu.memory_space<vmem>> -> memref<128x128xf32, #tpu.memory_space<vmem>>
      %swap3A_148 = arith.index_cast %scan3A_66 : i32 to index
      %swap3A_149 = arith.constant 112 : index
      %swap3A_150 = tpu.vector_load %swap3A_147[%swap3A_148, %swap3A_149] {strides = array<i32>} : memref<128x128xf32, #tpu.memory_space<vmem>>, vector<1x16xf32>,
      %swap3A_151 = vector.shape_cast %swap3A_150 : vector<1x16xf32> to vector<16xf32>
      %swap3A_152 = vector.shape_cast %broadcast_in_dim3A_143 : vector<16xf32> to vector<1x16xf32>
      tpu.vector_store %swap3A_147[%swap3A_148, %swap3A_149], %swap3A_152 {strides = array<i32>} : memref<128x128xf32, #tpu.memory_space<vmem>>, vector<1x16xf32>,
    }
    %scan3A_5 = arith.constant 128 : i32
    %mul3A = arith.constant 640 : i32
    %mul3A_6 = arith.muli %arg1, %mul3A : i32
    %add3A = arith.constant 0 : i32
    %add3A_7 = arith.addi %mul3A_6, %add3A : i32
    %run_scoped3A = arith.constant 0 : i32
    "tpu.region"() ({
      %run_scoped3A_66 = tpu.sem_alloc : memref<!tpu.dma_semaphore, #tpu.memory_space<semaphore_mem>>
      %dma_start3A_67 = arith.constant 0 : i32
      %dma_start3A_68 = arith.constant 0 : i32
      %dma_start3A_69 = tpu.memref_slice %arg8[%run_scoped3A, %dma_start3A_67, %dma_start3A_68] : memref<2x128x128xf32, #tpu.memory_space<vmem>> -> memref<1x128x128xf32, #tpu.memory_space<vmem>>
      %dma_start3A_70 = tpu.memref_squeeze %dma_start3A_69 : memref<1x128x128xf32, #tpu.memory_space<vmem>> -> memref<128x128xf32, #tpu.memory_space<vmem>>
      %dma_start3A_71 = arith.constant 0 : i32
      %dma_start3A_72 = tpu.memref_slice %arg9[%add3A_7, %dma_start3A_71] : memref<10240x128xf32, #tpu.memory_space<vmem_shared>> -> memref<128x128xf32, #tpu.memory_space<vmem_shared>>
      %dma_start3A_73 = arith.constant 0 : i32
      %dma_start3A_74 = tpu.memref_slice %arg9[%add3A_7, %dma_start3A_73] : memref<10240x128xf32, #tpu.memory_space<vmem_shared>> -> memref<128x128xf32, #tpu.memory_space<vmem_shared>>
      %dma_start3A_75 = arith.constant 0 : i32
      %dma_start3A_76 = arith.constant 0 : i32
      %dma_start3A_77 = tpu.memref_slice %arg8[%run_scoped3A, %dma_start3A_75, %dma_start3A_76] : memref<2x128x128xf32, #tpu.memory_space<vmem>> -> memref<1x128x128xf32, #tpu.memory_space<vmem>>
      %dma_start3A_78 = tpu.memref_squeeze %dma_start3A_77 : memref<1x128x128xf32, #tpu.memory_space<vmem>> -> memref<128x128xf32, #tpu.memory_space<vmem>>
      tpu.enqueue_dma source(%dma_start3A_78 : memref<128x128xf32, #tpu.memory_space<vmem>>) target(%dma_start3A_74 : memref<128x128xf32, #tpu.memory_space<vmem_shared>>) target_semaphore(%run_scoped3A_66 : memref<!tpu.dma_semaphore, #tpu.memory_space<semaphore_mem>>)
      %dma_wait3A = arith.constant 0 : i32
      %dma_wait3A_79 = arith.constant 0 : i32
      %dma_wait3A_80 = tpu.memref_slice %arg8[%run_scoped3A, %dma_wait3A, %dma_wait3A_79] : memref<2x128x128xf32, #tpu.memory_space<vmem>> -> memref<1x128x128xf32, #tpu.memory_space<vmem>>
      %dma_wait3A_81 = tpu.memref_squeeze %dma_wait3A_80 : memref<1x128x128xf32, #tpu.memory_space<vmem>> -> memref<128x128xf32, #tpu.memory_space<vmem>>
      %dma_wait3A_82 = arith.constant 0 : i32
      %dma_wait3A_83 = tpu.memref_slice %arg9[%add3A_7, %dma_wait3A_82] : memref<10240x128xf32, #tpu.memory_space<vmem_shared>> -> memref<128x128xf32, #tpu.memory_space<vmem_shared>>
      %dma_wait3A_84 = arith.constant 0 : i32
      %dma_wait3A_85 = tpu.memref_slice %arg9[%add3A_7, %dma_wait3A_84] : memref<10240x128xf32, #tpu.memory_space<vmem_shared>> -> memref<128x128xf32, #tpu.memory_space<vmem_shared>>
      %dma_wait3A_86 = arith.constant 0 : i32
      %dma_wait3A_87 = arith.constant 0 : i32
      %dma_wait3A_88 = tpu.memref_slice %arg8[%run_scoped3A, %dma_wait3A_86, %dma_wait3A_87] : memref<2x128x128xf32, #tpu.memory_space<vmem>> -> memref<1x128x128xf32, #tpu.memory_space<vmem>>
      %dma_wait3A_89 = tpu.memref_squeeze %dma_wait3A_88 : memref<1x128x128xf32, #tpu.memory_space<vmem>> -> memref<128x128xf32, #tpu.memory_space<vmem>>
      tpu.wait_dma2 semaphore(%run_scoped3A_66 : memref<!tpu.dma_semaphore, #tpu.memory_space<semaphore_mem>>) src(%dma_wait3A_89 : memref<128x128xf32, #tpu.memory_space<vmem>>) dst(%dma_wait3A_85 : memref<128x128xf32, #tpu.memory_space<vmem_shared>>)
      tpu.yield
    }) : () -> ()
    %mul3A_8 = arith.constant 640 : i32
    %mul3A_9 = arith.muli %arg1, %mul3A_8 : i32
    %add3A_10 = arith.constant 128 : i32
    %add3A_11 = arith.addi %mul3A_9, %add3A_10 : i32
    %run_scoped3A_12 = arith.constant 0 : i32
    "tpu.region"() ({
      %run_scoped3A_66 = tpu.sem_alloc : memref<!tpu.dma_semaphore, #tpu.memory_space<semaphore_mem>>
      %dma_start3A_67 = arith.constant 0 : i32
      %dma_start3A_68 = arith.constant 0 : i32
      %dma_start3A_69 = tpu.memref_slice %arg8[%run_scoped3A_12, %dma_start3A_67, %dma_start3A_68] : memref<2x128x128xf32, #tpu.memory_space<vmem>> -> memref<1x128x128xf32, #tpu.memory_space<vmem>>
      %dma_start3A_70 = tpu.memref_squeeze %dma_start3A_69 : memref<1x128x128xf32, #tpu.memory_space<vmem>> -> memref<128x128xf32, #tpu.memory_space<vmem>>
      %dma_start3A_71 = arith.constant 0 : i32
      %dma_start3A_72 = tpu.memref_slice %arg9[%add3A_11, %dma_start3A_71] : memref<10240x128xf32, #tpu.memory_space<vmem_shared>> -> memref<128x128xf32, #tpu.memory_space<vmem_shared>>
      %dma_start3A_73 = arith.constant 0 : i32
      %dma_start3A_74 = tpu.memref_slice %arg9[%add3A_11, %dma_start3A_73] : memref<10240x128xf32, #tpu.memory_space<vmem_shared>> -> memref<128x128xf32, #tpu.memory_space<vmem_shared>>
      %dma_start3A_75 = arith.constant 0 : i32
      %dma_start3A_76 = arith.constant 0 : i32
      %dma_start3A_77 = tpu.memref_slice %arg8[%run_scoped3A_12, %dma_start3A_75, %dma_start3A_76] : memref<2x128x128xf32, #tpu.memory_space<vmem>> -> memref<1x128x128xf32, #tpu.memory_space<vmem>>
      %dma_start3A_78 = tpu.memref_squeeze %dma_start3A_77 : memref<1x128x128xf32, #tpu.memory_space<vmem>> -> memref<128x128xf32, #tpu.memory_space<vmem>>
      tpu.enqueue_dma source(%dma_start3A_78 : memref<128x128xf32, #tpu.memory_space<vmem>>) target(%dma_start3A_74 : memref<128x128xf32, #tpu.memory_space<vmem_shared>>) target_semaphore(%run_scoped3A_66 : memref<!tpu.dma_semaphore, #tpu.memory_space<semaphore_mem>>)
      %dma_wait3A = arith.constant 0 : i32
      %dma_wait3A_79 = arith.constant 0 : i32
      %dma_wait3A_80 = tpu.memref_slice %arg8[%run_scoped3A_12, %dma_wait3A, %dma_wait3A_79] : memref<2x128x128xf32, #tpu.memory_space<vmem>> -> memref<1x128x128xf32, #tpu.memory_space<vmem>>
      %dma_wait3A_81 = tpu.memref_squeeze %dma_wait3A_80 : memref<1x128x128xf32, #tpu.memory_space<vmem>> -> memref<128x128xf32, #tpu.memory_space<vmem>>
      %dma_wait3A_82 = arith.constant 0 : i32
      %dma_wait3A_83 = tpu.memref_slice %arg9[%add3A_11, %dma_wait3A_82] : memref<10240x128xf32, #tpu.memory_space<vmem_shared>> -> memref<128x128xf32, #tpu.memory_space<vmem_shared>>
      %dma_wait3A_84 = arith.constant 0 : i32
      %dma_wait3A_85 = tpu.memref_slice %arg9[%add3A_11, %dma_wait3A_84] : memref<10240x128xf32, #tpu.memory_space<vmem_shared>> -> memref<128x128xf32, #tpu.memory_space<vmem_shared>>
      %dma_wait3A_86 = arith.constant 0 : i32
      %dma_wait3A_87 = arith.constant 0 : i32
      %dma_wait3A_88 = tpu.memref_slice %arg8[%run_scoped3A_12, %dma_wait3A_86, %dma_wait3A_87] : memref<2x128x128xf32, #tpu.memory_space<vmem>> -> memref<1x128x128xf32, #tpu.memory_space<vmem>>
      %dma_wait3A_89 = tpu.memref_squeeze %dma_wait3A_88 : memref<1x128x128xf32, #tpu.memory_space<vmem>> -> memref<128x128xf32, #tpu.memory_space<vmem>>
      tpu.wait_dma2 semaphore(%run_scoped3A_66 : memref<!tpu.dma_semaphore, #tpu.memory_space<semaphore_mem>>) src(%dma_wait3A_89 : memref<128x128xf32, #tpu.memory_space<vmem>>) dst(%dma_wait3A_85 : memref<128x128xf32, #tpu.memory_space<vmem_shared>>)
      tpu.yield
    }) : () -> ()
    %mul3A_13 = arith.constant 640 : i32
    %mul3A_14 = arith.muli %arg1, %mul3A_13 : i32
    %add3A_15 = arith.constant 256 : i32
    %add3A_16 = arith.addi %mul3A_14, %add3A_15 : i32
    %run_scoped3A_17 = arith.constant 0 : i32
    "tpu.region"() ({
      %run_scoped3A_66 = tpu.sem_alloc : memref<!tpu.dma_semaphore, #tpu.memory_space<semaphore_mem>>
      %dma_start3A_67 = arith.constant 0 : i32
      %dma_start3A_68 = arith.constant 0 : i32
      %dma_start3A_69 = tpu.memref_slice %arg8[%run_scoped3A_17, %dma_start3A_67, %dma_start3A_68] : memref<2x128x128xf32, #tpu.memory_space<vmem>> -> memref<1x128x128xf32, #tpu.memory_space<vmem>>
      %dma_start3A_70 = tpu.memref_squeeze %dma_start3A_69 : memref<1x128x128xf32, #tpu.memory_space<vmem>> -> memref<128x128xf32, #tpu.memory_space<vmem>>
      %dma_start3A_71 = arith.constant 0 : i32
      %dma_start3A_72 = tpu.memref_slice %arg9[%add3A_16, %dma_start3A_71] : memref<10240x128xf32, #tpu.memory_space<vmem_shared>> -> memref<128x128xf32, #tpu.memory_space<vmem_shared>>
      %dma_start3A_73 = arith.constant 0 : i32
      %dma_start3A_74 = tpu.memref_slice %arg9[%add3A_16, %dma_start3A_73] : memref<10240x128xf32, #tpu.memory_space<vmem_shared>> -> memref<128x128xf32, #tpu.memory_space<vmem_shared>>
      %dma_start3A_75 = arith.constant 0 : i32
      %dma_start3A_76 = arith.constant 0 : i32
      %dma_start3A_77 = tpu.memref_slice %arg8[%run_scoped3A_17, %dma_start3A_75, %dma_start3A_76] : memref<2x128x128xf32, #tpu.memory_space<vmem>> -> memref<1x128x128xf32, #tpu.memory_space<vmem>>
      %dma_start3A_78 = tpu.memref_squeeze %dma_start3A_77 : memref<1x128x128xf32, #tpu.memory_space<vmem>> -> memref<128x128xf32, #tpu.memory_space<vmem>>
      tpu.enqueue_dma source(%dma_start3A_78 : memref<128x128xf32, #tpu.memory_space<vmem>>) target(%dma_start3A_74 : memref<128x128xf32, #tpu.memory_space<vmem_shared>>) target_semaphore(%run_scoped3A_66 : memref<!tpu.dma_semaphore, #tpu.memory_space<semaphore_mem>>)
      %dma_wait3A = arith.constant 0 : i32
      %dma_wait3A_79 = arith.constant 0 : i32
      %dma_wait3A_80 = tpu.memref_slice %arg8[%run_scoped3A_17, %dma_wait3A, %dma_wait3A_79] : memref<2x128x128xf32, #tpu.memory_space<vmem>> -> memref<1x128x128xf32, #tpu.memory_space<vmem>>
      %dma_wait3A_81 = tpu.memref_squeeze %dma_wait3A_80 : memref<1x128x128xf32, #tpu.memory_space<vmem>> -> memref<128x128xf32, #tpu.memory_space<vmem>>
      %dma_wait3A_82 = arith.constant 0 : i32
      %dma_wait3A_83 = tpu.memref_slice %arg9[%add3A_16, %dma_wait3A_82] : memref<10240x128xf32, #tpu.memory_space<vmem_shared>> -> memref<128x128xf32, #tpu.memory_space<vmem_shared>>
      %dma_wait3A_84 = arith.constant 0 : i32
      %dma_wait3A_85 = tpu.memref_slice %arg9[%add3A_16, %dma_wait3A_84] : memref<10240x128xf32, #tpu.memory_space<vmem_shared>> -> memref<128x128xf32, #tpu.memory_space<vmem_shared>>
      %dma_wait3A_86 = arith.constant 0 : i32
      %dma_wait3A_87 = arith.constant 0 : i32
      %dma_wait3A_88 = tpu.memref_slice %arg8[%run_scoped3A_17, %dma_wait3A_86, %dma_wait3A_87] : memref<2x128x128xf32, #tpu.memory_space<vmem>> -> memref<1x128x128xf32, #tpu.memory_space<vmem>>
      %dma_wait3A_89 = tpu.memref_squeeze %dma_wait3A_88 : memref<1x128x128xf32, #tpu.memory_space<vmem>> -> memref<128x128xf32, #tpu.memory_space<vmem>>
      tpu.wait_dma2 semaphore(%run_scoped3A_66 : memref<!tpu.dma_semaphore, #tpu.memory_space<semaphore_mem>>) src(%dma_wait3A_89 : memref<128x128xf32, #tpu.memory_space<vmem>>) dst(%dma_wait3A_85 : memref<128x128xf32, #tpu.memory_space<vmem_shared>>)
      tpu.yield
    }) : () -> ()
    %mul3A_18 = arith.constant 640 : i32
    %mul3A_19 = arith.muli %arg1, %mul3A_18 : i32
    %add3A_20 = arith.constant 384 : i32
    %add3A_21 = arith.addi %mul3A_19, %add3A_20 : i32
    %run_scoped3A_22 = arith.constant 0 : i32
    "tpu.region"() ({
      %run_scoped3A_66 = tpu.sem_alloc : memref<!tpu.dma_semaphore, #tpu.memory_space<semaphore_mem>>
      %dma_start3A_67 = arith.constant 0 : i32
      %dma_start3A_68 = arith.constant 0 : i32
      %dma_start3A_69 = tpu.memref_slice %arg8[%run_scoped3A_22, %dma_start3A_67, %dma_start3A_68] : memref<2x128x128xf32, #tpu.memory_space<vmem>> -> memref<1x128x128xf32, #tpu.memory_space<vmem>>
      %dma_start3A_70 = tpu.memref_squeeze %dma_start3A_69 : memref<1x128x128xf32, #tpu.memory_space<vmem>> -> memref<128x128xf32, #tpu.memory_space<vmem>>
      %dma_start3A_71 = arith.constant 0 : i32
      %dma_start3A_72 = tpu.memref_slice %arg9[%add3A_21, %dma_start3A_71] : memref<10240x128xf32, #tpu.memory_space<vmem_shared>> -> memref<128x128xf32, #tpu.memory_space<vmem_shared>>
      %dma_start3A_73 = arith.constant 0 : i32
      %dma_start3A_74 = tpu.memref_slice %arg9[%add3A_21, %dma_start3A_73] : memref<10240x128xf32, #tpu.memory_space<vmem_shared>> -> memref<128x128xf32, #tpu.memory_space<vmem_shared>>
      %dma_start3A_75 = arith.constant 0 : i32
      %dma_start3A_76 = arith.constant 0 : i32
      %dma_start3A_77 = tpu.memref_slice %arg8[%run_scoped3A_22, %dma_start3A_75, %dma_start3A_76] : memref<2x128x128xf32, #tpu.memory_space<vmem>> -> memref<1x128x128xf32, #tpu.memory_space<vmem>>
      %dma_start3A_78 = tpu.memref_squeeze %dma_start3A_77 : memref<1x128x128xf32, #tpu.memory_space<vmem>> -> memref<128x128xf32, #tpu.memory_space<vmem>>
      tpu.enqueue_dma source(%dma_start3A_78 : memref<128x128xf32, #tpu.memory_space<vmem>>) target(%dma_start3A_74 : memref<128x128xf32, #tpu.memory_space<vmem_shared>>) target_semaphore(%run_scoped3A_66 : memref<!tpu.dma_semaphore, #tpu.memory_space<semaphore_mem>>)
      %dma_wait3A = arith.constant 0 : i32
      %dma_wait3A_79 = arith.constant 0 : i32
      %dma_wait3A_80 = tpu.memref_slice %arg8[%run_scoped3A_22, %dma_wait3A, %dma_wait3A_79] : memref<2x128x128xf32, #tpu.memory_space<vmem>> -> memref<1x128x128xf32, #tpu.memory_space<vmem>>
      %dma_wait3A_81 = tpu.memref_squeeze %dma_wait3A_80 : memref<1x128x128xf32, #tpu.memory_space<vmem>> -> memref<128x128xf32, #tpu.memory_space<vmem>>
      %dma_wait3A_82 = arith.constant 0 : i32
      %dma_wait3A_83 = tpu.memref_slice %arg9[%add3A_21, %dma_wait3A_82] : memref<10240x128xf32, #tpu.memory_space<vmem_shared>> -> memref<128x128xf32, #tpu.memory_space<vmem_shared>>
      %dma_wait3A_84 = arith.constant 0 : i32
      %dma_wait3A_85 = tpu.memref_slice %arg9[%add3A_21, %dma_wait3A_84] : memref<10240x128xf32, #tpu.memory_space<vmem_shared>> -> memref<128x128xf32, #tpu.memory_space<vmem_shared>>
      %dma_wait3A_86 = arith.constant 0 : i32
      %dma_wait3A_87 = arith.constant 0 : i32
      %dma_wait3A_88 = tpu.memref_slice %arg8[%run_scoped3A_22, %dma_wait3A_86, %dma_wait3A_87] : memref<2x128x128xf32, #tpu.memory_space<vmem>> -> memref<1x128x128xf32, #tpu.memory_space<vmem>>
      %dma_wait3A_89 = tpu.memref_squeeze %dma_wait3A_88 : memref<1x128x128xf32, #tpu.memory_space<vmem>> -> memref<128x128xf32, #tpu.memory_space<vmem>>
      tpu.wait_dma2 semaphore(%run_scoped3A_66 : memref<!tpu.dma_semaphore, #tpu.memory_space<semaphore_mem>>) src(%dma_wait3A_89 : memref<128x128xf32, #tpu.memory_space<vmem>>) dst(%dma_wait3A_85 : memref<128x128xf32, #tpu.memory_space<vmem_shared>>)
      tpu.yield
    }) : () -> ()
    %mul3A_23 = arith.constant 640 : i32
    %mul3A_24 = arith.muli %arg1, %mul3A_23 : i32
    %add3A_25 = arith.constant 512 : i32
    %add3A_26 = arith.addi %mul3A_24, %add3A_25 : i32
    %run_scoped3A_27 = arith.constant 0 : i32
    "tpu.region"() ({
      %run_scoped3A_66 = tpu.sem_alloc : memref<!tpu.dma_semaphore, #tpu.memory_space<semaphore_mem>>
      %dma_start3A_67 = arith.constant 0 : i32
      %dma_start3A_68 = arith.constant 0 : i32
      %dma_start3A_69 = tpu.memref_slice %arg8[%run_scoped3A_27, %dma_start3A_67, %dma_start3A_68] : memref<2x128x128xf32, #tpu.memory_space<vmem>> -> memref<1x128x128xf32, #tpu.memory_space<vmem>>
      %dma_start3A_70 = tpu.memref_squeeze %dma_start3A_69 : memref<1x128x128xf32, #tpu.memory_space<vmem>> -> memref<128x128xf32, #tpu.memory_space<vmem>>
      %dma_start3A_71 = arith.constant 0 : i32
      %dma_start3A_72 = tpu.memref_slice %arg9[%add3A_26, %dma_start3A_71] : memref<10240x128xf32, #tpu.memory_space<vmem_shared>> -> memref<128x128xf32, #tpu.memory_space<vmem_shared>>
      %dma_start3A_73 = arith.constant 0 : i32
      %dma_start3A_74 = tpu.memref_slice %arg9[%add3A_26, %dma_start3A_73] : memref<10240x128xf32, #tpu.memory_space<vmem_shared>> -> memref<128x128xf32, #tpu.memory_space<vmem_shared>>
      %dma_start3A_75 = arith.constant 0 : i32
      %dma_start3A_76 = arith.constant 0 : i32
      %dma_start3A_77 = tpu.memref_slice %arg8[%run_scoped3A_27, %dma_start3A_75, %dma_start3A_76] : memref<2x128x128xf32, #tpu.memory_space<vmem>> -> memref<1x128x128xf32, #tpu.memory_space<vmem>>
      %dma_start3A_78 = tpu.memref_squeeze %dma_start3A_77 : memref<1x128x128xf32, #tpu.memory_space<vmem>> -> memref<128x128xf32, #tpu.memory_space<vmem>>
      tpu.enqueue_dma source(%dma_start3A_78 : memref<128x128xf32, #tpu.memory_space<vmem>>) target(%dma_start3A_74 : memref<128x128xf32, #tpu.memory_space<vmem_shared>>) target_semaphore(%run_scoped3A_66 : memref<!tpu.dma_semaphore, #tpu.memory_space<semaphore_mem>>)
      %dma_wait3A = arith.constant 0 : i32
      %dma_wait3A_79 = arith.constant 0 : i32
      %dma_wait3A_80 = tpu.memref_slice %arg8[%run_scoped3A_27, %dma_wait3A, %dma_wait3A_79] : memref<2x128x128xf32, #tpu.memory_space<vmem>> -> memref<1x128x128xf32, #tpu.memory_space<vmem>>
      %dma_wait3A_81 = tpu.memref_squeeze %dma_wait3A_80 : memref<1x128x128xf32, #tpu.memory_space<vmem>> -> memref<128x128xf32, #tpu.memory_space<vmem>>
      %dma_wait3A_82 = arith.constant 0 : i32
      %dma_wait3A_83 = tpu.memref_slice %arg9[%add3A_26, %dma_wait3A_82] : memref<10240x128xf32, #tpu.memory_space<vmem_shared>> -> memref<128x128xf32, #tpu.memory_space<vmem_shared>>
      %dma_wait3A_84 = arith.constant 0 : i32
      %dma_wait3A_85 = tpu.memref_slice %arg9[%add3A_26, %dma_wait3A_84] : memref<10240x128xf32, #tpu.memory_space<vmem_shared>> -> memref<128x128xf32, #tpu.memory_space<vmem_shared>>
      %dma_wait3A_86 = arith.constant 0 : i32
      %dma_wait3A_87 = arith.constant 0 : i32
      %dma_wait3A_88 = tpu.memref_slice %arg8[%run_scoped3A_27, %dma_wait3A_86, %dma_wait3A_87] : memref<2x128x128xf32, #tpu.memory_space<vmem>> -> memref<1x128x128xf32, #tpu.memory_space<vmem>>
      %dma_wait3A_89 = tpu.memref_squeeze %dma_wait3A_88 : memref<1x128x128xf32, #tpu.memory_space<vmem>> -> memref<128x128xf32, #tpu.memory_space<vmem>>
      tpu.wait_dma2 semaphore(%run_scoped3A_66 : memref<!tpu.dma_semaphore, #tpu.memory_space<semaphore_mem>>) src(%dma_wait3A_89 : memref<128x128xf32, #tpu.memory_space<vmem>>) dst(%dma_wait3A_85 : memref<128x128xf32, #tpu.memory_space<vmem_shared>>)
      tpu.yield
    }) : () -> ()
    %barrier3A = arith.constant 0 : index
    tpu.barrier barrier_id(%barrier3A)
    %run_scoped3A_28 = arith.constant 0 : i32
    "tpu.region"() ({
      %run_scoped3A_66 = tpu.sem_alloc : memref<!tpu.dma_semaphore, #tpu.memory_space<semaphore_mem>>
      %dma_start3A_67 = arith.constant 0 : i32
      %dma_start3A_68 = arith.constant 0 : i32
      %dma_start3A_69 = tpu.memref_slice %arg6[%run_scoped3A_28, %dma_start3A_67, %dma_start3A_68] : memref<2x8x128xi32, #tpu.memory_space<vmem>> -> memref<1x8x128xi32, #tpu.memory_space<vmem>>
      %dma_start3A_70 = tpu.memref_squeeze %dma_start3A_69 : memref<1x8x128xi32, #tpu.memory_space<vmem>> -> memref<8x128xi32, #tpu.memory_space<vmem>>
      %dma_start3A_71 = arith.constant 0 : i32
      %dma_start3A_72 = arith.constant 0 : i32
      %dma_start3A_73 = tpu.memref_slice %arg3[%arg0, %arg1, %dma_start3A_71, %dma_start3A_72] : memref<2x16x160x128xi32, #tpu.memory_space<hbm>> -> memref<1x1x8x128xi32, #tpu.memory_space<hbm>>
      %dma_start3A_74 = tpu.memref_squeeze %dma_start3A_73 : memref<1x1x8x128xi32, #tpu.memory_space<hbm>> -> memref<8x128xi32, #tpu.memory_space<hbm>>
      %dma_start3A_75 = arith.constant 0 : i32
      %dma_start3A_76 = arith.constant 0 : i32
      %dma_start3A_77 = tpu.memref_slice %arg6[%run_scoped3A_28, %dma_start3A_75, %dma_start3A_76] : memref<2x8x128xi32, #tpu.memory_space<vmem>> -> memref<1x8x128xi32, #tpu.memory_space<vmem>>
      %dma_start3A_78 = tpu.memref_squeeze %dma_start3A_77 : memref<1x8x128xi32, #tpu.memory_space<vmem>> -> memref<8x128xi32, #tpu.memory_space<vmem>>
      %dma_start3A_79 = arith.constant 0 : i32
      %dma_start3A_80 = arith.constant 0 : i32
      %dma_start3A_81 = tpu.memref_slice %arg3[%arg0, %arg1, %dma_start3A_79, %dma_start3A_80] : memref<2x16x160x128xi32, #tpu.memory_space<hbm>> -> memref<1x1x8x128xi32, #tpu.memory_space<hbm>>
      %dma_start3A_82 = tpu.memref_squeeze %dma_start3A_81 : memref<1x1x8x128xi32, #tpu.memory_space<hbm>> -> memref<8x128xi32, #tpu.memory_space<hbm>>
      tpu.enqueue_dma source(%dma_start3A_82 : memref<8x128xi32, #tpu.memory_space<hbm>>) target(%dma_start3A_78 : memref<8x128xi32, #tpu.memory_space<vmem>>) target_semaphore(%run_scoped3A_66 : memref<!tpu.dma_semaphore, #tpu.memory_space<semaphore_mem>>)
      %dma_wait3A = arith.constant 0 : i32
      %dma_wait3A_83 = arith.constant 0 : i32
      %dma_wait3A_84 = tpu.memref_slice %arg6[%run_scoped3A_28, %dma_wait3A, %dma_wait3A_83] : memref<2x8x128xi32, #tpu.memory_space<vmem>> -> memref<1x8x128xi32, #tpu.memory_space<vmem>>
      %dma_wait3A_85 = tpu.memref_squeeze %dma_wait3A_84 : memref<1x8x128xi32, #tpu.memory_space<vmem>> -> memref<8x128xi32, #tpu.memory_space<vmem>>
      %dma_wait3A_86 = arith.constant 0 : i32
      %dma_wait3A_87 = arith.constant 0 : i32
      %dma_wait3A_88 = tpu.memref_slice %arg3[%arg0, %arg1, %dma_wait3A_86, %dma_wait3A_87] : memref<2x16x160x128xi32, #tpu.memory_space<hbm>> -> memref<1x1x8x128xi32, #tpu.memory_space<hbm>>
      %dma_wait3A_89 = tpu.memref_squeeze %dma_wait3A_88 : memref<1x1x8x128xi32, #tpu.memory_space<hbm>> -> memref<8x128xi32, #tpu.memory_space<hbm>>
      %dma_wait3A_90 = arith.constant 0 : i32
      %dma_wait3A_91 = arith.constant 0 : i32
      %dma_wait3A_92 = tpu.memref_slice %arg6[%run_scoped3A_28, %dma_wait3A_90, %dma_wait3A_91] : memref<2x8x128xi32, #tpu.memory_space<vmem>> -> memref<1x8x128xi32, #tpu.memory_space<vmem>>
      %dma_wait3A_93 = tpu.memref_squeeze %dma_wait3A_92 : memref<1x8x128xi32, #tpu.memory_space<vmem>> -> memref<8x128xi32, #tpu.memory_space<vmem>>
      %dma_wait3A_94 = arith.constant 0 : i32
      %dma_wait3A_95 = arith.constant 0 : i32
      %dma_wait3A_96 = tpu.memref_slice %arg3[%arg0, %arg1, %dma_wait3A_94, %dma_wait3A_95] : memref<2x16x160x128xi32, #tpu.memory_space<hbm>> -> memref<1x1x8x128xi32, #tpu.memory_space<hbm>>
      %dma_wait3A_97 = tpu.memref_squeeze %dma_wait3A_96 : memref<1x1x8x128xi32, #tpu.memory_space<hbm>> -> memref<8x128xi32, #tpu.memory_space<hbm>>
      tpu.wait_dma2 semaphore(%run_scoped3A_66 : memref<!tpu.dma_semaphore, #tpu.memory_space<semaphore_mem>>) src(%dma_wait3A_97 : memref<8x128xi32, #tpu.memory_space<hbm>>) dst(%dma_wait3A_93 : memref<8x128xi32, #tpu.memory_space<vmem>>)
      tpu.yield
    }) : () -> ()
    %run_scoped3A_29 = arith.constant 0 : i32
    "tpu.region"() ({
      %run_scoped3A_66 = tpu.sem_alloc : memref<!tpu.dma_semaphore, #tpu.memory_space<semaphore_mem>>
      %dma_start3A_67 = arith.constant 0 : i32
      %dma_start3A_68 = arith.constant 0 : i32
      %dma_start3A_69 = tpu.memref_slice %arg7[%run_scoped3A_29, %dma_start3A_67, %dma_start3A_68] : memref<2x8x128xi32, #tpu.memory_space<vmem>> -> memref<1x8x128xi32, #tpu.memory_space<vmem>>
      %dma_start3A_70 = tpu.memref_squeeze %dma_start3A_69 : memref<1x8x128xi32, #tpu.memory_space<vmem>> -> memref<8x128xi32, #tpu.memory_space<vmem>>
      %dma_start3A_71 = arith.constant 0 : i32
      %dma_start3A_72 = arith.constant 0 : i32
      %dma_start3A_73 = tpu.memref_slice %arg4[%arg0, %arg1, %dma_start3A_71, %dma_start3A_72] : memref<2x16x160x128xi32, #tpu.memory_space<hbm>> -> memref<1x1x8x128xi32, #tpu.memory_space<hbm>>
      %dma_start3A_74 = tpu.memref_squeeze %dma_start3A_73 : memref<1x1x8x128xi32, #tpu.memory_space<hbm>> -> memref<8x128xi32, #tpu.memory_space<hbm>>
      %dma_start3A_75 = arith.constant 0 : i32
      %dma_start3A_76 = arith.constant 0 : i32
      %dma_start3A_77 = tpu.memref_slice %arg7[%run_scoped3A_29, %dma_start3A_75, %dma_start3A_76] : memref<2x8x128xi32, #tpu.memory_space<vmem>> -> memref<1x8x128xi32, #tpu.memory_space<vmem>>
      %dma_start3A_78 = tpu.memref_squeeze %dma_start3A_77 : memref<1x8x128xi32, #tpu.memory_space<vmem>> -> memref<8x128xi32, #tpu.memory_space<vmem>>
      %dma_start3A_79 = arith.constant 0 : i32
      %dma_start3A_80 = arith.constant 0 : i32
      %dma_start3A_81 = tpu.memref_slice %arg4[%arg0, %arg1, %dma_start3A_79, %dma_start3A_80] : memref<2x16x160x128xi32, #tpu.memory_space<hbm>> -> memref<1x1x8x128xi32, #tpu.memory_space<hbm>>
      %dma_start3A_82 = tpu.memref_squeeze %dma_start3A_81 : memref<1x1x8x128xi32, #tpu.memory_space<hbm>> -> memref<8x128xi32, #tpu.memory_space<hbm>>
      tpu.enqueue_dma source(%dma_start3A_82 : memref<8x128xi32, #tpu.memory_space<hbm>>) target(%dma_start3A_78 : memref<8x128xi32, #tpu.memory_space<vmem>>) target_semaphore(%run_scoped3A_66 : memref<!tpu.dma_semaphore, #tpu.memory_space<semaphore_mem>>)
      %dma_wait3A = arith.constant 0 : i32
      %dma_wait3A_83 = arith.constant 0 : i32
      %dma_wait3A_84 = tpu.memref_slice %arg7[%run_scoped3A_29, %dma_wait3A, %dma_wait3A_83] : memref<2x8x128xi32, #tpu.memory_space<vmem>> -> memref<1x8x128xi32, #tpu.memory_space<vmem>>
      %dma_wait3A_85 = tpu.memref_squeeze %dma_wait3A_84 : memref<1x8x128xi32, #tpu.memory_space<vmem>> -> memref<8x128xi32, #tpu.memory_space<vmem>>
      %dma_wait3A_86 = arith.constant 0 : i32
      %dma_wait3A_87 = arith.constant 0 : i32
      %dma_wait3A_88 = tpu.memref_slice %arg4[%arg0, %arg1, %dma_wait3A_86, %dma_wait3A_87] : memref<2x16x160x128xi32, #tpu.memory_space<hbm>> -> memref<1x1x8x128xi32, #tpu.memory_space<hbm>>
      %dma_wait3A_89 = tpu.memref_squeeze %dma_wait3A_88 : memref<1x1x8x128xi32, #tpu.memory_space<hbm>> -> memref<8x128xi32, #tpu.memory_space<hbm>>
      %dma_wait3A_90 = arith.constant 0 : i32
      %dma_wait3A_91 = arith.constant 0 : i32
      %dma_wait3A_92 = tpu.memref_slice %arg7[%run_scoped3A_29, %dma_wait3A_90, %dma_wait3A_91] : memref<2x8x128xi32, #tpu.memory_space<vmem>> -> memref<1x8x128xi32, #tpu.memory_space<vmem>>
      %dma_wait3A_93 = tpu.memref_squeeze %dma_wait3A_92 : memref<1x8x128xi32, #tpu.memory_space<vmem>> -> memref<8x128xi32, #tpu.memory_space<vmem>>
      %dma_wait3A_94 = arith.constant 0 : i32
      %dma_wait3A_95 = arith.constant 0 : i32
      %dma_wait3A_96 = tpu.memref_slice %arg4[%arg0, %arg1, %dma_wait3A_94, %dma_wait3A_95] : memref<2x16x160x128xi32, #tpu.memory_space<hbm>> -> memref<1x1x8x128xi32, #tpu.memory_space<hbm>>
      %dma_wait3A_97 = tpu.memref_squeeze %dma_wait3A_96 : memref<1x1x8x128xi32, #tpu.memory_space<hbm>> -> memref<8x128xi32, #tpu.memory_space<hbm>>
      tpu.wait_dma2 semaphore(%run_scoped3A_66 : memref<!tpu.dma_semaphore, #tpu.memory_space<semaphore_mem>>) src(%dma_wait3A_97 : memref<8x128xi32, #tpu.memory_space<hbm>>) dst(%dma_wait3A_93 : memref<8x128xi32, #tpu.memory_space<vmem>>)
      tpu.yield
    }) : () -> ()
    %dma_start3A = arith.constant 0 : i32
    %dma_start3A_30 = arith.constant 0 : i32
    %dma_start3A_31 = arith.constant 0 : i32
    %dma_start3A_32 = arith.constant 0 : i32
    %dma_start3A_33 = arith.constant 0 : i32
    %dma_start3A_34 = tpu.memref_slice %arg8[%dma_start3A_31, %dma_start3A_32, %dma_start3A_33] : memref<2x128x128xf32, #tpu.memory_space<vmem>> -> memref<1x128x128xf32, #tpu.memory_space<vmem>>
    %dma_start3A_35 = tpu.memref_squeeze %dma_start3A_34 : memref<1x128x128xf32, #tpu.memory_space<vmem>> -> memref<128x128xf32, #tpu.memory_space<vmem>>
    %dma_start3A_36 = arith.constant 0 : i32
    %dma_start3A_37 = tpu.memref_slice %arg6[%dma_start3A, %dma_start3A_30, %dma_start3A_36] : memref<2x8x128xi32, #tpu.memory_space<vmem>> -> memref<1x1x128xi32, #tpu.memory_space<vmem>>
    %dma_start3A_38 = tpu.memref_squeeze %dma_start3A_37 : memref<1x1x128xi32, #tpu.memory_space<vmem>> -> memref<128xi32, #tpu.memory_space<vmem>>
    %dma_start3A_39 = arith.constant 0 : i32
    %dma_start3A_40 = arith.constant 0 : i32
    %dma_start3A_41 = tpu.memref_slice %arg2[%dma_start3A_39, %dma_start3A_40] : memref<20480x128xf32, #tpu.memory_space<hbm>> -> memref<20480x128xf32, #tpu.memory_space<hbm>>
    tpu.enqueue_indirect_dma source(%dma_start3A_41 : memref<20480x128xf32, #tpu.memory_space<hbm>>) target(%dma_start3A_35 : memref<128x128xf32, #tpu.memory_space<vmem>>) offsets(%dma_start3A_38 : memref<128xi32, #tpu.memory_space<vmem>>) semaphore(%arg10 : memref<!tpu.dma_semaphore, #tpu.memory_space<semaphore_mem>>)
    %dma_start3A_42 = arith.constant 0 : i32
    %dma_start3A_43 = arith.constant 1 : i32
    %dma_start3A_44 = arith.constant 1 : i32
    %dma_start3A_45 = arith.constant 0 : i32
    %dma_start3A_46 = arith.constant 0 : i32
    %dma_start3A_47 = tpu.memref_slice %arg8[%dma_start3A_44, %dma_start3A_45, %dma_start3A_46] : memref<2x128x128xf32, #tpu.memory_space<vmem>> -> memref<1x128x128xf32, #tpu.memory_space<vmem>>
    %dma_start3A_48 = tpu.memref_squeeze %dma_start3A_47 : memref<1x128x128xf32, #tpu.memory_space<vmem>> -> memref<128x128xf32, #tpu.memory_space<vmem>>
    %dma_start3A_49 = arith.constant 0 : i32
    %dma_start3A_50 = tpu.memref_slice %arg6[%dma_start3A_42, %dma_start3A_43, %dma_start3A_49] : memref<2x8x128xi32, #tpu.memory_space<vmem>> -> memref<1x1x128xi32, #tpu.memory_space<vmem>>
    %dma_start3A_51 = tpu.memref_squeeze %dma_start3A_50 : memref<1x1x128xi32, #tpu.memory_space<vmem>> -> memref<128xi32, #tpu.memory_space<vmem>>
    %dma_start3A_52 = arith.constant 0 : i32
    %dma_start3A_53 = arith.constant 0 : i32
    %dma_start3A_54 = tpu.memref_slice %arg2[%dma_start3A_52, %dma_start3A_53] : memref<20480x128xf32, #tpu.memory_space<hbm>> -> memref<20480x128xf32, #tpu.memory_space<hbm>>
    tpu.enqueue_indirect_dma source(%dma_start3A_54 : memref<20480x128xf32, #tpu.memory_space<hbm>>) target(%dma_start3A_48 : memref<128x128xf32, #tpu.memory_space<vmem>>) offsets(%dma_start3A_51 : memref<128xi32, #tpu.memory_space<vmem>>) semaphore(%arg10 : memref<!tpu.dma_semaphore, #tpu.memory_space<semaphore_mem>>)
    %scan3A_55 = arith.constant 0 : i32
    %scan3A_56 = arith.constant 0 : i32
    %scan3A_57 = arith.constant 20 : i32
    %scan3A_58 = arith.addi %scan3A_56, %scan3A_57 : i32
    %scan3A_59 = arith.constant 1 : i32
    scf.for %scan3A_66 = %scan3A_56 to %scan3A_58 step %scan3A_59  : i32 {
      %jit3A = arith.constant 2 : i32
      %eq3A = arith.constant 0 : i32
      %eq3A_67 = arith.cmpi eq, %jit3A, %eq3A : i32
      %jit3A_68 = arith.constant 1 : i32
      %select_n3A = arith.select %eq3A_67, %jit3A_68, %jit3A : i32
      %rem3A = arith.remsi %scan3A_66, %select_n3A : i32
      %ne3A = arith.constant 0 : i32
      %ne3A_69 = arith.cmpi ne, %rem3A, %ne3A : i32
      %lt3A = arith.constant 0 : i32
      %lt3A_70 = arith.cmpi slt, %rem3A, %lt3A : i32
      %lt3A_71 = arith.constant 0 : i32
      %lt3A_72 = arith.cmpi slt, %select_n3A, %lt3A_71 : i32
      %ne3A_73 = arith.xori %lt3A_70, %lt3A_72 : i1
      %and3A = arith.andi %ne3A_73, %ne3A_69 : i1
      %add3A_74 = arith.addi %rem3A, %select_n3A : i32
      %select_n3A_75 = arith.select %and3A, %add3A_74, %rem3A : i32
      %sub3A = arith.constant 1 : i32
      %sub3A_76 = arith.subi %sub3A, %select_n3A_75 : i32
      %add3A_77 = arith.constant 1 : i32
      %add3A_78 = arith.addi %scan3A_66, %add3A_77 : i32
      %lt3A_79 = arith.constant 20 : i32
      %lt3A_80 = arith.cmpi slt, %add3A_78, %lt3A_79 : i32
      %convert_element_type3A = arith.extui %lt3A_80 : i1 to i32
      %cond3A = arith.constant 0 : i32
      %cond3A_81 = arith.cmpi ne, %convert_element_type3A, %cond3A : i32
      scf.if %cond3A_81 {
        %add3A_286 = arith.constant 1 : i32
        %add3A_287 = arith.addi %scan3A_66, %add3A_286 : i32
        %mul3A_288 = arith.constant 8 : i32
        %mul3A_289 = arith.muli %add3A_287, %mul3A_288 : i32
        %dma_start3A_290 = arith.constant 0 : i32
        %dma_start3A_291 = arith.constant 0 : i32
        %dma_start3A_292 = tpu.memref_slice %arg6[%sub3A_76, %dma_start3A_290, %dma_start3A_291] : memref<2x8x128xi32, #tpu.memory_space<vmem>> -> memref<1x8x128xi32, #tpu.memory_space<vmem>>
        %dma_start3A_293 = tpu.memref_squeeze %dma_start3A_292 : memref<1x8x128xi32, #tpu.memory_space<vmem>> -> memref<8x128xi32, #tpu.memory_space<vmem>>
        %dma_start3A_294 = arith.constant 0 : i32
        %dma_start3A_295 = tpu.memref_slice %arg3[%arg0, %arg1, %mul3A_289, %dma_start3A_294] : memref<2x16x160x128xi32, #tpu.memory_space<hbm>> -> memref<1x1x8x128xi32, #tpu.memory_space<hbm>>
        %dma_start3A_296 = tpu.memref_squeeze %dma_start3A_295 : memref<1x1x8x128xi32, #tpu.memory_space<hbm>> -> memref<8x128xi32, #tpu.memory_space<hbm>>
        %dma_start3A_297 = arith.constant 0 : i32
        %dma_start3A_298 = arith.constant 0 : i32
        %dma_start3A_299 = tpu.memref_slice %arg6[%sub3A_76, %dma_start3A_297, %dma_start3A_298] : memref<2x8x128xi32, #tpu.memory_space<vmem>> -> memref<1x8x128xi32, #tpu.memory_space<vmem>>
        %dma_start3A_300 = tpu.memref_squeeze %dma_start3A_299 : memref<1x8x128xi32, #tpu.memory_space<vmem>> -> memref<8x128xi32, #tpu.memory_space<vmem>>
        %dma_start3A_301 = arith.constant 0 : i32
        %dma_start3A_302 = tpu.memref_slice %arg3[%arg0, %arg1, %mul3A_289, %dma_start3A_301] : memref<2x16x160x128xi32, #tpu.memory_space<hbm>> -> memref<1x1x8x128xi32, #tpu.memory_space<hbm>>
        %dma_start3A_303 = tpu.memref_squeeze %dma_start3A_302 : memref<1x1x8x128xi32, #tpu.memory_space<hbm>> -> memref<8x128xi32, #tpu.memory_space<hbm>>
        tpu.enqueue_dma source(%dma_start3A_303 : memref<8x128xi32, #tpu.memory_space<hbm>>) target(%dma_start3A_300 : memref<8x128xi32, #tpu.memory_space<vmem>>) target_semaphore(%arg11 : memref<!tpu.dma_semaphore, #tpu.memory_space<semaphore_mem>>)
        %add3A_304 = arith.constant 1 : i32
        %add3A_305 = arith.addi %scan3A_66, %add3A_304 : i32
        %mul3A_306 = arith.constant 8 : i32
        %mul3A_307 = arith.muli %add3A_305, %mul3A_306 : i32
        %dma_start3A_308 = arith.constant 0 : i32
        %dma_start3A_309 = arith.constant 0 : i32
        %dma_start3A_310 = tpu.memref_slice %arg7[%sub3A_76, %dma_start3A_308, %dma_start3A_309] : memref<2x8x128xi32, #tpu.memory_space<vmem>> -> memref<1x8x128xi32, #tpu.memory_space<vmem>>
        %dma_start3A_311 = tpu.memref_squeeze %dma_start3A_310 : memref<1x8x128xi32, #tpu.memory_space<vmem>> -> memref<8x128xi32, #tpu.memory_space<vmem>>
        %dma_start3A_312 = arith.constant 0 : i32
        %dma_start3A_313 = tpu.memref_slice %arg4[%arg0, %arg1, %mul3A_307, %dma_start3A_312] : memref<2x16x160x128xi32, #tpu.memory_space<hbm>> -> memref<1x1x8x128xi32, #tpu.memory_space<hbm>>
        %dma_start3A_314 = tpu.memref_squeeze %dma_start3A_313 : memref<1x1x8x128xi32, #tpu.memory_space<hbm>> -> memref<8x128xi32, #tpu.memory_space<hbm>>
        %dma_start3A_315 = arith.constant 0 : i32
        %dma_start3A_316 = arith.constant 0 : i32
        %dma_start3A_317 = tpu.memref_slice %arg7[%sub3A_76, %dma_start3A_315, %dma_start3A_316] : memref<2x8x128xi32, #tpu.memory_space<vmem>> -> memref<1x8x128xi32, #tpu.memory_space<vmem>>
        %dma_start3A_318 = tpu.memref_squeeze %dma_start3A_317 : memref<1x8x128xi32, #tpu.memory_space<vmem>> -> memref<8x128xi32, #tpu.memory_space<vmem>>
        %dma_start3A_319 = arith.constant 0 : i32
        %dma_start3A_320 = tpu.memref_slice %arg4[%arg0, %arg1, %mul3A_307, %dma_start3A_319] : memref<2x16x160x128xi32, #tpu.memory_space<hbm>> -> memref<1x1x8x128xi32, #tpu.memory_space<hbm>>
        %dma_start3A_321 = tpu.memref_squeeze %dma_start3A_320 : memref<1x1x8x128xi32, #tpu.memory_space<hbm>> -> memref<8x128xi32, #tpu.memory_space<hbm>>
        tpu.enqueue_dma source(%dma_start3A_321 : memref<8x128xi32, #tpu.memory_space<hbm>>) target(%dma_start3A_318 : memref<8x128xi32, #tpu.memory_space<vmem>>) target_semaphore(%arg11 : memref<!tpu.dma_semaphore, #tpu.memory_space<semaphore_mem>>)
      } else {
      }
      %dma_wait3A = arith.constant 0 : i32
      %dma_wait3A_82 = arith.constant 0 : i32
      %dma_wait3A_83 = arith.constant 0 : i32
      %dma_wait3A_84 = arith.constant 0 : i32
      %dma_wait3A_85 = tpu.memref_slice %arg8[%dma_wait3A_82, %dma_wait3A_83, %dma_wait3A_84] : memref<2x128x128xf32, #tpu.memory_space<vmem>> -> memref<1x128x128xf32, #tpu.memory_space<vmem>>
      %dma_wait3A_86 = tpu.memref_squeeze %dma_wait3A_85 : memref<1x128x128xf32, #tpu.memory_space<vmem>> -> memref<128x128xf32, #tpu.memory_space<vmem>>
      %dma_wait3A_87 = arith.constant 0 : i32
      %dma_wait3A_88 = tpu.memref_slice %arg6[%select_n3A_75, %dma_wait3A, %dma_wait3A_87] : memref<2x8x128xi32, #tpu.memory_space<vmem>> -> memref<1x1x128xi32, #tpu.memory_space<vmem>>
      %dma_wait3A_89 = tpu.memref_squeeze %dma_wait3A_88 : memref<1x1x128xi32, #tpu.memory_space<vmem>> -> memref<128xi32, #tpu.memory_space<vmem>>
      %dma_wait3A_90 = arith.constant 0 : i32
      %dma_wait3A_91 = arith.constant 0 : i32
      %dma_wait3A_92 = tpu.memref_slice %arg2[%dma_wait3A_90, %dma_wait3A_91] : memref<20480x128xf32, #tpu.memory_space<hbm>> -> memref<20480x128xf32, #tpu.memory_space<hbm>>
      tpu.wait_indirect_dma semaphore(%arg10 : memref<!tpu.dma_semaphore, #tpu.memory_space<semaphore_mem>>) src(%dma_wait3A_92 : memref<20480x128xf32, #tpu.memory_space<hbm>>) dst(%dma_wait3A_86 : memref<128x128xf32, #tpu.memory_space<vmem>>)
      %run_scoped3A_93 = arith.constant 0 : i32
      %run_scoped3A_94 = arith.constant 0 : i32
      "tpu.region"() ({
        %run_scoped3A_286 = tpu.sem_alloc : memref<!tpu.dma_semaphore, #tpu.memory_space<semaphore_mem>>
        %dma_start3A_287 = arith.constant 0 : i32
        %dma_start3A_288 = arith.constant 0 : i32
        %dma_start3A_289 = tpu.memref_slice %arg8[%run_scoped3A_93, %dma_start3A_287, %dma_start3A_288] : memref<2x128x128xf32, #tpu.memory_space<vmem>> -> memref<1x128x128xf32, #tpu.memory_space<vmem>>
        %dma_start3A_290 = tpu.memref_squeeze %dma_start3A_289 : memref<1x128x128xf32, #tpu.memory_space<vmem>> -> memref<128x128xf32, #tpu.memory_space<vmem>>
        %dma_start3A_291 = arith.constant 0 : i32
        %dma_start3A_292 = tpu.memref_slice %arg7[%select_n3A_75, %run_scoped3A_94, %dma_start3A_291] : memref<2x8x128xi32, #tpu.memory_space<vmem>> -> memref<1x1x128xi32, #tpu.memory_space<vmem>>
        %dma_start3A_293 = tpu.memref_squeeze %dma_start3A_292 : memref<1x1x128xi32, #tpu.memory_space<vmem>> -> memref<128xi32, #tpu.memory_space<vmem>>
        %dma_start3A_294 = arith.constant 0 : i32
        %dma_start3A_295 = arith.constant 0 : i32
        %dma_start3A_296 = tpu.memref_slice %arg9[%dma_start3A_294, %dma_start3A_295] : memref<10240x128xf32, #tpu.memory_space<vmem_shared>> -> memref<10240x128xf32, #tpu.memory_space<vmem_shared>>
        tpu.enqueue_indirect_dma source(%dma_start3A_290 : memref<128x128xf32, #tpu.memory_space<vmem>>) target(%dma_start3A_296 : memref<10240x128xf32, #tpu.memory_space<vmem_shared>>) offsets(%dma_start3A_293 : memref<128xi32, #tpu.memory_space<vmem>>) semaphore(%run_scoped3A_286 : memref<!tpu.dma_semaphore, #tpu.memory_space<semaphore_mem>>) {add = true}
        %dma_wait3A_297 = arith.constant 0 : i32
        %dma_wait3A_298 = arith.constant 0 : i32
        %dma_wait3A_299 = tpu.memref_slice %arg8[%run_scoped3A_93, %dma_wait3A_297, %dma_wait3A_298] : memref<2x128x128xf32, #tpu.memory_space<vmem>> -> memref<1x128x128xf32, #tpu.memory_space<vmem>>
        %dma_wait3A_300 = tpu.memref_squeeze %dma_wait3A_299 : memref<1x128x128xf32, #tpu.memory_space<vmem>> -> memref<128x128xf32, #tpu.memory_space<vmem>>
        %dma_wait3A_301 = arith.constant 0 : i32
        %dma_wait3A_302 = tpu.memref_slice %arg7[%select_n3A_75, %run_scoped3A_94, %dma_wait3A_301] : memref<2x8x128xi32, #tpu.memory_space<vmem>> -> memref<1x1x128xi32, #tpu.memory_space<vmem>>
        %dma_wait3A_303 = tpu.memref_squeeze %dma_wait3A_302 : memref<1x1x128xi32, #tpu.memory_space<vmem>> -> memref<128xi32, #tpu.memory_space<vmem>>
        %dma_wait3A_304 = arith.constant 0 : i32
        %dma_wait3A_305 = arith.constant 0 : i32
        %dma_wait3A_306 = tpu.memref_slice %arg9[%dma_wait3A_304, %dma_wait3A_305] : memref<10240x128xf32, #tpu.memory_space<vmem_shared>> -> memref<10240x128xf32, #tpu.memory_space<vmem_shared>>
        tpu.wait_indirect_dma semaphore(%run_scoped3A_286 : memref<!tpu.dma_semaphore, #tpu.memory_space<semaphore_mem>>) src(%dma_wait3A_300 : memref<128x128xf32, #tpu.memory_space<vmem>>) dst(%dma_wait3A_306 : memref<10240x128xf32, #tpu.memory_space<vmem_shared>>)
        tpu.yield
      }) : () -> ()
      %dma_start3A_95 = arith.constant 2 : i32
      %dma_start3A_96 = arith.constant 0 : i32
      %dma_start3A_97 = arith.constant 0 : i32
      %dma_start3A_98 = arith.constant 0 : i32
      %dma_start3A_99 = tpu.memref_slice %arg8[%dma_start3A_96, %dma_start3A_97, %dma_start3A_98] : memref<2x128x128xf32, #tpu.memory_space<vmem>> -> memref<1x128x128xf32, #tpu.memory_space<vmem>>
      %dma_start3A_100 = tpu.memref_squeeze %dma_start3A_99 : memref<1x128x128xf32, #tpu.memory_space<vmem>> -> memref<128x128xf32, #tpu.memory_space<vmem>>
      %dma_start3A_101 = arith.constant 0 : i32
      %dma_start3A_102 = tpu.memref_slice %arg6[%select_n3A_75, %dma_start3A_95, %dma_start3A_101] : memref<2x8x128xi32, #tpu.memory_space<vmem>> -> memref<1x1x128xi32, #tpu.memory_space<vmem>>
      %dma_start3A_103 = tpu.memref_squeeze %dma_start3A_102 : memref<1x1x128xi32, #tpu.memory_space<vmem>> -> memref<128xi32, #tpu.memory_space<vmem>>
      %dma_start3A_104 = arith.constant 0 : i32
      %dma_start3A_105 = arith.constant 0 : i32
      %dma_start3A_106 = tpu.memref_slice %arg2[%dma_start3A_104, %dma_start3A_105] : memref<20480x128xf32, #tpu.memory_space<hbm>> -> memref<20480x128xf32, #tpu.memory_space<hbm>>
      tpu.enqueue_indirect_dma source(%dma_start3A_106 : memref<20480x128xf32, #tpu.memory_space<hbm>>) target(%dma_start3A_100 : memref<128x128xf32, #tpu.memory_space<vmem>>) offsets(%dma_start3A_103 : memref<128xi32, #tpu.memory_space<vmem>>) semaphore(%arg10 : memref<!tpu.dma_semaphore, #tpu.memory_space<semaphore_mem>>)
      %dma_wait3A_107 = arith.constant 1 : i32
      %dma_wait3A_108 = arith.constant 1 : i32
      %dma_wait3A_109 = arith.constant 0 : i32
      %dma_wait3A_110 = arith.constant 0 : i32
      %dma_wait3A_111 = tpu.memref_slice %arg8[%dma_wait3A_108, %dma_wait3A_109, %dma_wait3A_110] : memref<2x128x128xf32, #tpu.memory_space<vmem>> -> memref<1x128x128xf32, #tpu.memory_space<vmem>>
      %dma_wait3A_112 = tpu.memref_squeeze %dma_wait3A_111 : memref<1x128x128xf32, #tpu.memory_space<vmem>> -> memref<128x128xf32, #tpu.memory_space<vmem>>
      %dma_wait3A_113 = arith.constant 0 : i32
      %dma_wait3A_114 = tpu.memref_slice %arg6[%select_n3A_75, %dma_wait3A_107, %dma_wait3A_113] : memref<2x8x128xi32, #tpu.memory_space<vmem>> -> memref<1x1x128xi32, #tpu.memory_space<vmem>>
      %dma_wait3A_115 = tpu.memref_squeeze %dma_wait3A_114 : memref<1x1x128xi32, #tpu.memory_space<vmem>> -> memref<128xi32, #tpu.memory_space<vmem>>
      %dma_wait3A_116 = arith.constant 0 : i32
      %dma_wait3A_117 = arith.constant 0 : i32
      %dma_wait3A_118 = tpu.memref_slice %arg2[%dma_wait3A_116, %dma_wait3A_117] : memref<20480x128xf32, #tpu.memory_space<hbm>> -> memref<20480x128xf32, #tpu.memory_space<hbm>>
      tpu.wait_indirect_dma semaphore(%arg10 : memref<!tpu.dma_semaphore, #tpu.memory_space<semaphore_mem>>) src(%dma_wait3A_118 : memref<20480x128xf32, #tpu.memory_space<hbm>>) dst(%dma_wait3A_112 : memref<128x128xf32, #tpu.memory_space<vmem>>)
      %run_scoped3A_119 = arith.constant 1 : i32
      %run_scoped3A_120 = arith.constant 1 : i32
      "tpu.region"() ({
        %run_scoped3A_286 = tpu.sem_alloc : memref<!tpu.dma_semaphore, #tpu.memory_space<semaphore_mem>>
        %dma_start3A_287 = arith.constant 0 : i32
        %dma_start3A_288 = arith.constant 0 : i32
        %dma_start3A_289 = tpu.memref_slice %arg8[%run_scoped3A_119, %dma_start3A_287, %dma_start3A_288] : memref<2x128x128xf32, #tpu.memory_space<vmem>> -> memref<1x128x128xf32, #tpu.memory_space<vmem>>
        %dma_start3A_290 = tpu.memref_squeeze %dma_start3A_289 : memref<1x128x128xf32, #tpu.memory_space<vmem>> -> memref<128x128xf32, #tpu.memory_space<vmem>>
        %dma_start3A_291 = arith.constant 0 : i32
        %dma_start3A_292 = tpu.memref_slice %arg7[%select_n3A_75, %run_scoped3A_120, %dma_start3A_291] : memref<2x8x128xi32, #tpu.memory_space<vmem>> -> memref<1x1x128xi32, #tpu.memory_space<vmem>>
        %dma_start3A_293 = tpu.memref_squeeze %dma_start3A_292 : memref<1x1x128xi32, #tpu.memory_space<vmem>> -> memref<128xi32, #tpu.memory_space<vmem>>
        %dma_start3A_294 = arith.constant 0 : i32
        %dma_start3A_295 = arith.constant 0 : i32
        %dma_start3A_296 = tpu.memref_slice %arg9[%dma_start3A_294, %dma_start3A_295] : memref<10240x128xf32, #tpu.memory_space<vmem_shared>> -> memref<10240x128xf32, #tpu.memory_space<vmem_shared>>
        tpu.enqueue_indirect_dma source(%dma_start3A_290 : memref<128x128xf32, #tpu.memory_space<vmem>>) target(%dma_start3A_296 : memref<10240x128xf32, #tpu.memory_space<vmem_shared>>) offsets(%dma_start3A_293 : memref<128xi32, #tpu.memory_space<vmem>>) semaphore(%run_scoped3A_286 : memref<!tpu.dma_semaphore, #tpu.memory_space<semaphore_mem>>) {add = true}
        %dma_wait3A_297 = arith.constant 0 : i32
        %dma_wait3A_298 = arith.constant 0 : i32
        %dma_wait3A_299 = tpu.memref_slice %arg8[%run_scoped3A_119, %dma_wait3A_297, %dma_wait3A_298] : memref<2x128x128xf32, #tpu.memory_space<vmem>> -> memref<1x128x128xf32, #tpu.memory_space<vmem>>
        %dma_wait3A_300 = tpu.memref_squeeze %dma_wait3A_299 : memref<1x128x128xf32, #tpu.memory_space<vmem>> -> memref<128x128xf32, #tpu.memory_space<vmem>>
        %dma_wait3A_301 = arith.constant 0 : i32
        %dma_wait3A_302 = tpu.memref_slice %arg7[%select_n3A_75, %run_scoped3A_120, %dma_wait3A_301] : memref<2x8x128xi32, #tpu.memory_space<vmem>> -> memref<1x1x128xi32, #tpu.memory_space<vmem>>
        %dma_wait3A_303 = tpu.memref_squeeze %dma_wait3A_302 : memref<1x1x128xi32, #tpu.memory_space<vmem>> -> memref<128xi32, #tpu.memory_space<vmem>>
        %dma_wait3A_304 = arith.constant 0 : i32
        %dma_wait3A_305 = arith.constant 0 : i32
        %dma_wait3A_306 = tpu.memref_slice %arg9[%dma_wait3A_304, %dma_wait3A_305] : memref<10240x128xf32, #tpu.memory_space<vmem_shared>> -> memref<10240x128xf32, #tpu.memory_space<vmem_shared>>
        tpu.wait_indirect_dma semaphore(%run_scoped3A_286 : memref<!tpu.dma_semaphore, #tpu.memory_space<semaphore_mem>>) src(%dma_wait3A_300 : memref<128x128xf32, #tpu.memory_space<vmem>>) dst(%dma_wait3A_306 : memref<10240x128xf32, #tpu.memory_space<vmem_shared>>)
        tpu.yield
      }) : () -> ()
      %dma_start3A_121 = arith.constant 3 : i32
      %dma_start3A_122 = arith.constant 1 : i32
      %dma_start3A_123 = arith.constant 0 : i32
      %dma_start3A_124 = arith.constant 0 : i32
      %dma_start3A_125 = tpu.memref_slice %arg8[%dma_start3A_122, %dma_start3A_123, %dma_start3A_124] : memref<2x128x128xf32, #tpu.memory_space<vmem>> -> memref<1x128x128xf32, #tpu.memory_space<vmem>>
      %dma_start3A_126 = tpu.memref_squeeze %dma_start3A_125 : memref<1x128x128xf32, #tpu.memory_space<vmem>> -> memref<128x128xf32, #tpu.memory_space<vmem>>
      %dma_start3A_127 = arith.constant 0 : i32
      %dma_start3A_128 = tpu.memref_slice %arg6[%select_n3A_75, %dma_start3A_121, %dma_start3A_127] : memref<2x8x128xi32, #tpu.memory_space<vmem>> -> memref<1x1x128xi32, #tpu.memory_space<vmem>>
      %dma_start3A_129 = tpu.memref_squeeze %dma_start3A_128 : memref<1x1x128xi32, #tpu.memory_space<vmem>> -> memref<128xi32, #tpu.memory_space<vmem>>
      %dma_start3A_130 = arith.constant 0 : i32
      %dma_start3A_131 = arith.constant 0 : i32
      %dma_start3A_132 = tpu.memref_slice %arg2[%dma_start3A_130, %dma_start3A_131] : memref<20480x128xf32, #tpu.memory_space<hbm>> -> memref<20480x128xf32, #tpu.memory_space<hbm>>
      tpu.enqueue_indirect_dma source(%dma_start3A_132 : memref<20480x128xf32, #tpu.memory_space<hbm>>) target(%dma_start3A_126 : memref<128x128xf32, #tpu.memory_space<vmem>>) offsets(%dma_start3A_129 : memref<128xi32, #tpu.memory_space<vmem>>) semaphore(%arg10 : memref<!tpu.dma_semaphore, #tpu.memory_space<semaphore_mem>>)
      %dma_wait3A_133 = arith.constant 2 : i32
      %dma_wait3A_134 = arith.constant 0 : i32
      %dma_wait3A_135 = arith.constant 0 : i32
      %dma_wait3A_136 = arith.constant 0 : i32
      %dma_wait3A_137 = tpu.memref_slice %arg8[%dma_wait3A_134, %dma_wait3A_135, %dma_wait3A_136] : memref<2x128x128xf32, #tpu.memory_space<vmem>> -> memref<1x128x128xf32, #tpu.memory_space<vmem>>
      %dma_wait3A_138 = tpu.memref_squeeze %dma_wait3A_137 : memref<1x128x128xf32, #tpu.memory_space<vmem>> -> memref<128x128xf32, #tpu.memory_space<vmem>>
      %dma_wait3A_139 = arith.constant 0 : i32
      %dma_wait3A_140 = tpu.memref_slice %arg6[%select_n3A_75, %dma_wait3A_133, %dma_wait3A_139] : memref<2x8x128xi32, #tpu.memory_space<vmem>> -> memref<1x1x128xi32, #tpu.memory_space<vmem>>
      %dma_wait3A_141 = tpu.memref_squeeze %dma_wait3A_140 : memref<1x1x128xi32, #tpu.memory_space<vmem>> -> memref<128xi32, #tpu.memory_space<vmem>>
      %dma_wait3A_142 = arith.constant 0 : i32
      %dma_wait3A_143 = arith.constant 0 : i32
      %dma_wait3A_144 = tpu.memref_slice %arg2[%dma_wait3A_142, %dma_wait3A_143] : memref<20480x128xf32, #tpu.memory_space<hbm>> -> memref<20480x128xf32, #tpu.memory_space<hbm>>
      tpu.wait_indirect_dma semaphore(%arg10 : memref<!tpu.dma_semaphore, #tpu.memory_space<semaphore_mem>>) src(%dma_wait3A_144 : memref<20480x128xf32, #tpu.memory_space<hbm>>) dst(%dma_wait3A_138 : memref<128x128xf32, #tpu.memory_space<vmem>>)
      %run_scoped3A_145 = arith.constant 0 : i32
      %run_scoped3A_146 = arith.constant 2 : i32
      "tpu.region"() ({
        %run_scoped3A_286 = tpu.sem_alloc : memref<!tpu.dma_semaphore, #tpu.memory_space<semaphore_mem>>
        %dma_start3A_287 = arith.constant 0 : i32
        %dma_start3A_288 = arith.constant 0 : i32
        %dma_start3A_289 = tpu.memref_slice %arg8[%run_scoped3A_145, %dma_start3A_287, %dma_start3A_288] : memref<2x128x128xf32, #tpu.memory_space<vmem>> -> memref<1x128x128xf32, #tpu.memory_space<vmem>>
        %dma_start3A_290 = tpu.memref_squeeze %dma_start3A_289 : memref<1x128x128xf32, #tpu.memory_space<vmem>> -> memref<128x128xf32, #tpu.memory_space<vmem>>
        %dma_start3A_291 = arith.constant 0 : i32
        %dma_start3A_292 = tpu.memref_slice %arg7[%select_n3A_75, %run_scoped3A_146, %dma_start3A_291] : memref<2x8x128xi32, #tpu.memory_space<vmem>> -> memref<1x1x128xi32, #tpu.memory_space<vmem>>
        %dma_start3A_293 = tpu.memref_squeeze %dma_start3A_292 : memref<1x1x128xi32, #tpu.memory_space<vmem>> -> memref<128xi32, #tpu.memory_space<vmem>>
        %dma_start3A_294 = arith.constant 0 : i32
        %dma_start3A_295 = arith.constant 0 : i32
        %dma_start3A_296 = tpu.memref_slice %arg9[%dma_start3A_294, %dma_start3A_295] : memref<10240x128xf32, #tpu.memory_space<vmem_shared>> -> memref<10240x128xf32, #tpu.memory_space<vmem_shared>>
        tpu.enqueue_indirect_dma source(%dma_start3A_290 : memref<128x128xf32, #tpu.memory_space<vmem>>) target(%dma_start3A_296 : memref<10240x128xf32, #tpu.memory_space<vmem_shared>>) offsets(%dma_start3A_293 : memref<128xi32, #tpu.memory_space<vmem>>) semaphore(%run_scoped3A_286 : memref<!tpu.dma_semaphore, #tpu.memory_space<semaphore_mem>>) {add = true}
        %dma_wait3A_297 = arith.constant 0 : i32
        %dma_wait3A_298 = arith.constant 0 : i32
        %dma_wait3A_299 = tpu.memref_slice %arg8[%run_scoped3A_145, %dma_wait3A_297, %dma_wait3A_298] : memref<2x128x128xf32, #tpu.memory_space<vmem>> -> memref<1x128x128xf32, #tpu.memory_space<vmem>>
        %dma_wait3A_300 = tpu.memref_squeeze %dma_wait3A_299 : memref<1x128x128xf32, #tpu.memory_space<vmem>> -> memref<128x128xf32, #tpu.memory_space<vmem>>
        %dma_wait3A_301 = arith.constant 0 : i32
        %dma_wait3A_302 = tpu.memref_slice %arg7[%select_n3A_75, %run_scoped3A_146, %dma_wait3A_301] : memref<2x8x128xi32, #tpu.memory_space<vmem>> -> memref<1x1x128xi32, #tpu.memory_space<vmem>>
        %dma_wait3A_303 = tpu.memref_squeeze %dma_wait3A_302 : memref<1x1x128xi32, #tpu.memory_space<vmem>> -> memref<128xi32, #tpu.memory_space<vmem>>
        %dma_wait3A_304 = arith.constant 0 : i32
        %dma_wait3A_305 = arith.constant 0 : i32
        %dma_wait3A_306 = tpu.memref_slice %arg9[%dma_wait3A_304, %dma_wait3A_305] : memref<10240x128xf32, #tpu.memory_space<vmem_shared>> -> memref<10240x128xf32, #tpu.memory_space<vmem_shared>>
        tpu.wait_indirect_dma semaphore(%run_scoped3A_286 : memref<!tpu.dma_semaphore, #tpu.memory_space<semaphore_mem>>) src(%dma_wait3A_300 : memref<128x128xf32, #tpu.memory_space<vmem>>) dst(%dma_wait3A_306 : memref<10240x128xf32, #tpu.memory_space<vmem_shared>>)
        tpu.yield
      }) : () -> ()
      %dma_start3A_147 = arith.constant 4 : i32
      %dma_start3A_148 = arith.constant 0 : i32
      %dma_start3A_149 = arith.constant 0 : i32
      %dma_start3A_150 = arith.constant 0 : i32
      %dma_start3A_151 = tpu.memref_slice %arg8[%dma_start3A_148, %dma_start3A_149, %dma_start3A_150] : memref<2x128x128xf32, #tpu.memory_space<vmem>> -> memref<1x128x128xf32, #tpu.memory_space<vmem>>
      %dma_start3A_152 = tpu.memref_squeeze %dma_start3A_151 : memref<1x128x128xf32, #tpu.memory_space<vmem>> -> memref<128x128xf32, #tpu.memory_space<vmem>>
      %dma_start3A_153 = arith.constant 0 : i32
      %dma_start3A_154 = tpu.memref_slice %arg6[%select_n3A_75, %dma_start3A_147, %dma_start3A_153] : memref<2x8x128xi32, #tpu.memory_space<vmem>> -> memref<1x1x128xi32, #tpu.memory_space<vmem>>
      %dma_start3A_155 = tpu.memref_squeeze %dma_start3A_154 : memref<1x1x128xi32, #tpu.memory_space<vmem>> -> memref<128xi32, #tpu.memory_space<vmem>>
      %dma_start3A_156 = arith.constant 0 : i32
      %dma_start3A_157 = arith.constant 0 : i32
      %dma_start3A_158 = tpu.memref_slice %arg2[%dma_start3A_156, %dma_start3A_157] : memref<20480x128xf32, #tpu.memory_space<hbm>> -> memref<20480x128xf32, #tpu.memory_space<hbm>>
      tpu.enqueue_indirect_dma source(%dma_start3A_158 : memref<20480x128xf32, #tpu.memory_space<hbm>>) target(%dma_start3A_152 : memref<128x128xf32, #tpu.memory_space<vmem>>) offsets(%dma_start3A_155 : memref<128xi32, #tpu.memory_space<vmem>>) semaphore(%arg10 : memref<!tpu.dma_semaphore, #tpu.memory_space<semaphore_mem>>)
      %dma_wait3A_159 = arith.constant 3 : i32
      %dma_wait3A_160 = arith.constant 1 : i32
      %dma_wait3A_161 = arith.constant 0 : i32
      %dma_wait3A_162 = arith.constant 0 : i32
      %dma_wait3A_163 = tpu.memref_slice %arg8[%dma_wait3A_160, %dma_wait3A_161, %dma_wait3A_162] : memref<2x128x128xf32, #tpu.memory_space<vmem>> -> memref<1x128x128xf32, #tpu.memory_space<vmem>>
      %dma_wait3A_164 = tpu.memref_squeeze %dma_wait3A_163 : memref<1x128x128xf32, #tpu.memory_space<vmem>> -> memref<128x128xf32, #tpu.memory_space<vmem>>
      %dma_wait3A_165 = arith.constant 0 : i32
      %dma_wait3A_166 = tpu.memref_slice %arg6[%select_n3A_75, %dma_wait3A_159, %dma_wait3A_165] : memref<2x8x128xi32, #tpu.memory_space<vmem>> -> memref<1x1x128xi32, #tpu.memory_space<vmem>>
      %dma_wait3A_167 = tpu.memref_squeeze %dma_wait3A_166 : memref<1x1x128xi32, #tpu.memory_space<vmem>> -> memref<128xi32, #tpu.memory_space<vmem>>
      %dma_wait3A_168 = arith.constant 0 : i32
      %dma_wait3A_169 = arith.constant 0 : i32
      %dma_wait3A_170 = tpu.memref_slice %arg2[%dma_wait3A_168, %dma_wait3A_169] : memref<20480x128xf32, #tpu.memory_space<hbm>> -> memref<20480x128xf32, #tpu.memory_space<hbm>>
      tpu.wait_indirect_dma semaphore(%arg10 : memref<!tpu.dma_semaphore, #tpu.memory_space<semaphore_mem>>) src(%dma_wait3A_170 : memref<20480x128xf32, #tpu.memory_space<hbm>>) dst(%dma_wait3A_164 : memref<128x128xf32, #tpu.memory_space<vmem>>)
      %run_scoped3A_171 = arith.constant 1 : i32
      %run_scoped3A_172 = arith.constant 3 : i32
      "tpu.region"() ({
        %run_scoped3A_286 = tpu.sem_alloc : memref<!tpu.dma_semaphore, #tpu.memory_space<semaphore_mem>>
        %dma_start3A_287 = arith.constant 0 : i32
        %dma_start3A_288 = arith.constant 0 : i32
        %dma_start3A_289 = tpu.memref_slice %arg8[%run_scoped3A_171, %dma_start3A_287, %dma_start3A_288] : memref<2x128x128xf32, #tpu.memory_space<vmem>> -> memref<1x128x128xf32, #tpu.memory_space<vmem>>
        %dma_start3A_290 = tpu.memref_squeeze %dma_start3A_289 : memref<1x128x128xf32, #tpu.memory_space<vmem>> -> memref<128x128xf32, #tpu.memory_space<vmem>>
        %dma_start3A_291 = arith.constant 0 : i32
        %dma_start3A_292 = tpu.memref_slice %arg7[%select_n3A_75, %run_scoped3A_172, %dma_start3A_291] : memref<2x8x128xi32, #tpu.memory_space<vmem>> -> memref<1x1x128xi32, #tpu.memory_space<vmem>>
        %dma_start3A_293 = tpu.memref_squeeze %dma_start3A_292 : memref<1x1x128xi32, #tpu.memory_space<vmem>> -> memref<128xi32, #tpu.memory_space<vmem>>
        %dma_start3A_294 = arith.constant 0 : i32
        %dma_start3A_295 = arith.constant 0 : i32
        %dma_start3A_296 = tpu.memref_slice %arg9[%dma_start3A_294, %dma_start3A_295] : memref<10240x128xf32, #tpu.memory_space<vmem_shared>> -> memref<10240x128xf32, #tpu.memory_space<vmem_shared>>
        tpu.enqueue_indirect_dma source(%dma_start3A_290 : memref<128x128xf32, #tpu.memory_space<vmem>>) target(%dma_start3A_296 : memref<10240x128xf32, #tpu.memory_space<vmem_shared>>) offsets(%dma_start3A_293 : memref<128xi32, #tpu.memory_space<vmem>>) semaphore(%run_scoped3A_286 : memref<!tpu.dma_semaphore, #tpu.memory_space<semaphore_mem>>) {add = true}
        %dma_wait3A_297 = arith.constant 0 : i32
        %dma_wait3A_298 = arith.constant 0 : i32
        %dma_wait3A_299 = tpu.memref_slice %arg8[%run_scoped3A_171, %dma_wait3A_297, %dma_wait3A_298] : memref<2x128x128xf32, #tpu.memory_space<vmem>> -> memref<1x128x128xf32, #tpu.memory_space<vmem>>
        %dma_wait3A_300 = tpu.memref_squeeze %dma_wait3A_299 : memref<1x128x128xf32, #tpu.memory_space<vmem>> -> memref<128x128xf32, #tpu.memory_space<vmem>>
        %dma_wait3A_301 = arith.constant 0 : i32
        %dma_wait3A_302 = tpu.memref_slice %arg7[%select_n3A_75, %run_scoped3A_172, %dma_wait3A_301] : memref<2x8x128xi32, #tpu.memory_space<vmem>> -> memref<1x1x128xi32, #tpu.memory_space<vmem>>
        %dma_wait3A_303 = tpu.memref_squeeze %dma_wait3A_302 : memref<1x1x128xi32, #tpu.memory_space<vmem>> -> memref<128xi32, #tpu.memory_space<vmem>>
        %dma_wait3A_304 = arith.constant 0 : i32
        %dma_wait3A_305 = arith.constant 0 : i32
        %dma_wait3A_306 = tpu.memref_slice %arg9[%dma_wait3A_304, %dma_wait3A_305] : memref<10240x128xf32, #tpu.memory_space<vmem_shared>> -> memref<10240x128xf32, #tpu.memory_space<vmem_shared>>
        tpu.wait_indirect_dma semaphore(%run_scoped3A_286 : memref<!tpu.dma_semaphore, #tpu.memory_space<semaphore_mem>>) src(%dma_wait3A_300 : memref<128x128xf32, #tpu.memory_space<vmem>>) dst(%dma_wait3A_306 : memref<10240x128xf32, #tpu.memory_space<vmem_shared>>)
        tpu.yield
      }) : () -> ()
      %dma_start3A_173 = arith.constant 5 : i32
      %dma_start3A_174 = arith.constant 1 : i32
      %dma_start3A_175 = arith.constant 0 : i32
      %dma_start3A_176 = arith.constant 0 : i32
      %dma_start3A_177 = tpu.memref_slice %arg8[%dma_start3A_174, %dma_start3A_175, %dma_start3A_176] : memref<2x128x128xf32, #tpu.memory_space<vmem>> -> memref<1x128x128xf32, #tpu.memory_space<vmem>>
      %dma_start3A_178 = tpu.memref_squeeze %dma_start3A_177 : memref<1x128x128xf32, #tpu.memory_space<vmem>> -> memref<128x128xf32, #tpu.memory_space<vmem>>
      %dma_start3A_179 = arith.constant 0 : i32
      %dma_start3A_180 = tpu.memref_slice %arg6[%select_n3A_75, %dma_start3A_173, %dma_start3A_179] : memref<2x8x128xi32, #tpu.memory_space<vmem>> -> memref<1x1x128xi32, #tpu.memory_space<vmem>>
      %dma_start3A_181 = tpu.memref_squeeze %dma_start3A_180 : memref<1x1x128xi32, #tpu.memory_space<vmem>> -> memref<128xi32, #tpu.memory_space<vmem>>
      %dma_start3A_182 = arith.constant 0 : i32
      %dma_start3A_183 = arith.constant 0 : i32
      %dma_start3A_184 = tpu.memref_slice %arg2[%dma_start3A_182, %dma_start3A_183] : memref<20480x128xf32, #tpu.memory_space<hbm>> -> memref<20480x128xf32, #tpu.memory_space<hbm>>
      tpu.enqueue_indirect_dma source(%dma_start3A_184 : memref<20480x128xf32, #tpu.memory_space<hbm>>) target(%dma_start3A_178 : memref<128x128xf32, #tpu.memory_space<vmem>>) offsets(%dma_start3A_181 : memref<128xi32, #tpu.memory_space<vmem>>) semaphore(%arg10 : memref<!tpu.dma_semaphore, #tpu.memory_space<semaphore_mem>>)
      %dma_wait3A_185 = arith.constant 4 : i32
      %dma_wait3A_186 = arith.constant 0 : i32
      %dma_wait3A_187 = arith.constant 0 : i32
      %dma_wait3A_188 = arith.constant 0 : i32
      %dma_wait3A_189 = tpu.memref_slice %arg8[%dma_wait3A_186, %dma_wait3A_187, %dma_wait3A_188] : memref<2x128x128xf32, #tpu.memory_space<vmem>> -> memref<1x128x128xf32, #tpu.memory_space<vmem>>
      %dma_wait3A_190 = tpu.memref_squeeze %dma_wait3A_189 : memref<1x128x128xf32, #tpu.memory_space<vmem>> -> memref<128x128xf32, #tpu.memory_space<vmem>>
      %dma_wait3A_191 = arith.constant 0 : i32
      %dma_wait3A_192 = tpu.memref_slice %arg6[%select_n3A_75, %dma_wait3A_185, %dma_wait3A_191] : memref<2x8x128xi32, #tpu.memory_space<vmem>> -> memref<1x1x128xi32, #tpu.memory_space<vmem>>
      %dma_wait3A_193 = tpu.memref_squeeze %dma_wait3A_192 : memref<1x1x128xi32, #tpu.memory_space<vmem>> -> memref<128xi32, #tpu.memory_space<vmem>>
      %dma_wait3A_194 = arith.constant 0 : i32
      %dma_wait3A_195 = arith.constant 0 : i32
      %dma_wait3A_196 = tpu.memref_slice %arg2[%dma_wait3A_194, %dma_wait3A_195] : memref<20480x128xf32, #tpu.memory_space<hbm>> -> memref<20480x128xf32, #tpu.memory_space<hbm>>
      tpu.wait_indirect_dma semaphore(%arg10 : memref<!tpu.dma_semaphore, #tpu.memory_space<semaphore_mem>>) src(%dma_wait3A_196 : memref<20480x128xf32, #tpu.memory_space<hbm>>) dst(%dma_wait3A_190 : memref<128x128xf32, #tpu.memory_space<vmem>>)
      %run_scoped3A_197 = arith.constant 0 : i32
      %run_scoped3A_198 = arith.constant 4 : i32
      "tpu.region"() ({
        %run_scoped3A_286 = tpu.sem_alloc : memref<!tpu.dma_semaphore, #tpu.memory_space<semaphore_mem>>
        %dma_start3A_287 = arith.constant 0 : i32
        %dma_start3A_288 = arith.constant 0 : i32
        %dma_start3A_289 = tpu.memref_slice %arg8[%run_scoped3A_197, %dma_start3A_287, %dma_start3A_288] : memref<2x128x128xf32, #tpu.memory_space<vmem>> -> memref<1x128x128xf32, #tpu.memory_space<vmem>>
        %dma_start3A_290 = tpu.memref_squeeze %dma_start3A_289 : memref<1x128x128xf32, #tpu.memory_space<vmem>> -> memref<128x128xf32, #tpu.memory_space<vmem>>
        %dma_start3A_291 = arith.constant 0 : i32
        %dma_start3A_292 = tpu.memref_slice %arg7[%select_n3A_75, %run_scoped3A_198, %dma_start3A_291] : memref<2x8x128xi32, #tpu.memory_space<vmem>> -> memref<1x1x128xi32, #tpu.memory_space<vmem>>
        %dma_start3A_293 = tpu.memref_squeeze %dma_start3A_292 : memref<1x1x128xi32, #tpu.memory_space<vmem>> -> memref<128xi32, #tpu.memory_space<vmem>>
        %dma_start3A_294 = arith.constant 0 : i32
        %dma_start3A_295 = arith.constant 0 : i32
        %dma_start3A_296 = tpu.memref_slice %arg9[%dma_start3A_294, %dma_start3A_295] : memref<10240x128xf32, #tpu.memory_space<vmem_shared>> -> memref<10240x128xf32, #tpu.memory_space<vmem_shared>>
        tpu.enqueue_indirect_dma source(%dma_start3A_290 : memref<128x128xf32, #tpu.memory_space<vmem>>) target(%dma_start3A_296 : memref<10240x128xf32, #tpu.memory_space<vmem_shared>>) offsets(%dma_start3A_293 : memref<128xi32, #tpu.memory_space<vmem>>) semaphore(%run_scoped3A_286 : memref<!tpu.dma_semaphore, #tpu.memory_space<semaphore_mem>>) {add = true}
        %dma_wait3A_297 = arith.constant 0 : i32
        %dma_wait3A_298 = arith.constant 0 : i32
        %dma_wait3A_299 = tpu.memref_slice %arg8[%run_scoped3A_197, %dma_wait3A_297, %dma_wait3A_298] : memref<2x128x128xf32, #tpu.memory_space<vmem>> -> memref<1x128x128xf32, #tpu.memory_space<vmem>>
        %dma_wait3A_300 = tpu.memref_squeeze %dma_wait3A_299 : memref<1x128x128xf32, #tpu.memory_space<vmem>> -> memref<128x128xf32, #tpu.memory_space<vmem>>
        %dma_wait3A_301 = arith.constant 0 : i32
        %dma_wait3A_302 = tpu.memref_slice %arg7[%select_n3A_75, %run_scoped3A_198, %dma_wait3A_301] : memref<2x8x128xi32, #tpu.memory_space<vmem>> -> memref<1x1x128xi32, #tpu.memory_space<vmem>>
        %dma_wait3A_303 = tpu.memref_squeeze %dma_wait3A_302 : memref<1x1x128xi32, #tpu.memory_space<vmem>> -> memref<128xi32, #tpu.memory_space<vmem>>
        %dma_wait3A_304 = arith.constant 0 : i32
        %dma_wait3A_305 = arith.constant 0 : i32
        %dma_wait3A_306 = tpu.memref_slice %arg9[%dma_wait3A_304, %dma_wait3A_305] : memref<10240x128xf32, #tpu.memory_space<vmem_shared>> -> memref<10240x128xf32, #tpu.memory_space<vmem_shared>>
        tpu.wait_indirect_dma semaphore(%run_scoped3A_286 : memref<!tpu.dma_semaphore, #tpu.memory_space<semaphore_mem>>) src(%dma_wait3A_300 : memref<128x128xf32, #tpu.memory_space<vmem>>) dst(%dma_wait3A_306 : memref<10240x128xf32, #tpu.memory_space<vmem_shared>>)
        tpu.yield
      }) : () -> ()
      %dma_start3A_199 = arith.constant 6 : i32
      %dma_start3A_200 = arith.constant 0 : i32
      %dma_start3A_201 = arith.constant 0 : i32
      %dma_start3A_202 = arith.constant 0 : i32
      %dma_start3A_203 = tpu.memref_slice %arg8[%dma_start3A_200, %dma_start3A_201, %dma_start3A_202] : memref<2x128x128xf32, #tpu.memory_space<vmem>> -> memref<1x128x128xf32, #tpu.memory_space<vmem>>
      %dma_start3A_204 = tpu.memref_squeeze %dma_start3A_203 : memref<1x128x128xf32, #tpu.memory_space<vmem>> -> memref<128x128xf32, #tpu.memory_space<vmem>>
      %dma_start3A_205 = arith.constant 0 : i32
      %dma_start3A_206 = tpu.memref_slice %arg6[%select_n3A_75, %dma_start3A_199, %dma_start3A_205] : memref<2x8x128xi32, #tpu.memory_space<vmem>> -> memref<1x1x128xi32, #tpu.memory_space<vmem>>
      %dma_start3A_207 = tpu.memref_squeeze %dma_start3A_206 : memref<1x1x128xi32, #tpu.memory_space<vmem>> -> memref<128xi32, #tpu.memory_space<vmem>>
      %dma_start3A_208 = arith.constant 0 : i32
      %dma_start3A_209 = arith.constant 0 : i32
      %dma_start3A_210 = tpu.memref_slice %arg2[%dma_start3A_208, %dma_start3A_209] : memref<20480x128xf32, #tpu.memory_space<hbm>> -> memref<20480x128xf32, #tpu.memory_space<hbm>>
      tpu.enqueue_indirect_dma source(%dma_start3A_210 : memref<20480x128xf32, #tpu.memory_space<hbm>>) target(%dma_start3A_204 : memref<128x128xf32, #tpu.memory_space<vmem>>) offsets(%dma_start3A_207 : memref<128xi32, #tpu.memory_space<vmem>>) semaphore(%arg10 : memref<!tpu.dma_semaphore, #tpu.memory_space<semaphore_mem>>)
      %dma_wait3A_211 = arith.constant 5 : i32
      %dma_wait3A_212 = arith.constant 1 : i32
      %dma_wait3A_213 = arith.constant 0 : i32
      %dma_wait3A_214 = arith.constant 0 : i32
      %dma_wait3A_215 = tpu.memref_slice %arg8[%dma_wait3A_212, %dma_wait3A_213, %dma_wait3A_214] : memref<2x128x128xf32, #tpu.memory_space<vmem>> -> memref<1x128x128xf32, #tpu.memory_space<vmem>>
      %dma_wait3A_216 = tpu.memref_squeeze %dma_wait3A_215 : memref<1x128x128xf32, #tpu.memory_space<vmem>> -> memref<128x128xf32, #tpu.memory_space<vmem>>
      %dma_wait3A_217 = arith.constant 0 : i32
      %dma_wait3A_218 = tpu.memref_slice %arg6[%select_n3A_75, %dma_wait3A_211, %dma_wait3A_217] : memref<2x8x128xi32, #tpu.memory_space<vmem>> -> memref<1x1x128xi32, #tpu.memory_space<vmem>>
      %dma_wait3A_219 = tpu.memref_squeeze %dma_wait3A_218 : memref<1x1x128xi32, #tpu.memory_space<vmem>> -> memref<128xi32, #tpu.memory_space<vmem>>
      %dma_wait3A_220 = arith.constant 0 : i32
      %dma_wait3A_221 = arith.constant 0 : i32
      %dma_wait3A_222 = tpu.memref_slice %arg2[%dma_wait3A_220, %dma_wait3A_221] : memref<20480x128xf32, #tpu.memory_space<hbm>> -> memref<20480x128xf32, #tpu.memory_space<hbm>>
      tpu.wait_indirect_dma semaphore(%arg10 : memref<!tpu.dma_semaphore, #tpu.memory_space<semaphore_mem>>) src(%dma_wait3A_222 : memref<20480x128xf32, #tpu.memory_space<hbm>>) dst(%dma_wait3A_216 : memref<128x128xf32, #tpu.memory_space<vmem>>)
      %run_scoped3A_223 = arith.constant 1 : i32
      %run_scoped3A_224 = arith.constant 5 : i32
      "tpu.region"() ({
        %run_scoped3A_286 = tpu.sem_alloc : memref<!tpu.dma_semaphore, #tpu.memory_space<semaphore_mem>>
        %dma_start3A_287 = arith.constant 0 : i32
        %dma_start3A_288 = arith.constant 0 : i32
        %dma_start3A_289 = tpu.memref_slice %arg8[%run_scoped3A_223, %dma_start3A_287, %dma_start3A_288] : memref<2x128x128xf32, #tpu.memory_space<vmem>> -> memref<1x128x128xf32, #tpu.memory_space<vmem>>
        %dma_start3A_290 = tpu.memref_squeeze %dma_start3A_289 : memref<1x128x128xf32, #tpu.memory_space<vmem>> -> memref<128x128xf32, #tpu.memory_space<vmem>>
        %dma_start3A_291 = arith.constant 0 : i32
        %dma_start3A_292 = tpu.memref_slice %arg7[%select_n3A_75, %run_scoped3A_224, %dma_start3A_291] : memref<2x8x128xi32, #tpu.memory_space<vmem>> -> memref<1x1x128xi32, #tpu.memory_space<vmem>>
        %dma_start3A_293 = tpu.memref_squeeze %dma_start3A_292 : memref<1x1x128xi32, #tpu.memory_space<vmem>> -> memref<128xi32, #tpu.memory_space<vmem>>
        %dma_start3A_294 = arith.constant 0 : i32
        %dma_start3A_295 = arith.constant 0 : i32
        %dma_start3A_296 = tpu.memref_slice %arg9[%dma_start3A_294, %dma_start3A_295] : memref<10240x128xf32, #tpu.memory_space<vmem_shared>> -> memref<10240x128xf32, #tpu.memory_space<vmem_shared>>
        tpu.enqueue_indirect_dma source(%dma_start3A_290 : memref<128x128xf32, #tpu.memory_space<vmem>>) target(%dma_start3A_296 : memref<10240x128xf32, #tpu.memory_space<vmem_shared>>) offsets(%dma_start3A_293 : memref<128xi32, #tpu.memory_space<vmem>>) semaphore(%run_scoped3A_286 : memref<!tpu.dma_semaphore, #tpu.memory_space<semaphore_mem>>) {add = true}
        %dma_wait3A_297 = arith.constant 0 : i32
        %dma_wait3A_298 = arith.constant 0 : i32
        %dma_wait3A_299 = tpu.memref_slice %arg8[%run_scoped3A_223, %dma_wait3A_297, %dma_wait3A_298] : memref<2x128x128xf32, #tpu.memory_space<vmem>> -> memref<1x128x128xf32, #tpu.memory_space<vmem>>
        %dma_wait3A_300 = tpu.memref_squeeze %dma_wait3A_299 : memref<1x128x128xf32, #tpu.memory_space<vmem>> -> memref<128x128xf32, #tpu.memory_space<vmem>>
        %dma_wait3A_301 = arith.constant 0 : i32
        %dma_wait3A_302 = tpu.memref_slice %arg7[%select_n3A_75, %run_scoped3A_224, %dma_wait3A_301] : memref<2x8x128xi32, #tpu.memory_space<vmem>> -> memref<1x1x128xi32, #tpu.memory_space<vmem>>
        %dma_wait3A_303 = tpu.memref_squeeze %dma_wait3A_302 : memref<1x1x128xi32, #tpu.memory_space<vmem>> -> memref<128xi32, #tpu.memory_space<vmem>>
        %dma_wait3A_304 = arith.constant 0 : i32
        %dma_wait3A_305 = arith.constant 0 : i32
        %dma_wait3A_306 = tpu.memref_slice %arg9[%dma_wait3A_304, %dma_wait3A_305] : memref<10240x128xf32, #tpu.memory_space<vmem_shared>> -> memref<10240x128xf32, #tpu.memory_space<vmem_shared>>
        tpu.wait_indirect_dma semaphore(%run_scoped3A_286 : memref<!tpu.dma_semaphore, #tpu.memory_space<semaphore_mem>>) src(%dma_wait3A_300 : memref<128x128xf32, #tpu.memory_space<vmem>>) dst(%dma_wait3A_306 : memref<10240x128xf32, #tpu.memory_space<vmem_shared>>)
        tpu.yield
      }) : () -> ()
      %dma_start3A_225 = arith.constant 7 : i32
      %dma_start3A_226 = arith.constant 1 : i32
      %dma_start3A_227 = arith.constant 0 : i32
      %dma_start3A_228 = arith.constant 0 : i32
      %dma_start3A_229 = tpu.memref_slice %arg8[%dma_start3A_226, %dma_start3A_227, %dma_start3A_228] : memref<2x128x128xf32, #tpu.memory_space<vmem>> -> memref<1x128x128xf32, #tpu.memory_space<vmem>>
      %dma_start3A_230 = tpu.memref_squeeze %dma_start3A_229 : memref<1x128x128xf32, #tpu.memory_space<vmem>> -> memref<128x128xf32, #tpu.memory_space<vmem>>
      %dma_start3A_231 = arith.constant 0 : i32
      %dma_start3A_232 = tpu.memref_slice %arg6[%select_n3A_75, %dma_start3A_225, %dma_start3A_231] : memref<2x8x128xi32, #tpu.memory_space<vmem>> -> memref<1x1x128xi32, #tpu.memory_space<vmem>>
      %dma_start3A_233 = tpu.memref_squeeze %dma_start3A_232 : memref<1x1x128xi32, #tpu.memory_space<vmem>> -> memref<128xi32, #tpu.memory_space<vmem>>
      %dma_start3A_234 = arith.constant 0 : i32
      %dma_start3A_235 = arith.constant 0 : i32
      %dma_start3A_236 = tpu.memref_slice %arg2[%dma_start3A_234, %dma_start3A_235] : memref<20480x128xf32, #tpu.memory_space<hbm>> -> memref<20480x128xf32, #tpu.memory_space<hbm>>
      tpu.enqueue_indirect_dma source(%dma_start3A_236 : memref<20480x128xf32, #tpu.memory_space<hbm>>) target(%dma_start3A_230 : memref<128x128xf32, #tpu.memory_space<vmem>>) offsets(%dma_start3A_233 : memref<128xi32, #tpu.memory_space<vmem>>) semaphore(%arg10 : memref<!tpu.dma_semaphore, #tpu.memory_space<semaphore_mem>>)
      %dma_wait3A_237 = arith.constant 6 : i32
      %dma_wait3A_238 = arith.constant 0 : i32
      %dma_wait3A_239 = arith.constant 0 : i32
      %dma_wait3A_240 = arith.constant 0 : i32
      %dma_wait3A_241 = tpu.memref_slice %arg8[%dma_wait3A_238, %dma_wait3A_239, %dma_wait3A_240] : memref<2x128x128xf32, #tpu.memory_space<vmem>> -> memref<1x128x128xf32, #tpu.memory_space<vmem>>
      %dma_wait3A_242 = tpu.memref_squeeze %dma_wait3A_241 : memref<1x128x128xf32, #tpu.memory_space<vmem>> -> memref<128x128xf32, #tpu.memory_space<vmem>>
      %dma_wait3A_243 = arith.constant 0 : i32
      %dma_wait3A_244 = tpu.memref_slice %arg6[%select_n3A_75, %dma_wait3A_237, %dma_wait3A_243] : memref<2x8x128xi32, #tpu.memory_space<vmem>> -> memref<1x1x128xi32, #tpu.memory_space<vmem>>
      %dma_wait3A_245 = tpu.memref_squeeze %dma_wait3A_244 : memref<1x1x128xi32, #tpu.memory_space<vmem>> -> memref<128xi32, #tpu.memory_space<vmem>>
      %dma_wait3A_246 = arith.constant 0 : i32
      %dma_wait3A_247 = arith.constant 0 : i32
      %dma_wait3A_248 = tpu.memref_slice %arg2[%dma_wait3A_246, %dma_wait3A_247] : memref<20480x128xf32, #tpu.memory_space<hbm>> -> memref<20480x128xf32, #tpu.memory_space<hbm>>
      tpu.wait_indirect_dma semaphore(%arg10 : memref<!tpu.dma_semaphore, #tpu.memory_space<semaphore_mem>>) src(%dma_wait3A_248 : memref<20480x128xf32, #tpu.memory_space<hbm>>) dst(%dma_wait3A_242 : memref<128x128xf32, #tpu.memory_space<vmem>>)
      %run_scoped3A_249 = arith.constant 0 : i32
      %run_scoped3A_250 = arith.constant 6 : i32
      "tpu.region"() ({
        %run_scoped3A_286 = tpu.sem_alloc : memref<!tpu.dma_semaphore, #tpu.memory_space<semaphore_mem>>
        %dma_start3A_287 = arith.constant 0 : i32
        %dma_start3A_288 = arith.constant 0 : i32
        %dma_start3A_289 = tpu.memref_slice %arg8[%run_scoped3A_249, %dma_start3A_287, %dma_start3A_288] : memref<2x128x128xf32, #tpu.memory_space<vmem>> -> memref<1x128x128xf32, #tpu.memory_space<vmem>>
        %dma_start3A_290 = tpu.memref_squeeze %dma_start3A_289 : memref<1x128x128xf32, #tpu.memory_space<vmem>> -> memref<128x128xf32, #tpu.memory_space<vmem>>
        %dma_start3A_291 = arith.constant 0 : i32
        %dma_start3A_292 = tpu.memref_slice %arg7[%select_n3A_75, %run_scoped3A_250, %dma_start3A_291] : memref<2x8x128xi32, #tpu.memory_space<vmem>> -> memref<1x1x128xi32, #tpu.memory_space<vmem>>
        %dma_start3A_293 = tpu.memref_squeeze %dma_start3A_292 : memref<1x1x128xi32, #tpu.memory_space<vmem>> -> memref<128xi32, #tpu.memory_space<vmem>>
        %dma_start3A_294 = arith.constant 0 : i32
        %dma_start3A_295 = arith.constant 0 : i32
        %dma_start3A_296 = tpu.memref_slice %arg9[%dma_start3A_294, %dma_start3A_295] : memref<10240x128xf32, #tpu.memory_space<vmem_shared>> -> memref<10240x128xf32, #tpu.memory_space<vmem_shared>>
        tpu.enqueue_indirect_dma source(%dma_start3A_290 : memref<128x128xf32, #tpu.memory_space<vmem>>) target(%dma_start3A_296 : memref<10240x128xf32, #tpu.memory_space<vmem_shared>>) offsets(%dma_start3A_293 : memref<128xi32, #tpu.memory_space<vmem>>) semaphore(%run_scoped3A_286 : memref<!tpu.dma_semaphore, #tpu.memory_space<semaphore_mem>>) {add = true}
        %dma_wait3A_297 = arith.constant 0 : i32
        %dma_wait3A_298 = arith.constant 0 : i32
        %dma_wait3A_299 = tpu.memref_slice %arg8[%run_scoped3A_249, %dma_wait3A_297, %dma_wait3A_298] : memref<2x128x128xf32, #tpu.memory_space<vmem>> -> memref<1x128x128xf32, #tpu.memory_space<vmem>>
        %dma_wait3A_300 = tpu.memref_squeeze %dma_wait3A_299 : memref<1x128x128xf32, #tpu.memory_space<vmem>> -> memref<128x128xf32, #tpu.memory_space<vmem>>
        %dma_wait3A_301 = arith.constant 0 : i32
        %dma_wait3A_302 = tpu.memref_slice %arg7[%select_n3A_75, %run_scoped3A_250, %dma_wait3A_301] : memref<2x8x128xi32, #tpu.memory_space<vmem>> -> memref<1x1x128xi32, #tpu.memory_space<vmem>>
        %dma_wait3A_303 = tpu.memref_squeeze %dma_wait3A_302 : memref<1x1x128xi32, #tpu.memory_space<vmem>> -> memref<128xi32, #tpu.memory_space<vmem>>
        %dma_wait3A_304 = arith.constant 0 : i32
        %dma_wait3A_305 = arith.constant 0 : i32
        %dma_wait3A_306 = tpu.memref_slice %arg9[%dma_wait3A_304, %dma_wait3A_305] : memref<10240x128xf32, #tpu.memory_space<vmem_shared>> -> memref<10240x128xf32, #tpu.memory_space<vmem_shared>>
        tpu.wait_indirect_dma semaphore(%run_scoped3A_286 : memref<!tpu.dma_semaphore, #tpu.memory_space<semaphore_mem>>) src(%dma_wait3A_300 : memref<128x128xf32, #tpu.memory_space<vmem>>) dst(%dma_wait3A_306 : memref<10240x128xf32, #tpu.memory_space<vmem_shared>>)
        tpu.yield
      }) : () -> ()
      %add3A_251 = arith.constant 1 : i32
      %add3A_252 = arith.addi %scan3A_66, %add3A_251 : i32
      %lt3A_253 = arith.constant 20 : i32
      %lt3A_254 = arith.cmpi slt, %add3A_252, %lt3A_253 : i32
      %convert_element_type3A_255 = arith.extui %lt3A_254 : i1 to i32
      %cond3A_256 = arith.constant 0 : i32
      %cond3A_257 = arith.cmpi ne, %convert_element_type3A_255, %cond3A_256 : i32
      scf.if %cond3A_257 {
        %add3A_286 = arith.constant 1 : i32
        %add3A_287 = arith.addi %scan3A_66, %add3A_286 : i32
        %mul3A_288 = arith.constant 8 : i32
        %mul3A_289 = arith.muli %add3A_287, %mul3A_288 : i32
        %dma_wait3A_290 = arith.constant 0 : i32
        %dma_wait3A_291 = arith.constant 0 : i32
        %dma_wait3A_292 = tpu.memref_slice %arg6[%sub3A_76, %dma_wait3A_290, %dma_wait3A_291] : memref<2x8x128xi32, #tpu.memory_space<vmem>> -> memref<1x8x128xi32, #tpu.memory_space<vmem>>
        %dma_wait3A_293 = tpu.memref_squeeze %dma_wait3A_292 : memref<1x8x128xi32, #tpu.memory_space<vmem>> -> memref<8x128xi32, #tpu.memory_space<vmem>>
        %dma_wait3A_294 = arith.constant 0 : i32
        %dma_wait3A_295 = tpu.memref_slice %arg3[%arg0, %arg1, %mul3A_289, %dma_wait3A_294] : memref<2x16x160x128xi32, #tpu.memory_space<hbm>> -> memref<1x1x8x128xi32, #tpu.memory_space<hbm>>
        %dma_wait3A_296 = tpu.memref_squeeze %dma_wait3A_295 : memref<1x1x8x128xi32, #tpu.memory_space<hbm>> -> memref<8x128xi32, #tpu.memory_space<hbm>>
        %dma_wait3A_297 = arith.constant 0 : i32
        %dma_wait3A_298 = arith.constant 0 : i32
        %dma_wait3A_299 = tpu.memref_slice %arg6[%sub3A_76, %dma_wait3A_297, %dma_wait3A_298] : memref<2x8x128xi32, #tpu.memory_space<vmem>> -> memref<1x8x128xi32, #tpu.memory_space<vmem>>
        %dma_wait3A_300 = tpu.memref_squeeze %dma_wait3A_299 : memref<1x8x128xi32, #tpu.memory_space<vmem>> -> memref<8x128xi32, #tpu.memory_space<vmem>>
        %dma_wait3A_301 = arith.constant 0 : i32
        %dma_wait3A_302 = tpu.memref_slice %arg3[%arg0, %arg1, %mul3A_289, %dma_wait3A_301] : memref<2x16x160x128xi32, #tpu.memory_space<hbm>> -> memref<1x1x8x128xi32, #tpu.memory_space<hbm>>
        %dma_wait3A_303 = tpu.memref_squeeze %dma_wait3A_302 : memref<1x1x8x128xi32, #tpu.memory_space<hbm>> -> memref<8x128xi32, #tpu.memory_space<hbm>>
        tpu.wait_dma2 semaphore(%arg11 : memref<!tpu.dma_semaphore, #tpu.memory_space<semaphore_mem>>) src(%dma_wait3A_303 : memref<8x128xi32, #tpu.memory_space<hbm>>) dst(%dma_wait3A_300 : memref<8x128xi32, #tpu.memory_space<vmem>>)
        %add3A_304 = arith.constant 1 : i32
        %add3A_305 = arith.addi %scan3A_66, %add3A_304 : i32
        %mul3A_306 = arith.constant 8 : i32
        %mul3A_307 = arith.muli %add3A_305, %mul3A_306 : i32
        %dma_wait3A_308 = arith.constant 0 : i32
        %dma_wait3A_309 = arith.constant 0 : i32
        %dma_wait3A_310 = tpu.memref_slice %arg7[%sub3A_76, %dma_wait3A_308, %dma_wait3A_309] : memref<2x8x128xi32, #tpu.memory_space<vmem>> -> memref<1x8x128xi32, #tpu.memory_space<vmem>>
        %dma_wait3A_311 = tpu.memref_squeeze %dma_wait3A_310 : memref<1x8x128xi32, #tpu.memory_space<vmem>> -> memref<8x128xi32, #tpu.memory_space<vmem>>
        %dma_wait3A_312 = arith.constant 0 : i32
        %dma_wait3A_313 = tpu.memref_slice %arg4[%arg0, %arg1, %mul3A_307, %dma_wait3A_312] : memref<2x16x160x128xi32, #tpu.memory_space<hbm>> -> memref<1x1x8x128xi32, #tpu.memory_space<hbm>>
        %dma_wait3A_314 = tpu.memref_squeeze %dma_wait3A_313 : memref<1x1x8x128xi32, #tpu.memory_space<hbm>> -> memref<8x128xi32, #tpu.memory_space<hbm>>
        %dma_wait3A_315 = arith.constant 0 : i32
        %dma_wait3A_316 = arith.constant 0 : i32
        %dma_wait3A_317 = tpu.memref_slice %arg7[%sub3A_76, %dma_wait3A_315, %dma_wait3A_316] : memref<2x8x128xi32, #tpu.memory_space<vmem>> -> memref<1x8x128xi32, #tpu.memory_space<vmem>>
        %dma_wait3A_318 = tpu.memref_squeeze %dma_wait3A_317 : memref<1x8x128xi32, #tpu.memory_space<vmem>> -> memref<8x128xi32, #tpu.memory_space<vmem>>
        %dma_wait3A_319 = arith.constant 0 : i32
        %dma_wait3A_320 = tpu.memref_slice %arg4[%arg0, %arg1, %mul3A_307, %dma_wait3A_319] : memref<2x16x160x128xi32, #tpu.memory_space<hbm>> -> memref<1x1x8x128xi32, #tpu.memory_space<hbm>>
        %dma_wait3A_321 = tpu.memref_squeeze %dma_wait3A_320 : memref<1x1x8x128xi32, #tpu.memory_space<hbm>> -> memref<8x128xi32, #tpu.memory_space<hbm>>
        tpu.wait_dma2 semaphore(%arg11 : memref<!tpu.dma_semaphore, #tpu.memory_space<semaphore_mem>>) src(%dma_wait3A_321 : memref<8x128xi32, #tpu.memory_space<hbm>>) dst(%dma_wait3A_318 : memref<8x128xi32, #tpu.memory_space<vmem>>)
      } else {
      }
      %add3A_258 = arith.constant 1 : i32
      %add3A_259 = arith.addi %scan3A_66, %add3A_258 : i32
      %lt3A_260 = arith.constant 20 : i32
      %lt3A_261 = arith.cmpi slt, %add3A_259, %lt3A_260 : i32
      %convert_element_type3A_262 = arith.extui %lt3A_261 : i1 to i32
      %cond3A_263 = arith.constant 0 : i32
      %cond3A_264 = arith.cmpi ne, %convert_element_type3A_262, %cond3A_263 : i32
      scf.if %cond3A_264 {
        %dma_start3A_286 = arith.constant 0 : i32
        %dma_start3A_287 = arith.constant 0 : i32
        %dma_start3A_288 = arith.constant 0 : i32
        %dma_start3A_289 = arith.constant 0 : i32
        %dma_start3A_290 = tpu.memref_slice %arg8[%dma_start3A_287, %dma_start3A_288, %dma_start3A_289] : memref<2x128x128xf32, #tpu.memory_space<vmem>> -> memref<1x128x128xf32, #tpu.memory_space<vmem>>
        %dma_start3A_291 = tpu.memref_squeeze %dma_start3A_290 : memref<1x128x128xf32, #tpu.memory_space<vmem>> -> memref<128x128xf32, #tpu.memory_space<vmem>>
        %dma_start3A_292 = arith.constant 0 : i32
        %dma_start3A_293 = tpu.memref_slice %arg6[%sub3A_76, %dma_start3A_286, %dma_start3A_292] : memref<2x8x128xi32, #tpu.memory_space<vmem>> -> memref<1x1x128xi32, #tpu.memory_space<vmem>>
        %dma_start3A_294 = tpu.memref_squeeze %dma_start3A_293 : memref<1x1x128xi32, #tpu.memory_space<vmem>> -> memref<128xi32, #tpu.memory_space<vmem>>
        %dma_start3A_295 = arith.constant 0 : i32
        %dma_start3A_296 = arith.constant 0 : i32
        %dma_start3A_297 = tpu.memref_slice %arg2[%dma_start3A_295, %dma_start3A_296] : memref<20480x128xf32, #tpu.memory_space<hbm>> -> memref<20480x128xf32, #tpu.memory_space<hbm>>
        tpu.enqueue_indirect_dma source(%dma_start3A_297 : memref<20480x128xf32, #tpu.memory_space<hbm>>) target(%dma_start3A_291 : memref<128x128xf32, #tpu.memory_space<vmem>>) offsets(%dma_start3A_294 : memref<128xi32, #tpu.memory_space<vmem>>) semaphore(%arg10 : memref<!tpu.dma_semaphore, #tpu.memory_space<semaphore_mem>>)
      } else {
      }
      %dma_wait3A_265 = arith.constant 7 : i32
      %dma_wait3A_266 = arith.constant 1 : i32
      %dma_wait3A_267 = arith.constant 0 : i32
      %dma_wait3A_268 = arith.constant 0 : i32
      %dma_wait3A_269 = tpu.memref_slice %arg8[%dma_wait3A_266, %dma_wait3A_267, %dma_wait3A_268] : memref<2x128x128xf32, #tpu.memory_space<vmem>> -> memref<1x128x128xf32, #tpu.memory_space<vmem>>
      %dma_wait3A_270 = tpu.memref_squeeze %dma_wait3A_269 : memref<1x128x128xf32, #tpu.memory_space<vmem>> -> memref<128x128xf32, #tpu.memory_space<vmem>>
      %dma_wait3A_271 = arith.constant 0 : i32
      %dma_wait3A_272 = tpu.memref_slice %arg6[%select_n3A_75, %dma_wait3A_265, %dma_wait3A_271] : memref<2x8x128xi32, #tpu.memory_space<vmem>> -> memref<1x1x128xi32, #tpu.memory_space<vmem>>
      %dma_wait3A_273 = tpu.memref_squeeze %dma_wait3A_272 : memref<1x1x128xi32, #tpu.memory_space<vmem>> -> memref<128xi32, #tpu.memory_space<vmem>>
      %dma_wait3A_274 = arith.constant 0 : i32
      %dma_wait3A_275 = arith.constant 0 : i32
      %dma_wait3A_276 = tpu.memref_slice %arg2[%dma_wait3A_274, %dma_wait3A_275] : memref<20480x128xf32, #tpu.memory_space<hbm>> -> memref<20480x128xf32, #tpu.memory_space<hbm>>
      tpu.wait_indirect_dma semaphore(%arg10 : memref<!tpu.dma_semaphore, #tpu.memory_space<semaphore_mem>>) src(%dma_wait3A_276 : memref<20480x128xf32, #tpu.memory_space<hbm>>) dst(%dma_wait3A_270 : memref<128x128xf32, #tpu.memory_space<vmem>>)
      %run_scoped3A_277 = arith.constant 1 : i32
      %run_scoped3A_278 = arith.constant 7 : i32
      "tpu.region"() ({
        %run_scoped3A_286 = tpu.sem_alloc : memref<!tpu.dma_semaphore, #tpu.memory_space<semaphore_mem>>
        %dma_start3A_287 = arith.constant 0 : i32
        %dma_start3A_288 = arith.constant 0 : i32
        %dma_start3A_289 = tpu.memref_slice %arg8[%run_scoped3A_277, %dma_start3A_287, %dma_start3A_288] : memref<2x128x128xf32, #tpu.memory_space<vmem>> -> memref<1x128x128xf32, #tpu.memory_space<vmem>>
        %dma_start3A_290 = tpu.memref_squeeze %dma_start3A_289 : memref<1x128x128xf32, #tpu.memory_space<vmem>> -> memref<128x128xf32, #tpu.memory_space<vmem>>
        %dma_start3A_291 = arith.constant 0 : i32
        %dma_start3A_292 = tpu.memref_slice %arg7[%select_n3A_75, %run_scoped3A_278, %dma_start3A_291] : memref<2x8x128xi32, #tpu.memory_space<vmem>> -> memref<1x1x128xi32, #tpu.memory_space<vmem>>
        %dma_start3A_293 = tpu.memref_squeeze %dma_start3A_292 : memref<1x1x128xi32, #tpu.memory_space<vmem>> -> memref<128xi32, #tpu.memory_space<vmem>>
        %dma_start3A_294 = arith.constant 0 : i32
        %dma_start3A_295 = arith.constant 0 : i32
        %dma_start3A_296 = tpu.memref_slice %arg9[%dma_start3A_294, %dma_start3A_295] : memref<10240x128xf32, #tpu.memory_space<vmem_shared>> -> memref<10240x128xf32, #tpu.memory_space<vmem_shared>>
        tpu.enqueue_indirect_dma source(%dma_start3A_290 : memref<128x128xf32, #tpu.memory_space<vmem>>) target(%dma_start3A_296 : memref<10240x128xf32, #tpu.memory_space<vmem_shared>>) offsets(%dma_start3A_293 : memref<128xi32, #tpu.memory_space<vmem>>) semaphore(%run_scoped3A_286 : memref<!tpu.dma_semaphore, #tpu.memory_space<semaphore_mem>>) {add = true}
        %dma_wait3A_297 = arith.constant 0 : i32
        %dma_wait3A_298 = arith.constant 0 : i32
        %dma_wait3A_299 = tpu.memref_slice %arg8[%run_scoped3A_277, %dma_wait3A_297, %dma_wait3A_298] : memref<2x128x128xf32, #tpu.memory_space<vmem>> -> memref<1x128x128xf32, #tpu.memory_space<vmem>>
        %dma_wait3A_300 = tpu.memref_squeeze %dma_wait3A_299 : memref<1x128x128xf32, #tpu.memory_space<vmem>> -> memref<128x128xf32, #tpu.memory_space<vmem>>
        %dma_wait3A_301 = arith.constant 0 : i32
        %dma_wait3A_302 = tpu.memref_slice %arg7[%select_n3A_75, %run_scoped3A_278, %dma_wait3A_301] : memref<2x8x128xi32, #tpu.memory_space<vmem>> -> memref<1x1x128xi32, #tpu.memory_space<vmem>>
        %dma_wait3A_303 = tpu.memref_squeeze %dma_wait3A_302 : memref<1x1x128xi32, #tpu.memory_space<vmem>> -> memref<128xi32, #tpu.memory_space<vmem>>
        %dma_wait3A_304 = arith.constant 0 : i32
        %dma_wait3A_305 = arith.constant 0 : i32
        %dma_wait3A_306 = tpu.memref_slice %arg9[%dma_wait3A_304, %dma_wait3A_305] : memref<10240x128xf32, #tpu.memory_space<vmem_shared>> -> memref<10240x128xf32, #tpu.memory_space<vmem_shared>>
        tpu.wait_indirect_dma semaphore(%run_scoped3A_286 : memref<!tpu.dma_semaphore, #tpu.memory_space<semaphore_mem>>) src(%dma_wait3A_300 : memref<128x128xf32, #tpu.memory_space<vmem>>) dst(%dma_wait3A_306 : memref<10240x128xf32, #tpu.memory_space<vmem_shared>>)
        tpu.yield
      }) : () -> ()
      %add3A_279 = arith.constant 1 : i32
      %add3A_280 = arith.addi %scan3A_66, %add3A_279 : i32
      %lt3A_281 = arith.constant 20 : i32
      %lt3A_282 = arith.cmpi slt, %add3A_280, %lt3A_281 : i32
      %convert_element_type3A_283 = arith.extui %lt3A_282 : i1 to i32
      %cond3A_284 = arith.constant 0 : i32
      %cond3A_285 = arith.cmpi ne, %convert_element_type3A_283, %cond3A_284 : i32
      scf.if %cond3A_285 {
        %dma_start3A_286 = arith.constant 1 : i32
        %dma_start3A_287 = arith.constant 1 : i32
        %dma_start3A_288 = arith.constant 0 : i32
        %dma_start3A_289 = arith.constant 0 : i32
        %dma_start3A_290 = tpu.memref_slice %arg8[%dma_start3A_287, %dma_start3A_288, %dma_start3A_289] : memref<2x128x128xf32, #tpu.memory_space<vmem>> -> memref<1x128x128xf32, #tpu.memory_space<vmem>>
        %dma_start3A_291 = tpu.memref_squeeze %dma_start3A_290 : memref<1x128x128xf32, #tpu.memory_space<vmem>> -> memref<128x128xf32, #tpu.memory_space<vmem>>
        %dma_start3A_292 = arith.constant 0 : i32
        %dma_start3A_293 = tpu.memref_slice %arg6[%sub3A_76, %dma_start3A_286, %dma_start3A_292] : memref<2x8x128xi32, #tpu.memory_space<vmem>> -> memref<1x1x128xi32, #tpu.memory_space<vmem>>
        %dma_start3A_294 = tpu.memref_squeeze %dma_start3A_293 : memref<1x1x128xi32, #tpu.memory_space<vmem>> -> memref<128xi32, #tpu.memory_space<vmem>>
        %dma_start3A_295 = arith.constant 0 : i32
        %dma_start3A_296 = arith.constant 0 : i32
        %dma_start3A_297 = tpu.memref_slice %arg2[%dma_start3A_295, %dma_start3A_296] : memref<20480x128xf32, #tpu.memory_space<hbm>> -> memref<20480x128xf32, #tpu.memory_space<hbm>>
        tpu.enqueue_indirect_dma source(%dma_start3A_297 : memref<20480x128xf32, #tpu.memory_space<hbm>>) target(%dma_start3A_291 : memref<128x128xf32, #tpu.memory_space<vmem>>) offsets(%dma_start3A_294 : memref<128xi32, #tpu.memory_space<vmem>>) semaphore(%arg10 : memref<!tpu.dma_semaphore, #tpu.memory_space<semaphore_mem>>)
      } else {
      }
    }
    %scan3A_60 = arith.constant 20 : i32
    %barrier3A_61 = arith.constant 0 : index
    tpu.barrier barrier_id(%barrier3A_61)
    %mul3A_62 = arith.constant 640 : i32
    %mul3A_63 = arith.muli %arg1, %mul3A_62 : i32
    %mul3A_64 = arith.constant 640 : i32
    %mul3A_65 = arith.muli %arg1, %mul3A_64 : i32
    "tpu.region"() ({
      %run_scoped3A_66 = tpu.sem_alloc : memref<!tpu.dma_semaphore, #tpu.memory_space<semaphore_mem>>
      %dma_start3A_67 = arith.constant 0 : i32
      %dma_start3A_68 = tpu.memref_slice %arg5[%arg0, %mul3A_65, %dma_start3A_67] : memref<2x10240x128xf32, #tpu.memory_space<hbm>> -> memref<1x640x128xf32, #tpu.memory_space<hbm>>
      %dma_start3A_69 = tpu.memref_squeeze %dma_start3A_68 : memref<1x640x128xf32, #tpu.memory_space<hbm>> -> memref<640x128xf32, #tpu.memory_space<hbm>>
      %dma_start3A_70 = arith.constant 0 : i32
      %dma_start3A_71 = tpu.memref_slice %arg9[%mul3A_63, %dma_start3A_70] : memref<10240x128xf32, #tpu.memory_space<vmem_shared>> -> memref<640x128xf32, #tpu.memory_space<vmem_shared>>
      tpu.enqueue_dma source(%dma_start3A_71 : memref<640x128xf32, #tpu.memory_space<vmem_shared>>) target(%dma_start3A_69 : memref<640x128xf32, #tpu.memory_space<hbm>>) target_semaphore(%run_scoped3A_66 : memref<!tpu.dma_semaphore, #tpu.memory_space<semaphore_mem>>)
      %dma_wait3A = arith.constant 0 : i32
      %dma_wait3A_72 = tpu.memref_slice %arg5[%arg0, %mul3A_65, %dma_wait3A] : memref<2x10240x128xf32, #tpu.memory_space<hbm>> -> memref<1x640x128xf32, #tpu.memory_space<hbm>>
      %dma_wait3A_73 = tpu.memref_squeeze %dma_wait3A_72 : memref<1x640x128xf32, #tpu.memory_space<hbm>> -> memref<640x128xf32, #tpu.memory_space<hbm>>
      %dma_wait3A_74 = arith.constant 0 : i32
      %dma_wait3A_75 = tpu.memref_slice %arg9[%mul3A_63, %dma_wait3A_74] : memref<10240x128xf32, #tpu.memory_space<vmem_shared>> -> memref<640x128xf32, #tpu.memory_space<vmem_shared>>
      tpu.wait_dma2 semaphore(%run_scoped3A_66 : memref<!tpu.dma_semaphore, #tpu.memory_space<semaphore_mem>>) src(%dma_wait3A_75 : memref<640x128xf32, #tpu.memory_space<vmem_shared>>) dst(%dma_wait3A_73 : memref<640x128xf32, #tpu.memory_space<hbm>>)
      tpu.yield
    }) : () -> ()
    return
  }
}

module attributes {stable_mosaic.version = 14 : i64} {
  func.func @_mlp0_body(%arg0: i32, %arg1: memref<1024x128xf32, #tpu.memory_space<vmem>>, %arg2: memref<1024x128xf32, #tpu.memory_space<vmem>>, %arg3: memref<1024x128xf32, #tpu.memory_space<vmem>>, %arg4: memref<128x256xf32, #tpu.memory_space<vmem>>, %arg5: memref<1x256xf32, #tpu.memory_space<vmem>>, %arg6: memref<256x256xf32, #tpu.memory_space<vmem>>, %arg7: memref<1x256xf32, #tpu.memory_space<vmem>>, %arg8: memref<1x256xf32, #tpu.memory_space<vmem>>, %arg9: memref<1x256xf32, #tpu.memory_space<vmem>>, %arg10: memref<1024x256xf32, #tpu.memory_space<vmem>>) attributes {dimension_semantics = [#tpu.dimension_semantics<arbitrary>], iteration_bounds = array<i64: 10>, scalar_prefetch = 0 : i64, scratch_operands = 0 : i64, tpu.core_type = #tpu.core_type<tc>, window_params = [{transform_indices = @transform_0, window_bounds = array<i64: 1024, 128>}, {transform_indices = @transform_1, window_bounds = array<i64: 1024, 128>}, {transform_indices = @transform_2, window_bounds = array<i64: 1024, 128>}, {pipeline_mode = #tpu.pipeline_mode<synchronous>, transform_indices = @transform_3, window_bounds = array<i64: 128, 256>}, {pipeline_mode = #tpu.pipeline_mode<synchronous>, transform_indices = @transform_4, window_bounds = array<i64: 1, 256>}, {pipeline_mode = #tpu.pipeline_mode<synchronous>, transform_indices = @transform_5, window_bounds = array<i64: 256, 256>}, {pipeline_mode = #tpu.pipeline_mode<synchronous>, transform_indices = @transform_6, window_bounds = array<i64: 1, 256>}, {pipeline_mode = #tpu.pipeline_mode<synchronous>, transform_indices = @transform_7, window_bounds = array<i64: 1, 256>}, {pipeline_mode = #tpu.pipeline_mode<synchronous>, transform_indices = @transform_8, window_bounds = array<i64: 1, 256>}, {transform_indices = @transform_9, window_bounds = array<i64: 1024, 256>}]} {
    %get3A = arith.constant 0 : index
    %get3A_0 = arith.constant 0 : index
    %get3A_1 = vector.load %arg1[%get3A, %get3A_0] : memref<1024x128xf32, #tpu.memory_space<vmem>>, vector<1024x128xf32>
    %get3A_2 = arith.constant 0 : index
    %get3A_3 = arith.constant 0 : index
    %get3A_4 = vector.load %arg2[%get3A_2, %get3A_3] : memref<1024x128xf32, #tpu.memory_space<vmem>>, vector<1024x128xf32>
    %add3A = arith.addf %get3A_1, %get3A_4 : vector<1024x128xf32>
    %get3A_5 = arith.constant 0 : index
    %get3A_6 = arith.constant 0 : index
    %get3A_7 = vector.load %arg3[%get3A_5, %get3A_6] : memref<1024x128xf32, #tpu.memory_space<vmem>>, vector<1024x128xf32>
    %add3A_8 = arith.addf %add3A, %get3A_7 : vector<1024x128xf32>
    %get3A_9 = arith.constant 0 : index
    %get3A_10 = arith.constant 0 : index
    %get3A_11 = vector.load %arg4[%get3A_9, %get3A_10] : memref<128x256xf32, #tpu.memory_space<vmem>>, vector<128x256xf32>
    %dot_general3A = arith.constant dense<0.000000e+00> : vector<1024x256xf32>
    %dot_general3A_12 = tpu.matmul %add3A_8, %get3A_11, %dot_general3A {dimension_numbers = #tpu.dot_dimension_numbers<[1], [0], [0], [1], [0, 0, 1, 1], [], []>, transpose_lhs_hint = false} : vector<1024x128xf32>, vector<128x256xf32>, vector<1024x256xf32> -> vector<1024x256xf32>
    %get3A_13 = arith.constant 0 : index
    %get3A_14 = arith.constant 0 : index
    %get3A_15 = vector.load %arg5[%get3A_13, %get3A_14] : memref<1x256xf32, #tpu.memory_space<vmem>>, vector<1x256xf32>
    %add3A_16 = vector.broadcast %get3A_15 : vector<1x256xf32> to vector<1024x256xf32>
    %add3A_17 = arith.addf %dot_general3A_12, %add3A_16 : vector<1024x256xf32>
    %max3A = arith.constant 0.000000e+00 : f32
    %max3A_18 = vector.broadcast %max3A : f32 to vector<1024x256xf32>
    %max3A_19 = arith.maximumf %add3A_17, %max3A_18 : vector<1024x256xf32>
    %get3A_20 = arith.constant 0 : index
    %get3A_21 = arith.constant 0 : index
    %get3A_22 = vector.load %arg6[%get3A_20, %get3A_21] : memref<256x256xf32, #tpu.memory_space<vmem>>, vector<256x256xf32>
    %dot_general3A_23 = arith.constant dense<0.000000e+00> : vector<1024x256xf32>
    %dot_general3A_24 = tpu.matmul %max3A_19, %get3A_22, %dot_general3A_23 {dimension_numbers = #tpu.dot_dimension_numbers<[1], [0], [0], [1], [0, 0, 1, 1], [], []>, transpose_lhs_hint = false} : vector<1024x256xf32>, vector<256x256xf32>, vector<1024x256xf32> -> vector<1024x256xf32>
    %get3A_25 = arith.constant 0 : index
    %get3A_26 = arith.constant 0 : index
    %get3A_27 = vector.load %arg7[%get3A_25, %get3A_26] : memref<1x256xf32, #tpu.memory_space<vmem>>, vector<1x256xf32>
    %add3A_28 = vector.broadcast %get3A_27 : vector<1x256xf32> to vector<1024x256xf32>
    %add3A_29 = arith.addf %dot_general3A_24, %add3A_28 : vector<1024x256xf32>
    %reduce_sum3A = arith.constant dense<0.000000e+00> : vector<1024xf32>
    %reduce_sum3A_30 = vector.multi_reduction <add>, %add3A_29, %reduce_sum3A [1] : vector<1024x256xf32> to vector<1024xf32>
    %broadcast_in_dim3A = vector.shape_cast %reduce_sum3A_30 : vector<1024xf32> to vector<1024x1xf32>
    %div3A = arith.constant 2.560000e+02 : f32
    %div3A_31 = vector.broadcast %div3A : f32 to vector<1024x1xf32>
    %div3A_32 = arith.divf %broadcast_in_dim3A, %div3A_31 : vector<1024x1xf32>
    %sub3A = vector.broadcast %div3A_32 : vector<1024x1xf32> to vector<1024x256xf32>
    %sub3A_33 = arith.subf %add3A_29, %sub3A : vector<1024x256xf32>
    %mul3A = arith.mulf %sub3A_33, %sub3A_33 : vector<1024x256xf32>
    %reduce_sum3A_34 = arith.constant dense<0.000000e+00> : vector<1024xf32>
    %reduce_sum3A_35 = vector.multi_reduction <add>, %mul3A, %reduce_sum3A_34 [1] : vector<1024x256xf32> to vector<1024xf32>
    %broadcast_in_dim3A_36 = vector.shape_cast %reduce_sum3A_35 : vector<1024xf32> to vector<1024x1xf32>
    %div3A_37 = arith.constant 2.560000e+02 : f32
    %div3A_38 = vector.broadcast %div3A_37 : f32 to vector<1024x1xf32>
    %div3A_39 = arith.divf %broadcast_in_dim3A_36, %div3A_38 : vector<1024x1xf32>
    %add3A_40 = arith.constant 9.99999974E-6 : f32
    %add3A_41 = vector.broadcast %add3A_40 : f32 to vector<1024x1xf32>
    %add3A_42 = arith.addf %div3A_39, %add3A_41 : vector<1024x1xf32>
    %rsqrt3A = math.rsqrt %add3A_42 : vector<1024x1xf32>
    %mul3A_43 = vector.broadcast %rsqrt3A : vector<1024x1xf32> to vector<1024x256xf32>
    %mul3A_44 = arith.mulf %sub3A_33, %mul3A_43 : vector<1024x256xf32>
    %get3A_45 = arith.constant 0 : index
    %get3A_46 = arith.constant 0 : index
    %get3A_47 = vector.load %arg8[%get3A_45, %get3A_46] : memref<1x256xf32, #tpu.memory_space<vmem>>, vector<1x256xf32>
    %mul3A_48 = vector.broadcast %get3A_47 : vector<1x256xf32> to vector<1024x256xf32>
    %mul3A_49 = arith.mulf %mul3A_44, %mul3A_48 : vector<1024x256xf32>
    %get3A_50 = arith.constant 0 : index
    %get3A_51 = arith.constant 0 : index
    %get3A_52 = vector.load %arg9[%get3A_50, %get3A_51] : memref<1x256xf32, #tpu.memory_space<vmem>>, vector<1x256xf32>
    %add3A_53 = vector.broadcast %get3A_52 : vector<1x256xf32> to vector<1024x256xf32>
    %add3A_54 = arith.addf %mul3A_49, %add3A_53 : vector<1024x256xf32>
    %max3A_55 = arith.constant 0.000000e+00 : f32
    %max3A_56 = vector.broadcast %max3A_55 : f32 to vector<1024x256xf32>
    %max3A_57 = arith.maximumf %add3A_54, %max3A_56 : vector<1024x256xf32>
    %swap3A = arith.constant 0 : index
    %swap3A_58 = arith.constant 0 : index
    %swap3A_59 = vector.load %arg10[%swap3A, %swap3A_58] : memref<1024x256xf32, #tpu.memory_space<vmem>>, vector<1024x256xf32>
    tpu.vector_store %arg10[%swap3A, %swap3A_58], %max3A_57 {strides = array<i32>} : memref<1024x256xf32, #tpu.memory_space<vmem>>, vector<1024x256xf32>,
    return
  }
  func.func @transform_0(%arg0: i32) -> (i32, i32) {
    %c0_i32 = arith.constant 0 : i32
    %c0_i32_0 = arith.constant 0 : i32
    return %arg0, %c0_i32 : i32, i32
  }
  func.func @transform_1(%arg0: i32) -> (i32, i32) {
    %c0_i32 = arith.constant 0 : i32
    %c0_i32_0 = arith.constant 0 : i32
    return %arg0, %c0_i32 : i32, i32
  }
  func.func @transform_2(%arg0: i32) -> (i32, i32) {
    %c0_i32 = arith.constant 0 : i32
    %c0_i32_0 = arith.constant 0 : i32
    return %arg0, %c0_i32 : i32, i32
  }
  func.func @transform_3(%arg0: i32) -> (i32, i32) {
    %c0_i32 = arith.constant 0 : i32
    %c0_i32_0 = arith.constant 0 : i32
    %c0_i32_1 = arith.constant 0 : i32
    return %c0_i32, %c0_i32_0 : i32, i32
  }
  func.func @transform_4(%arg0: i32) -> (i32, i32) {
    %c0_i32 = arith.constant 0 : i32
    %c0_i32_0 = arith.constant 0 : i32
    %c0_i32_1 = arith.constant 0 : i32
    return %c0_i32, %c0_i32_0 : i32, i32
  }
  func.func @transform_5(%arg0: i32) -> (i32, i32) {
    %c0_i32 = arith.constant 0 : i32
    %c0_i32_0 = arith.constant 0 : i32
    %c0_i32_1 = arith.constant 0 : i32
    return %c0_i32, %c0_i32_0 : i32, i32
  }
  func.func @transform_6(%arg0: i32) -> (i32, i32) {
    %c0_i32 = arith.constant 0 : i32
    %c0_i32_0 = arith.constant 0 : i32
    %c0_i32_1 = arith.constant 0 : i32
    return %c0_i32, %c0_i32_0 : i32, i32
  }
  func.func @transform_7(%arg0: i32) -> (i32, i32) {
    %c0_i32 = arith.constant 0 : i32
    %c0_i32_0 = arith.constant 0 : i32
    %c0_i32_1 = arith.constant 0 : i32
    return %c0_i32, %c0_i32_0 : i32, i32
  }
  func.func @transform_8(%arg0: i32) -> (i32, i32) {
    %c0_i32 = arith.constant 0 : i32
    %c0_i32_0 = arith.constant 0 : i32
    %c0_i32_1 = arith.constant 0 : i32
    return %c0_i32, %c0_i32_0 : i32, i32
  }
  func.func @transform_9(%arg0: i32) -> (i32, i32) {
    %c0_i32 = arith.constant 0 : i32
    %c0_i32_0 = arith.constant 0 : i32
    return %arg0, %c0_i32 : i32, i32
  }
}

module attributes {stable_mosaic.version = 14 : i64} {
  func.func @_mlp1_body(%arg0: i32, %arg1: memref<1024x256xf32, #tpu.memory_space<vmem>>, %arg2: memref<1024x128xf32, #tpu.memory_space<vmem>>, %arg3: memref<1024x128xf32, #tpu.memory_space<vmem>>, %arg4: memref<128x256xf32, #tpu.memory_space<vmem>>, %arg5: memref<128x256xf32, #tpu.memory_space<vmem>>, %arg6: memref<1x256xf32, #tpu.memory_space<vmem>>, %arg7: memref<256x256xf32, #tpu.memory_space<vmem>>, %arg8: memref<1x256xf32, #tpu.memory_space<vmem>>, %arg9: memref<1x256xf32, #tpu.memory_space<vmem>>, %arg10: memref<1x256xf32, #tpu.memory_space<vmem>>, %arg11: memref<256x128xf32, #tpu.memory_space<vmem>>, %arg12: memref<1x128xf32, #tpu.memory_space<vmem>>, %arg13: memref<128x1xf32, #tpu.memory_space<vmem>>, %arg14: memref<1x1xf32, #tpu.memory_space<vmem>>, %arg15: memref<1024x256xf32, #tpu.memory_space<vmem>>, %arg16: memref<1024x1xf32, #tpu.memory_space<vmem>>) attributes {dimension_semantics = [#tpu.dimension_semantics<arbitrary>], iteration_bounds = array<i64: 10>, scalar_prefetch = 0 : i64, scratch_operands = 0 : i64, tpu.core_type = #tpu.core_type<tc>, window_params = [{transform_indices = @transform_0, window_bounds = array<i64: 1024, 256>}, {transform_indices = @transform_1, window_bounds = array<i64: 1024, 128>}, {transform_indices = @transform_2, window_bounds = array<i64: 1024, 128>}, {pipeline_mode = #tpu.pipeline_mode<synchronous>, transform_indices = @transform_3, window_bounds = array<i64: 128, 256>}, {pipeline_mode = #tpu.pipeline_mode<synchronous>, transform_indices = @transform_4, window_bounds = array<i64: 128, 256>}, {pipeline_mode = #tpu.pipeline_mode<synchronous>, transform_indices = @transform_5, window_bounds = array<i64: 1, 256>}, {pipeline_mode = #tpu.pipeline_mode<synchronous>, transform_indices = @transform_6, window_bounds = array<i64: 256, 256>}, {pipeline_mode = #tpu.pipeline_mode<synchronous>, transform_indices = @transform_7, window_bounds = array<i64: 1, 256>}, {pipeline_mode = #tpu.pipeline_mode<synchronous>, transform_indices = @transform_8, window_bounds = array<i64: 1, 256>}, {pipeline_mode = #tpu.pipeline_mode<synchronous>, transform_indices = @transform_9, window_bounds = array<i64: 1, 256>}, {pipeline_mode = #tpu.pipeline_mode<synchronous>, transform_indices = @transform_10, window_bounds = array<i64: 256, 128>}, {pipeline_mode = #tpu.pipeline_mode<synchronous>, transform_indices = @transform_11, window_bounds = array<i64: 1, 128>}, {pipeline_mode = #tpu.pipeline_mode<synchronous>, transform_indices = @transform_12, window_bounds = array<i64: 128, 1>}, {pipeline_mode = #tpu.pipeline_mode<synchronous>, transform_indices = @transform_13, window_bounds = array<i64: 1, 1>}, {transform_indices = @transform_14, window_bounds = array<i64: 1024, 256>}, {transform_indices = @transform_15, window_bounds = array<i64: 1024, 1>}]} {
    %get3A = arith.constant 0 : index
    %get3A_0 = arith.constant 0 : index
    %get3A_1 = vector.load %arg1[%get3A, %get3A_0] : memref<1024x256xf32, #tpu.memory_space<vmem>>, vector<1024x256xf32>
    %slice3A = vector.extract_strided_slice %get3A_1 {offsets = [0, 0], sizes = [1024, 128], strides = [1, 1]} : vector<1024x256xf32> to vector<1024x128xf32>
    %get3A_2 = arith.constant 0 : index
    %get3A_3 = arith.constant 0 : index
    %get3A_4 = vector.load %arg2[%get3A_2, %get3A_3] : memref<1024x128xf32, #tpu.memory_space<vmem>>, vector<1024x128xf32>
    %add3A = arith.addf %slice3A, %get3A_4 : vector<1024x128xf32>
    %slice3A_5 = vector.extract_strided_slice %get3A_1 {offsets = [0, 128], sizes = [1024, 128], strides = [1, 1]} : vector<1024x256xf32> to vector<1024x128xf32>
    %get3A_6 = arith.constant 0 : index
    %get3A_7 = arith.constant 0 : index
    %get3A_8 = vector.load %arg3[%get3A_6, %get3A_7] : memref<1024x128xf32, #tpu.memory_space<vmem>>, vector<1024x128xf32>
    %add3A_9 = arith.addf %slice3A_5, %get3A_8 : vector<1024x128xf32>
    %get3A_10 = arith.constant 0 : index
    %get3A_11 = arith.constant 0 : index
    %get3A_12 = vector.load %arg4[%get3A_10, %get3A_11] : memref<128x256xf32, #tpu.memory_space<vmem>>, vector<128x256xf32>
    %dot_general3A = arith.constant dense<0.000000e+00> : vector<1024x256xf32>
    %dot_general3A_13 = tpu.matmul %add3A, %get3A_12, %dot_general3A {dimension_numbers = #tpu.dot_dimension_numbers<[1], [0], [0], [1], [0, 0, 1, 1], [], []>, transpose_lhs_hint = false} : vector<1024x128xf32>, vector<128x256xf32>, vector<1024x256xf32> -> vector<1024x256xf32>
    %get3A_14 = arith.constant 0 : index
    %get3A_15 = arith.constant 0 : index
    %get3A_16 = vector.load %arg5[%get3A_14, %get3A_15] : memref<128x256xf32, #tpu.memory_space<vmem>>, vector<128x256xf32>
    %dot_general3A_17 = arith.constant dense<0.000000e+00> : vector<1024x256xf32>
    %dot_general3A_18 = tpu.matmul %add3A_9, %get3A_16, %dot_general3A_17 {dimension_numbers = #tpu.dot_dimension_numbers<[1], [0], [0], [1], [0, 0, 1, 1], [], []>, transpose_lhs_hint = false} : vector<1024x128xf32>, vector<128x256xf32>, vector<1024x256xf32> -> vector<1024x256xf32>
    %add3A_19 = arith.addf %dot_general3A_13, %dot_general3A_18 : vector<1024x256xf32>
    %get3A_20 = arith.constant 0 : index
    %get3A_21 = arith.constant 0 : index
    %get3A_22 = vector.load %arg6[%get3A_20, %get3A_21] : memref<1x256xf32, #tpu.memory_space<vmem>>, vector<1x256xf32>
    %add3A_23 = vector.broadcast %get3A_22 : vector<1x256xf32> to vector<1024x256xf32>
    %add3A_24 = arith.addf %add3A_19, %add3A_23 : vector<1024x256xf32>
    %max3A = arith.constant 0.000000e+00 : f32
    %max3A_25 = vector.broadcast %max3A : f32 to vector<1024x256xf32>
    %max3A_26 = arith.maximumf %add3A_24, %max3A_25 : vector<1024x256xf32>
    %get3A_27 = arith.constant 0 : index
    %get3A_28 = arith.constant 0 : index
    %get3A_29 = vector.load %arg7[%get3A_27, %get3A_28] : memref<256x256xf32, #tpu.memory_space<vmem>>, vector<256x256xf32>
    %dot_general3A_30 = arith.constant dense<0.000000e+00> : vector<1024x256xf32>
    %dot_general3A_31 = tpu.matmul %max3A_26, %get3A_29, %dot_general3A_30 {dimension_numbers = #tpu.dot_dimension_numbers<[1], [0], [0], [1], [0, 0, 1, 1], [], []>, transpose_lhs_hint = false} : vector<1024x256xf32>, vector<256x256xf32>, vector<1024x256xf32> -> vector<1024x256xf32>
    %get3A_32 = arith.constant 0 : index
    %get3A_33 = arith.constant 0 : index
    %get3A_34 = vector.load %arg8[%get3A_32, %get3A_33] : memref<1x256xf32, #tpu.memory_space<vmem>>, vector<1x256xf32>
    %add3A_35 = vector.broadcast %get3A_34 : vector<1x256xf32> to vector<1024x256xf32>
    %add3A_36 = arith.addf %dot_general3A_31, %add3A_35 : vector<1024x256xf32>
    %reduce_sum3A = arith.constant dense<0.000000e+00> : vector<1024xf32>
    %reduce_sum3A_37 = vector.multi_reduction <add>, %add3A_36, %reduce_sum3A [1] : vector<1024x256xf32> to vector<1024xf32>
    %broadcast_in_dim3A = vector.shape_cast %reduce_sum3A_37 : vector<1024xf32> to vector<1024x1xf32>
    %div3A = arith.constant 2.560000e+02 : f32
    %div3A_38 = vector.broadcast %div3A : f32 to vector<1024x1xf32>
    %div3A_39 = arith.divf %broadcast_in_dim3A, %div3A_38 : vector<1024x1xf32>
    %sub3A = vector.broadcast %div3A_39 : vector<1024x1xf32> to vector<1024x256xf32>
    %sub3A_40 = arith.subf %add3A_36, %sub3A : vector<1024x256xf32>
    %mul3A = arith.mulf %sub3A_40, %sub3A_40 : vector<1024x256xf32>
    %reduce_sum3A_41 = arith.constant dense<0.000000e+00> : vector<1024xf32>
    %reduce_sum3A_42 = vector.multi_reduction <add>, %mul3A, %reduce_sum3A_41 [1] : vector<1024x256xf32> to vector<1024xf32>
    %broadcast_in_dim3A_43 = vector.shape_cast %reduce_sum3A_42 : vector<1024xf32> to vector<1024x1xf32>
    %div3A_44 = arith.constant 2.560000e+02 : f32
    %div3A_45 = vector.broadcast %div3A_44 : f32 to vector<1024x1xf32>
    %div3A_46 = arith.divf %broadcast_in_dim3A_43, %div3A_45 : vector<1024x1xf32>
    %add3A_47 = arith.constant 9.99999974E-6 : f32
    %add3A_48 = vector.broadcast %add3A_47 : f32 to vector<1024x1xf32>
    %add3A_49 = arith.addf %div3A_46, %add3A_48 : vector<1024x1xf32>
    %rsqrt3A = math.rsqrt %add3A_49 : vector<1024x1xf32>
    %mul3A_50 = vector.broadcast %rsqrt3A : vector<1024x1xf32> to vector<1024x256xf32>
    %mul3A_51 = arith.mulf %sub3A_40, %mul3A_50 : vector<1024x256xf32>
    %get3A_52 = arith.constant 0 : index
    %get3A_53 = arith.constant 0 : index
    %get3A_54 = vector.load %arg9[%get3A_52, %get3A_53] : memref<1x256xf32, #tpu.memory_space<vmem>>, vector<1x256xf32>
    %mul3A_55 = vector.broadcast %get3A_54 : vector<1x256xf32> to vector<1024x256xf32>
    %mul3A_56 = arith.mulf %mul3A_51, %mul3A_55 : vector<1024x256xf32>
    %get3A_57 = arith.constant 0 : index
    %get3A_58 = arith.constant 0 : index
    %get3A_59 = vector.load %arg10[%get3A_57, %get3A_58] : memref<1x256xf32, #tpu.memory_space<vmem>>, vector<1x256xf32>
    %add3A_60 = vector.broadcast %get3A_59 : vector<1x256xf32> to vector<1024x256xf32>
    %add3A_61 = arith.addf %mul3A_56, %add3A_60 : vector<1024x256xf32>
    %max3A_62 = arith.constant 0.000000e+00 : f32
    %max3A_63 = vector.broadcast %max3A_62 : f32 to vector<1024x256xf32>
    %max3A_64 = arith.maximumf %add3A_61, %max3A_63 : vector<1024x256xf32>
    %swap3A = arith.constant 0 : index
    %swap3A_65 = arith.constant 0 : index
    %swap3A_66 = vector.load %arg15[%swap3A, %swap3A_65] : memref<1024x256xf32, #tpu.memory_space<vmem>>, vector<1024x256xf32>
    tpu.vector_store %arg15[%swap3A, %swap3A_65], %max3A_64 {strides = array<i32>} : memref<1024x256xf32, #tpu.memory_space<vmem>>, vector<1024x256xf32>,
    %get3A_67 = arith.constant 0 : index
    %get3A_68 = arith.constant 0 : index
    %get3A_69 = vector.load %arg11[%get3A_67, %get3A_68] : memref<256x128xf32, #tpu.memory_space<vmem>>, vector<256x128xf32>
    %dot_general3A_70 = arith.constant dense<0.000000e+00> : vector<1024x128xf32>
    %dot_general3A_71 = tpu.matmul %max3A_64, %get3A_69, %dot_general3A_70 {dimension_numbers = #tpu.dot_dimension_numbers<[1], [0], [0], [1], [0, 0, 1, 1], [], []>, transpose_lhs_hint = false} : vector<1024x256xf32>, vector<256x128xf32>, vector<1024x128xf32> -> vector<1024x128xf32>
    %get3A_72 = arith.constant 0 : index
    %get3A_73 = arith.constant 0 : index
    %get3A_74 = vector.load %arg12[%get3A_72, %get3A_73] : memref<1x128xf32, #tpu.memory_space<vmem>>, vector<1x128xf32>
    %add3A_75 = vector.broadcast %get3A_74 : vector<1x128xf32> to vector<1024x128xf32>
    %add3A_76 = arith.addf %dot_general3A_71, %add3A_75 : vector<1024x128xf32>
    %max3A_77 = arith.constant 0.000000e+00 : f32
    %max3A_78 = vector.broadcast %max3A_77 : f32 to vector<1024x128xf32>
    %max3A_79 = arith.maximumf %add3A_76, %max3A_78 : vector<1024x128xf32>
    %get3A_80 = arith.constant 0 : index
    %get3A_81 = arith.constant 0 : index
    %get3A_82 = vector.load %arg13[%get3A_80, %get3A_81] : memref<128x1xf32, #tpu.memory_space<vmem>>, vector<128x1xf32>
    %dot_general3A_83 = arith.constant dense<0.000000e+00> : vector<1024x1xf32>
    %dot_general3A_84 = tpu.matmul %max3A_79, %get3A_82, %dot_general3A_83 {dimension_numbers = #tpu.dot_dimension_numbers<[1], [0], [0], [1], [0, 0, 1, 1], [], []>, transpose_lhs_hint = false} : vector<1024x128xf32>, vector<128x1xf32>, vector<1024x1xf32> -> vector<1024x1xf32>
    %get3A_85 = arith.constant 0 : index
    %get3A_86 = arith.constant 0 : index
    %get3A_87 = vector.load %arg14[%get3A_85, %get3A_86] : memref<1x1xf32, #tpu.memory_space<vmem>>, vector<1x1xf32>
    %add3A_88 = vector.broadcast %get3A_87 : vector<1x1xf32> to vector<1024x1xf32>
    %add3A_89 = arith.addf %dot_general3A_84, %add3A_88 : vector<1024x1xf32>
    %swap3A_90 = arith.constant 0 : index
    %swap3A_91 = arith.constant 0 : index
    %swap3A_92 = vector.load %arg16[%swap3A_90, %swap3A_91] : memref<1024x1xf32, #tpu.memory_space<vmem>>, vector<1024x1xf32>
    tpu.vector_store %arg16[%swap3A_90, %swap3A_91], %add3A_89 {strides = array<i32>} : memref<1024x1xf32, #tpu.memory_space<vmem>>, vector<1024x1xf32>,
    return
  }
  func.func @transform_0(%arg0: i32) -> (i32, i32) {
    %c0_i32 = arith.constant 0 : i32
    %c0_i32_0 = arith.constant 0 : i32
    return %arg0, %c0_i32 : i32, i32
  }
  func.func @transform_1(%arg0: i32) -> (i32, i32) {
    %c0_i32 = arith.constant 0 : i32
    %c0_i32_0 = arith.constant 0 : i32
    return %arg0, %c0_i32 : i32, i32
  }
  func.func @transform_2(%arg0: i32) -> (i32, i32) {
    %c0_i32 = arith.constant 0 : i32
    %c0_i32_0 = arith.constant 0 : i32
    return %arg0, %c0_i32 : i32, i32
  }
  func.func @transform_3(%arg0: i32) -> (i32, i32) {
    %c0_i32 = arith.constant 0 : i32
    %c0_i32_0 = arith.constant 0 : i32
    %c0_i32_1 = arith.constant 0 : i32
    return %c0_i32, %c0_i32_0 : i32, i32
  }
  func.func @transform_4(%arg0: i32) -> (i32, i32) {
    %c0_i32 = arith.constant 0 : i32
    %c0_i32_0 = arith.constant 0 : i32
    %c0_i32_1 = arith.constant 0 : i32
    return %c0_i32, %c0_i32_0 : i32, i32
  }
  func.func @transform_5(%arg0: i32) -> (i32, i32) {
    %c0_i32 = arith.constant 0 : i32
    %c0_i32_0 = arith.constant 0 : i32
    %c0_i32_1 = arith.constant 0 : i32
    return %c0_i32, %c0_i32_0 : i32, i32
  }
  func.func @transform_6(%arg0: i32) -> (i32, i32) {
    %c0_i32 = arith.constant 0 : i32
    %c0_i32_0 = arith.constant 0 : i32
    %c0_i32_1 = arith.constant 0 : i32
    return %c0_i32, %c0_i32_0 : i32, i32
  }
  func.func @transform_7(%arg0: i32) -> (i32, i32) {
    %c0_i32 = arith.constant 0 : i32
    %c0_i32_0 = arith.constant 0 : i32
    %c0_i32_1 = arith.constant 0 : i32
    return %c0_i32, %c0_i32_0 : i32, i32
  }
  func.func @transform_8(%arg0: i32) -> (i32, i32) {
    %c0_i32 = arith.constant 0 : i32
    %c0_i32_0 = arith.constant 0 : i32
    %c0_i32_1 = arith.constant 0 : i32
    return %c0_i32, %c0_i32_0 : i32, i32
  }
  func.func @transform_9(%arg0: i32) -> (i32, i32) {
    %c0_i32 = arith.constant 0 : i32
    %c0_i32_0 = arith.constant 0 : i32
    %c0_i32_1 = arith.constant 0 : i32
    return %c0_i32, %c0_i32_0 : i32, i32
  }
  func.func @transform_10(%arg0: i32) -> (i32, i32) {
    %c0_i32 = arith.constant 0 : i32
    %c0_i32_0 = arith.constant 0 : i32
    %c0_i32_1 = arith.constant 0 : i32
    return %c0_i32, %c0_i32_0 : i32, i32
  }
  func.func @transform_11(%arg0: i32) -> (i32, i32) {
    %c0_i32 = arith.constant 0 : i32
    %c0_i32_0 = arith.constant 0 : i32
    %c0_i32_1 = arith.constant 0 : i32
    return %c0_i32, %c0_i32_0 : i32, i32
  }
  func.func @transform_12(%arg0: i32) -> (i32, i32) {
    %c0_i32 = arith.constant 0 : i32
    %c0_i32_0 = arith.constant 0 : i32
    %c0_i32_1 = arith.constant 0 : i32
    return %c0_i32, %c0_i32_0 : i32, i32
  }
  func.func @transform_13(%arg0: i32) -> (i32, i32) {
    %c0_i32 = arith.constant 0 : i32
    %c0_i32_0 = arith.constant 0 : i32
    %c0_i32_1 = arith.constant 0 : i32
    return %c0_i32, %c0_i32_0 : i32, i32
  }
  func.func @transform_14(%arg0: i32) -> (i32, i32) {
    %c0_i32 = arith.constant 0 : i32
    %c0_i32_0 = arith.constant 0 : i32
    return %arg0, %c0_i32 : i32, i32
  }
  func.func @transform_15(%arg0: i32) -> (i32, i32) {
    %c0_i32 = arith.constant 0 : i32
    %c0_i32_0 = arith.constant 0 : i32
    return %arg0, %c0_i32 : i32, i32
  }
}

module attributes {stable_mosaic.version = 14 : i64} {
  func.func @_pool_body(%arg0: i32, %arg1: memref<1024x256xf32, #tpu.memory_space<vmem>>, %arg2: memref<1024x1xf32, #tpu.memory_space<vmem>>, %arg3: memref<1024x1xi32, #tpu.memory_space<vmem>>, %arg4: memref<64x16xf32, #tpu.memory_space<vmem>>, %arg5: memref<256x128xf32, #tpu.memory_space<vmem>>, %arg6: memref<16x128xf32, #tpu.memory_space<vmem>>, %arg7: memref<1x128xf32, #tpu.memory_space<vmem>>, %arg8: memref<128x2xf32, #tpu.memory_space<vmem>>, %arg9: memref<1x2xf32, #tpu.memory_space<vmem>>, %arg10: memref<64x2xf32, #tpu.memory_space<vmem>>, %arg11: memref<1x64xf32, #tpu.memory_space<vmem>>, %arg12: memref<64x384xf32, #tpu.memory_space<vmem>>) attributes {dimension_semantics = [#tpu.dimension_semantics<arbitrary>], iteration_bounds = array<i64: 20>, scalar_prefetch = 0 : i64, scratch_operands = 2 : i64, tpu.core_type = #tpu.core_type<tc>, window_params = [{transform_indices = @transform_0, window_bounds = array<i64: 1024, 256>}, {transform_indices = @transform_1, window_bounds = array<i64: 1024, 1>}, {transform_indices = @transform_2, window_bounds = array<i64: 1024, 1>}, {pipeline_mode = #tpu.pipeline_mode<synchronous>, transform_indices = @transform_3, window_bounds = array<i64: 64, 16>}, {pipeline_mode = #tpu.pipeline_mode<synchronous>, transform_indices = @transform_4, window_bounds = array<i64: 256, 128>}, {pipeline_mode = #tpu.pipeline_mode<synchronous>, transform_indices = @transform_5, window_bounds = array<i64: 16, 128>}, {pipeline_mode = #tpu.pipeline_mode<synchronous>, transform_indices = @transform_6, window_bounds = array<i64: 1, 128>}, {pipeline_mode = #tpu.pipeline_mode<synchronous>, transform_indices = @transform_7, window_bounds = array<i64: 128, 2>}, {pipeline_mode = #tpu.pipeline_mode<synchronous>, transform_indices = @transform_8, window_bounds = array<i64: 1, 2>}, {pipeline_mode = #tpu.pipeline_mode<synchronous>, transform_indices = @transform_9, window_bounds = array<i64: 64, 2>}]} {
    %eq3A = arith.constant 0 : i32
    %eq3A_0 = arith.cmpi eq, %arg0, %eq3A : i32
    %convert_element_type3A = arith.extui %eq3A_0 : i1 to i32
    %cond3A = arith.constant 0 : i32
    %cond3A_1 = arith.cmpi ne, %convert_element_type3A, %cond3A : i32
    scf.if %cond3A_1 {
      %broadcast_in_dim3A_46 = arith.constant 0xFF800000 : f32
      %broadcast_in_dim3A_47 = vector.broadcast %broadcast_in_dim3A_46 : f32 to vector<1x64xf32>
      %swap3A = arith.constant 0 : index
      %swap3A_48 = arith.constant 0 : index
      %swap3A_49 = vector.load %arg11[%swap3A, %swap3A_48] : memref<1x64xf32, #tpu.memory_space<vmem>>, vector<1x64xf32>
      tpu.vector_store %arg11[%swap3A, %swap3A_48], %broadcast_in_dim3A_47 {strides = array<i32>} : memref<1x64xf32, #tpu.memory_space<vmem>>, vector<1x64xf32>,
      %broadcast_in_dim3A_50 = arith.constant 0.000000e+00 : f32
      %broadcast_in_dim3A_51 = vector.broadcast %broadcast_in_dim3A_50 : f32 to vector<64x384xf32>
      %swap3A_52 = arith.constant 0 : index
      %swap3A_53 = arith.constant 0 : index
      %swap3A_54 = vector.load %arg12[%swap3A_52, %swap3A_53] : memref<64x384xf32, #tpu.memory_space<vmem>>, vector<64x384xf32>
      tpu.vector_store %arg12[%swap3A_52, %swap3A_53], %broadcast_in_dim3A_51 {strides = array<i32>} : memref<64x384xf32, #tpu.memory_space<vmem>>, vector<64x384xf32>,
    } else {
    }
    %iota3A = tpu.iota {dimensions = array<i32: 1>} : vector<1x64xi32>
    %iota3A_2 = tpu.iota {dimensions = array<i32: 0>} : vector<1024x1xi32>
    %jit3A = arith.constant 10 : i32
    %eq3A_3 = arith.constant 0 : i32
    %eq3A_4 = arith.cmpi eq, %jit3A, %eq3A_3 : i32
    %jit3A_5 = arith.constant 1 : i32
    %select_n3A = arith.select %eq3A_4, %jit3A_5, %jit3A : i32
    %rem3A = arith.remsi %arg0, %select_n3A : i32
    %ne3A = arith.constant 0 : i32
    %ne3A_6 = arith.cmpi ne, %rem3A, %ne3A : i32
    %lt3A = arith.constant 0 : i32
    %lt3A_7 = arith.cmpi slt, %rem3A, %lt3A : i32
    %lt3A_8 = arith.constant 0 : i32
    %lt3A_9 = arith.cmpi slt, %select_n3A, %lt3A_8 : i32
    %ne3A_10 = arith.xori %lt3A_7, %lt3A_9 : i1
    %and3A = arith.andi %ne3A_10, %ne3A_6 : i1
    %add3A = arith.addi %rem3A, %select_n3A : i32
    %select_n3A_11 = arith.select %and3A, %add3A, %rem3A : i32
    %mul3A = arith.constant 1024 : i32
    %mul3A_12 = arith.muli %select_n3A_11, %mul3A : i32
    %add3A_13 = vector.broadcast %mul3A_12 : i32 to vector<1024x1xi32>
    %add3A_14 = arith.addi %iota3A_2, %add3A_13 : vector<1024x1xi32>
    %get3A = arith.constant 0 : index
    %get3A_15 = arith.constant 0 : index
    %get3A_16 = vector.load %arg3[%get3A, %get3A_15] : memref<1024x1xi32, #tpu.memory_space<vmem>>, vector<1024x1xi32>
    %eq3A_17 = vector.broadcast %get3A_16 : vector<1024x1xi32> to vector<1024x64xi32>
    %eq3A_18 = vector.broadcast %iota3A : vector<1x64xi32> to vector<1024x64xi32>
    %eq3A_19 = arith.cmpi eq, %eq3A_17, %eq3A_18 : vector<1024x64xi32>
    %lt3A_20 = arith.constant 10000 : i32
    %lt3A_21 = vector.broadcast %lt3A_20 : i32 to vector<1024x1xi32>
    %lt3A_22 = arith.cmpi slt, %add3A_14, %lt3A_21 : vector<1024x1xi32>
    %and3A_23 = vector.broadcast %lt3A_22 : vector<1024x1xi1> to vector<1024x64xi1>
    %and3A_24 = arith.andi %eq3A_19, %and3A_23 : vector<1024x64xi1>
    %get3A_25 = arith.constant 0 : index
    %get3A_26 = arith.constant 0 : index
    %get3A_27 = vector.load %arg2[%get3A_25, %get3A_26] : memref<1024x1xf32, #tpu.memory_space<vmem>>, vector<1024x1xf32>
    %jit3A_28 = arith.constant 0xFF800000 : f32
    %broadcast_in_dim3A = vector.shape_cast %get3A_27 : vector<1024x1xf32> to vector<1024x1xf32>
    %broadcast_in_dim3A_29 = vector.broadcast %broadcast_in_dim3A : vector<1024x1xf32> to vector<1024x64xf32>
    %broadcast_in_dim3A_30 = vector.broadcast %jit3A_28 : f32 to vector<1024x64xf32>
    %select_n3A_31 = arith.select %and3A_24, %broadcast_in_dim3A_29, %broadcast_in_dim3A_30 : vector<1024x64xi1>, vector<1024x64xf32>
    %lt3A_32 = arith.constant 10 : i32
    %lt3A_33 = arith.cmpi slt, %arg0, %lt3A_32 : i32
    %convert_element_type3A_34 = arith.extui %lt3A_33 : i1 to i32
    %cond3A_35 = arith.constant 0 : i32
    %cond3A_36 = arith.cmpi ne, %convert_element_type3A_34, %cond3A_35 : i32
    scf.if %cond3A_36 {
      %get3A_46 = arith.constant 0 : index
      %get3A_47 = arith.constant 0 : index
      %get3A_48 = vector.load %arg11[%get3A_46, %get3A_47] : memref<1x64xf32, #tpu.memory_space<vmem>>, vector<1x64xf32>
      %reduce_max3A = arith.constant dense<0xFF800000> : vector<64xf32>
      %reduce_max3A_49 = vector.multi_reduction <maximumf>, %select_n3A_31, %reduce_max3A [0] : vector<1024x64xf32> to vector<64xf32>
      %broadcast_in_dim3A_50 = vector.shape_cast %reduce_max3A_49 : vector<64xf32> to vector<1x64xf32>
      %max3A = arith.maximumf %get3A_48, %broadcast_in_dim3A_50 : vector<1x64xf32>
      %swap3A = arith.constant 0 : index
      %swap3A_51 = arith.constant 0 : index
      %swap3A_52 = vector.load %arg11[%swap3A, %swap3A_51] : memref<1x64xf32, #tpu.memory_space<vmem>>, vector<1x64xf32>
      tpu.vector_store %arg11[%swap3A, %swap3A_51], %max3A {strides = array<i32>} : memref<1x64xf32, #tpu.memory_space<vmem>>, vector<1x64xf32>,
    } else {
    }
    %ge3A = arith.constant 10 : i32
    %ge3A_37 = arith.cmpi sge, %arg0, %ge3A : i32
    %convert_element_type3A_38 = arith.extui %ge3A_37 : i1 to i32
    %cond3A_39 = arith.constant 0 : i32
    %cond3A_40 = arith.cmpi ne, %convert_element_type3A_38, %cond3A_39 : i32
    scf.if %cond3A_40 {
      %get3A_46 = arith.constant 0 : index
      %get3A_47 = arith.constant 0 : index
      %get3A_48 = vector.load %arg11[%get3A_46, %get3A_47] : memref<1x64xf32, #tpu.memory_space<vmem>>, vector<1x64xf32>
      %sub3A = vector.broadcast %get3A_48 : vector<1x64xf32> to vector<1024x64xf32>
      %sub3A_49 = arith.subf %select_n3A_31, %sub3A : vector<1024x64xf32>
      %exp3A = math.exp %sub3A_49 : vector<1024x64xf32>
      %jit3A_50 = arith.constant 0.000000e+00 : f32
      %broadcast_in_dim3A_51 = vector.broadcast %jit3A_50 : f32 to vector<1024x64xf32>
      %select_n3A_52 = arith.select %and3A_24, %exp3A, %broadcast_in_dim3A_51 : vector<1024x64xi1>, vector<1024x64xf32>
      %get3A_53 = arith.constant 0 : index
      %get3A_54 = arith.constant 0 : index
      %get3A_55 = vector.load %arg1[%get3A_53, %get3A_54] : memref<1024x256xf32, #tpu.memory_space<vmem>>, vector<1024x256xf32>
      %broadcast_in_dim3A_56 = arith.constant 1.000000e+00 : f32
      %broadcast_in_dim3A_57 = vector.broadcast %broadcast_in_dim3A_56 : f32 to vector<1024x128xf32>
      %concatenate3A = tpu.concatenate %get3A_55, %broadcast_in_dim3A_57 in 1 : vector<1024x256xf32>, vector<1024x128xf32> -> vector<1024x384xf32>
      %get3A_58 = arith.constant 0 : index
      %get3A_59 = arith.constant 0 : index
      %get3A_60 = vector.load %arg12[%get3A_58, %get3A_59] : memref<64x384xf32, #tpu.memory_space<vmem>>, vector<64x384xf32>
      %dot_general3A = arith.constant dense<0.000000e+00> : vector<64x384xf32>
      %dot_general3A_61 = tpu.matmul %select_n3A_52, %concatenate3A, %dot_general3A {dimension_numbers = #tpu.dot_dimension_numbers<[0], [0], [1], [1], [0, 1, 1, 1], [], []>, transpose_lhs_hint = false} : vector<1024x64xf32>, vector<1024x384xf32>, vector<64x384xf32> -> vector<64x384xf32>
      %add3A_62 = arith.addf %get3A_60, %dot_general3A_61 : vector<64x384xf32>
      %swap3A = arith.constant 0 : index
      %swap3A_63 = arith.constant 0 : index
      %swap3A_64 = vector.load %arg12[%swap3A, %swap3A_63] : memref<64x384xf32, #tpu.memory_space<vmem>>, vector<64x384xf32>
      tpu.vector_store %arg12[%swap3A, %swap3A_63], %add3A_62 {strides = array<i32>} : memref<64x384xf32, #tpu.memory_space<vmem>>, vector<64x384xf32>,
    } else {
    }
    %eq3A_41 = arith.constant 19 : i32
    %eq3A_42 = arith.cmpi eq, %arg0, %eq3A_41 : i32
    %convert_element_type3A_43 = arith.extui %eq3A_42 : i1 to i32
    %cond3A_44 = arith.constant 0 : i32
    %cond3A_45 = arith.cmpi ne, %convert_element_type3A_43, %cond3A_44 : i32
    scf.if %cond3A_45 {
      %get3A_46 = arith.constant 0 : index
      %get3A_47 = arith.constant 256 : index
      %get3A_48 = vector.load %arg12[%get3A_46, %get3A_47] : memref<64x384xf32, #tpu.memory_space<vmem>>, vector<64x1xf32>
      %get3A_49 = arith.constant 0 : index
      %get3A_50 = arith.constant 0 : index
      %get3A_51 = vector.load %arg12[%get3A_49, %get3A_50] : memref<64x384xf32, #tpu.memory_space<vmem>>, vector<64x256xf32>
      %add3A_52 = arith.constant 1.000000e-16 : f32
      %add3A_53 = vector.broadcast %add3A_52 : f32 to vector<64x1xf32>
      %add3A_54 = arith.addf %get3A_48, %add3A_53 : vector<64x1xf32>
      %div3A = vector.broadcast %add3A_54 : vector<64x1xf32> to vector<64x256xf32>
      %div3A_55 = arith.divf %get3A_51, %div3A : vector<64x256xf32>
      %get3A_56 = arith.constant 0 : index
      %get3A_57 = arith.constant 0 : index
      %get3A_58 = vector.load %arg5[%get3A_56, %get3A_57] : memref<256x128xf32, #tpu.memory_space<vmem>>, vector<256x128xf32>
      %dot_general3A = arith.constant dense<0.000000e+00> : vector<64x128xf32>
      %dot_general3A_59 = tpu.matmul %div3A_55, %get3A_58, %dot_general3A {dimension_numbers = #tpu.dot_dimension_numbers<[1], [0], [0], [1], [0, 0, 1, 1], [], []>, transpose_lhs_hint = false} : vector<64x256xf32>, vector<256x128xf32>, vector<64x128xf32> -> vector<64x128xf32>
      %get3A_60 = arith.constant 0 : index
      %get3A_61 = arith.constant 0 : index
      %get3A_62 = vector.load %arg4[%get3A_60, %get3A_61] : memref<64x16xf32, #tpu.memory_space<vmem>>, vector<64x16xf32>
      %get3A_63 = arith.constant 0 : index
      %get3A_64 = arith.constant 0 : index
      %get3A_65 = vector.load %arg6[%get3A_63, %get3A_64] : memref<16x128xf32, #tpu.memory_space<vmem>>, vector<16x128xf32>
      %dot_general3A_66 = arith.constant dense<0.000000e+00> : vector<64x128xf32>
      %dot_general3A_67 = tpu.matmul %get3A_62, %get3A_65, %dot_general3A_66 {dimension_numbers = #tpu.dot_dimension_numbers<[1], [0], [0], [1], [0, 0, 1, 1], [], []>, transpose_lhs_hint = false} : vector<64x16xf32>, vector<16x128xf32>, vector<64x128xf32> -> vector<64x128xf32>
      %add3A_68 = arith.addf %dot_general3A_59, %dot_general3A_67 : vector<64x128xf32>
      %get3A_69 = arith.constant 0 : index
      %get3A_70 = arith.constant 0 : index
      %get3A_71 = vector.load %arg7[%get3A_69, %get3A_70] : memref<1x128xf32, #tpu.memory_space<vmem>>, vector<1x128xf32>
      %add3A_72 = vector.broadcast %get3A_71 : vector<1x128xf32> to vector<64x128xf32>
      %add3A_73 = arith.addf %add3A_68, %add3A_72 : vector<64x128xf32>
      %max3A = arith.constant 0.000000e+00 : f32
      %max3A_74 = vector.broadcast %max3A : f32 to vector<64x128xf32>
      %max3A_75 = arith.maximumf %add3A_73, %max3A_74 : vector<64x128xf32>
      %get3A_76 = arith.constant 0 : index
      %get3A_77 = arith.constant 0 : index
      %get3A_78 = vector.load %arg8[%get3A_76, %get3A_77] : memref<128x2xf32, #tpu.memory_space<vmem>>, vector<128x2xf32>
      %dot_general3A_79 = arith.constant dense<0.000000e+00> : vector<64x2xf32>
      %dot_general3A_80 = tpu.matmul %max3A_75, %get3A_78, %dot_general3A_79 {dimension_numbers = #tpu.dot_dimension_numbers<[1], [0], [0], [1], [0, 0, 1, 1], [], []>, transpose_lhs_hint = false} : vector<64x128xf32>, vector<128x2xf32>, vector<64x2xf32> -> vector<64x2xf32>
      %get3A_81 = arith.constant 0 : index
      %get3A_82 = arith.constant 0 : index
      %get3A_83 = vector.load %arg9[%get3A_81, %get3A_82] : memref<1x2xf32, #tpu.memory_space<vmem>>, vector<1x2xf32>
      %add3A_84 = vector.broadcast %get3A_83 : vector<1x2xf32> to vector<64x2xf32>
      %add3A_85 = arith.addf %dot_general3A_80, %add3A_84 : vector<64x2xf32>
      %swap3A = arith.constant 0 : index
      %swap3A_86 = arith.constant 0 : index
      %swap3A_87 = vector.load %arg10[%swap3A, %swap3A_86] : memref<64x2xf32, #tpu.memory_space<vmem>>, vector<64x2xf32>
      tpu.vector_store %arg10[%swap3A, %swap3A_86], %add3A_85 {strides = array<i32>} : memref<64x2xf32, #tpu.memory_space<vmem>>, vector<64x2xf32>,
    } else {
    }
    return
  }
  func.func @transform_0(%arg0: i32) -> (i32, i32) {
    %jit3A = arith.constant 10 : i32
    %eq3A = arith.constant 0 : i32
    %eq3A_0 = arith.cmpi eq, %jit3A, %eq3A : i32
    %jit3A_1 = arith.constant 1 : i32
    %select_n3A = arith.select %eq3A_0, %jit3A_1, %jit3A : i32
    %rem3A = arith.remsi %arg0, %select_n3A : i32
    %ne3A = arith.constant 0 : i32
    %ne3A_2 = arith.cmpi ne, %rem3A, %ne3A : i32
    %lt3A = arith.constant 0 : i32
    %lt3A_3 = arith.cmpi slt, %rem3A, %lt3A : i32
    %lt3A_4 = arith.constant 0 : i32
    %lt3A_5 = arith.cmpi slt, %select_n3A, %lt3A_4 : i32
    %ne3A_6 = arith.xori %lt3A_3, %lt3A_5 : i1
    %and3A = arith.andi %ne3A_6, %ne3A_2 : i1
    %add3A = arith.addi %rem3A, %select_n3A : i32
    %select_n3A_7 = arith.select %and3A, %add3A, %rem3A : i32
    %c0_i32 = arith.constant 0 : i32
    %c0_i32_8 = arith.constant 0 : i32
    return %select_n3A_7, %c0_i32 : i32, i32
  }
  func.func @transform_1(%arg0: i32) -> (i32, i32) {
    %jit3A = arith.constant 10 : i32
    %eq3A = arith.constant 0 : i32
    %eq3A_0 = arith.cmpi eq, %jit3A, %eq3A : i32
    %jit3A_1 = arith.constant 1 : i32
    %select_n3A = arith.select %eq3A_0, %jit3A_1, %jit3A : i32
    %rem3A = arith.remsi %arg0, %select_n3A : i32
    %ne3A = arith.constant 0 : i32
    %ne3A_2 = arith.cmpi ne, %rem3A, %ne3A : i32
    %lt3A = arith.constant 0 : i32
    %lt3A_3 = arith.cmpi slt, %rem3A, %lt3A : i32
    %lt3A_4 = arith.constant 0 : i32
    %lt3A_5 = arith.cmpi slt, %select_n3A, %lt3A_4 : i32
    %ne3A_6 = arith.xori %lt3A_3, %lt3A_5 : i1
    %and3A = arith.andi %ne3A_6, %ne3A_2 : i1
    %add3A = arith.addi %rem3A, %select_n3A : i32
    %select_n3A_7 = arith.select %and3A, %add3A, %rem3A : i32
    %c0_i32 = arith.constant 0 : i32
    %c0_i32_8 = arith.constant 0 : i32
    return %select_n3A_7, %c0_i32 : i32, i32
  }
  func.func @transform_2(%arg0: i32) -> (i32, i32) {
    %jit3A = arith.constant 10 : i32
    %eq3A = arith.constant 0 : i32
    %eq3A_0 = arith.cmpi eq, %jit3A, %eq3A : i32
    %jit3A_1 = arith.constant 1 : i32
    %select_n3A = arith.select %eq3A_0, %jit3A_1, %jit3A : i32
    %rem3A = arith.remsi %arg0, %select_n3A : i32
    %ne3A = arith.constant 0 : i32
    %ne3A_2 = arith.cmpi ne, %rem3A, %ne3A : i32
    %lt3A = arith.constant 0 : i32
    %lt3A_3 = arith.cmpi slt, %rem3A, %lt3A : i32
    %lt3A_4 = arith.constant 0 : i32
    %lt3A_5 = arith.cmpi slt, %select_n3A, %lt3A_4 : i32
    %ne3A_6 = arith.xori %lt3A_3, %lt3A_5 : i1
    %and3A = arith.andi %ne3A_6, %ne3A_2 : i1
    %add3A = arith.addi %rem3A, %select_n3A : i32
    %select_n3A_7 = arith.select %and3A, %add3A, %rem3A : i32
    %c0_i32 = arith.constant 0 : i32
    %c0_i32_8 = arith.constant 0 : i32
    return %select_n3A_7, %c0_i32 : i32, i32
  }
  func.func @transform_3(%arg0: i32) -> (i32, i32) {
    %c0_i32 = arith.constant 0 : i32
    %c0_i32_0 = arith.constant 0 : i32
    %c0_i32_1 = arith.constant 0 : i32
    return %c0_i32, %c0_i32_0 : i32, i32
  }
  func.func @transform_4(%arg0: i32) -> (i32, i32) {
    %c0_i32 = arith.constant 0 : i32
    %c0_i32_0 = arith.constant 0 : i32
    %c0_i32_1 = arith.constant 0 : i32
    return %c0_i32, %c0_i32_0 : i32, i32
  }
  func.func @transform_5(%arg0: i32) -> (i32, i32) {
    %c0_i32 = arith.constant 0 : i32
    %c0_i32_0 = arith.constant 0 : i32
    %c0_i32_1 = arith.constant 0 : i32
    return %c0_i32, %c0_i32_0 : i32, i32
  }
  func.func @transform_6(%arg0: i32) -> (i32, i32) {
    %c0_i32 = arith.constant 0 : i32
    %c0_i32_0 = arith.constant 0 : i32
    %c0_i32_1 = arith.constant 0 : i32
    return %c0_i32, %c0_i32_0 : i32, i32
  }
  func.func @transform_7(%arg0: i32) -> (i32, i32) {
    %c0_i32 = arith.constant 0 : i32
    %c0_i32_0 = arith.constant 0 : i32
    %c0_i32_1 = arith.constant 0 : i32
    return %c0_i32, %c0_i32_0 : i32, i32
  }
  func.func @transform_8(%arg0: i32) -> (i32, i32) {
    %c0_i32 = arith.constant 0 : i32
    %c0_i32_0 = arith.constant 0 : i32
    %c0_i32_1 = arith.constant 0 : i32
    return %c0_i32, %c0_i32_0 : i32, i32
  }
  func.func @transform_9(%arg0: i32) -> (i32, i32) {
    %c0_i32 = arith.constant 0 : i32
    %c0_i32_0 = arith.constant 0 : i32
    %c0_i32_1 = arith.constant 0 : i32
    return %c0_i32, %c0_i32_0 : i32, i32
  }
}

</mosaic_0001>

<sc_bundles>
// kernel: kernel.10.cloned.1.call-start
scs
__scs_entry_jumppad:
0x0: {  	(pc) =	sbr.rel $0x88, $3  }
0x1: {  	(tag) =	ssettag $0x0;
	lr =	simm.s32 $0x1  }
0x2: {  	[smem:$0x3F89] =	sst lr;
	_ =	strace $0xD0000000  }
0x3: {  	_ = 	snop  }
0x4: {  	_ = 	snop  }
0x5: {  	_ = 	snop  }
0x6: {  	_ = 	snop  }
0x7: {  	_ = 	snop  }
__scs_overlays_trampoline_lowered:
0x8: {  	[smem:$0x3F98] =	sst s0  }
0x9: {  	[smem:$0x3F99] =	sst s1  }
0xa: {  	[smem:$0x3F9A] =	sst s2  }
0xb: {  	[smem:$0x3F9B] =	sst s3  }
0xc: {  	[smem:$0x3F9C] =	sst s4  }
0xd: {  	[smem:$0x3F9D] =	sst s5  }
0xe: {  	[smem:$0x3F9E] =	sst s6  }
0xf: {  	[smem:$0x3F9F] =	sst s7  }
0x10: {  	[smem:$0x3FA0] =	sst s8  }
0x11: {  	[smem:$0x3FA1] =	sst s9;
	s0 =	simm.s32 @!p0 $0x0  }
0x12: {  	s1 =	sld [smem:$0x3F87];
	s0 =	simm.s32 @p0 $0x1  }
0x13: {  	[smem:$0x3FA2] =	sst s0;
	s0 =	simm.s32 @!p1 $0x0  }
0x14: {  	s2 =	sld [smem:$0x3F86];
	s0 =	simm.s32 @p1 $0x1  }
0x15: {  	[smem:$0x3FA3] =	sst s0;
	s0 =	simm.s32 @!p2 $0x0  }
0x16: {  	s3 =	sld [smem:$0x3FDB];
	s0 =	simm.s32 @p2 $0x1  }
0x17: {  	s4 =	simm.s32 $0x1BF5;
	[smem:$0x3FA5] =	sst s0  }
0x18: {  	s0 =	sld [smem:$0x3F88];
	_ =	swait.ge [sflag:s4], $0x0  }
0x19: {  	s7 =	sld [smem:$0x3F89]  }
0x1a: {  	s8 =	sadd.s32 $0xFFFFE003, lr  }
0x1b: {  	s9 =	sadd.s32 $0xFFFFFEF7, lr;
	s5 =	simm.s32 $0xFFFFFFFF;
	p2 =	slt.u32 s8, $0xFFFFF086  }
0x1c: {  	p1 =	slt.u32 s9, $0xF7A;
	s5 =	simm.s32 @!p2 $0x0  }
0x1d: {  	s5 =	simm.s32 @p1 $0x1;
	p0 =	seq.s32 s7, s2  }
0x1e: {  	s7 =	smul.u32 @!p0 $0xF7A, s2;
	p2 =	seq.s32 @!p0 s5, $0x0  }
0x1f: {  	s9 =	smul.u32 $0xF7A, s1;
	s8 =	simm.s32 @!p0 $0x1BF5;
	p2 =	por !p2, p0  }
0x20: {  	[sflag:s8] =	ssyncset.s32 @!p0 $0xFFFFF086;
	s6 =	sadd.s32 @!p0 s3, s7;
	s7 =	simm.s32 @!p0 $0x108  }
0x21: {  	s3 =	sadd.s32 s3, s9;
	s6 =	sadd.s32 @!p0 $0x88, s6;
	s7 =	simm.s32 @p2 $0x1082  }
0x22: {  	[simem:s7], [sflag:s8] =	dma.local @!p0 [hbm:s6], $0xF7A  }
0x23: {  	s9 =	sor.u32 $0xD0000000, s2;
	s6 =	simm.s32 $0x108;
	_ =	swait.ge @!p0 [sflag:s8], $0x0  }
0x24: {  	s3 =	sadd.s32 $0x88, s3;
	s6 =	simm.s32 @!p1 $0x1082;
	[sflag:s4] =	ssyncset.s32 $0xFFFFF086  }
0x25: {  	[simem:s6], [sflag:s4] =	dma.local [hbm:s3], $0xF7A  }
0x26: {  	[smem:$0x3F89] =	sst s1;
	(tag) =	ssettag s2;
	_ =	strace s9  }
0x27: {  	s1 =	sld [smem:$0x3F99]  }
0x28: {  	s2 =	sld [smem:$0x3F9A]  }
0x29: {  	s4 =	sld [smem:$0x3F9C]  }
0x2a: {  	p0 =	seq.s32 s5, $0x0;
	s5 =	sld [smem:$0x3F9D]  }
0x2b: {  	s6 =	sld [smem:$0x3F9E]  }
0x2c: {  	s7 =	sld [smem:$0x3F9F]  }
0x2d: {  	s3 =	simm.s32 $0x108;
	s8 =	sld [smem:$0x3FA0]  }
0x2e: {  	s3 =	simm.s32 @!p0 $0x1082;
	s9 =	sld [smem:$0x3FA1]  }
0x2f: {  	lr =	sadd.s32 s0, s3;
	s0 =	sld [smem:$0x3F98]  }
0x30: {  	s3 =	sld [smem:$0x3F9B]  }
0x31: {  	[smem:$0x3FA4] =	sst s10  }
0x32: {  	s10 =	sld [smem:$0x3FA2];
	_ =	sdelay $0x3  }
0x33: {  	p0 =	seq.s32 s10, $0x1;
	s10 =	sld [smem:$0x3FA4];
	_ =	sdelay $0x3  }
0x34: {  	[smem:$0x3FA4] =	sst s10  }
0x35: {  	s10 =	sld [smem:$0x3FA3];
	_ =	sdelay $0x3  }
0x36: {  	p1 =	seq.s32 s10, $0x1;
	s10 =	sld [smem:$0x3FA4];
	_ =	sdelay $0x3  }
0x37: {  	[smem:$0x3FA4] =	sst s10  }
0x38: {  	s10 =	sld [smem:$0x3FA5]  }
0x39: {  	_ = 	snop;
	(pc) =	sbr.ind lr, $3  }
0x3a: {  	_ = 	snop  }
0x3b: {  	_ = 	snop  }
0x3c: {  	p2 =	seq.s32 s10, $0x1;
	s10 =	sld [smem:$0x3FA4]  }
0x3d: {  	_ =	shalt  }
0x3e: {  	_ =	shalt  }
0x3f: {  	_ =	shalt  }
0x40: {  	_ =	shalt  }
0x41: {  	_ =	shalt  }
0x42: {  	_ =	shalt  }
0x43: {  	_ =	shalt  }
0x44: {  	_ =	shalt  }
0x45: {  	_ =	shalt  }
0x46: {  	_ =	shalt  }
0x47: {  	_ =	shalt  }
0x48: {  	_ =	shalt  }
0x49: {  	_ =	shalt  }
0x4a: {  	_ =	shalt  }
0x4b: {  	_ =	shalt  }
0x4c: {  	_ =	shalt  }
0x4d: {  	_ =	shalt  }
0x4e: {  	_ =	shalt  }
0x4f: {  	_ =	shalt  }
0x50: {  	_ =	shalt  }
0x51: {  	_ =	shalt  }
0x52: {  	_ =	shalt  }
0x53: {  	_ =	shalt  }
0x54: {  	_ =	shalt  }
0x55: {  	_ =	shalt  }
0x56: {  	_ =	shalt  }
0x57: {  	_ =	shalt  }
0x58: {  	_ =	shalt  }
0x59: {  	_ =	shalt  }
0x5a: {  	_ =	shalt  }
0x5b: {  	_ =	shalt  }
0x5c: {  	_ =	shalt  }
0x5d: {  	_ =	shalt  }
0x5e: {  	_ =	shalt  }
0x5f: {  	_ =	shalt  }
0x60: {  	_ =	shalt  }
0x61: {  	_ =	shalt  }
0x62: {  	_ =	shalt  }
0x63: {  	_ =	shalt  }
0x64: {  	_ =	shalt  }
0x65: {  	_ =	shalt  }
0x66: {  	_ =	shalt  }
0x67: {  	_ =	shalt  }
0x68: {  	_ =	shalt  }
0x69: {  	_ =	shalt  }
0x6a: {  	_ =	shalt  }
0x6b: {  	_ =	shalt  }
0x6c: {  	_ =	shalt  }
0x6d: {  	_ =	shalt  }
0x6e: {  	_ =	shalt  }
0x6f: {  	_ =	shalt  }
0x70: {  	_ =	shalt  }
0x71: {  	_ =	shalt  }
0x72: {  	_ =	shalt  }
0x73: {  	_ =	shalt  }
0x74: {  	_ =	shalt  }
0x75: {  	_ =	shalt  }
0x76: {  	_ =	shalt  }
0x77: {  	_ =	shalt  }
0x78: {  	_ =	shalt  }
0x79: {  	_ =	shalt  }
0x7a: {  	_ =	shalt  }
0x7b: {  	_ =	shalt  }
0x7c: {  	_ =	shalt  }
0x7d: {  	_ =	shalt  }
0x7e: {  	_ =	shalt  }
0x7f: {  	_ =	shalt  }
0x80: {  	_ =	shalt  }
0x81: {  	_ =	shalt  }
0x82: {  	_ =	shalt  }
0x83: {  	_ =	shalt  }
0x84: {  	_ =	shalt  }
0x85: {  	_ =	shalt  }
0x86: {  	_ =	shalt  }
0x87: {  	_ =	shalt  }
.Lfunc_end0:
.L_simem_size_0:
called_computation.1_lowered:
.L_overlay_start_0:
0x88: {  	s2 =	sld [smem:$0x3FD9]  }
0x89: {  	s3 =	sld [smem:$0x3FFE];
	_ =	sdelay $0x1  }
0x8a: {  	s1 =	srdreg.scid  }
0x8b: {  	s0 =	sand.u32 $0x1, s1  }
0x8c: {  	s16 =	sshll.u32 s0, $0xA;
	s2 =	sadd.s32 s3, s2  }
0x8d: {  	s2 =	sadd.s32 s2, s16  }
0x8e: {  	[smem:$0x3FB0] =	sst s2  }
0x8f: {  	_ = 	snop  }
0x90: {  	(tm) =	ssettm $0x1  }
0x91: {  	s17 =	sld [smem:$0x3FFB];
	_ =	sdelay $0x3  }
0x92: {  	_ =	strace s17  }
0x93: {  	s2 =	sld [smem:$0x3FFC];
	_ =	sdelay $0x3  }
0x94: {  	_ =	strace s2  }
0x95: {  	s2 =	sld [smem:$0x3FFD];
	_ =	sdelay $0x3  }
0x96: {  	_ =	strace s2  }
0x97: {  	_ =	strace $0x8FFFFFFF  }
0x98: {  	s18 =	sld [smem:$0x3FDB];
	_ =	sdelay $0x1  }
0x99: {  	s19 =	simm.s32 $_scs_section_size  }
0x9a: {  	s4 =	simm.s32 $_size__tile_overlayer_lowered;
	s5 =	simm.s32 $_tile_overlayer_lowered  }
0x9b: {  	s22 =	simm.s32 $0x1BFF;
	s21 =	sshll.u32 s5, $0x1;
	s2 =	sadd.s32 s19, s18  }
0x9c: {  	s6 =	simm.s32 $0x0;
	s20 =	sshll.u32 s4, $0x1;
	s4 =	sadd.s32 s21, s2  }
0x9d: {  	[timem:s6], [sflag:s22] =	dma.local [hbm:s4], s20  }
0x9e: {  	_ =	swait.ge [sflag:s22], s20  }
0x9f: {  	s3 =	ssub.s32 $0x0, s20;
	[sflag:s22] =	ssyncset.done $0x0  }
0xa0: {  	[sflag:s22] =	ssyncadd.s32 s3;
	_ =	sdelay $0x1  }
0xa1: {  	s23 =	simm.s32 $0x1B8B  }
0xa2: {  	_ =	swait.ge [sflag:s23], $0x1  }
0xa3: {  	[sflag:s23] =	ssyncset.done $0x0  }
0xa4: {  	s25 =	simm.s32 $0x1B8E;
	s24 =	sld [smem:$0x3FFE];
	[sflag:s23] =	ssyncadd.s32 $0xFFFFFFFF  }
0xa5: {  	s26 =	simm.s32 $execute0_lowered;
	[smem:$0x3FD2] =	sst s25  }
0xa6: {  	s4 =	sshll.u32 s26, $0x1;
	_ =	strace $0x80000049;
	[dreg:$0x1] =	wrdreg $0xFFFFFFFF  }
0xa7: {  	s28 =	simm.s32 $_size_execute0_lowered;
	s2 =	sadd.s32 s2, s4;
	[dreg:$0x0] =	wrdreg $0x0  }
0xa8: {  	s4 =	sshll.u32 s28, $0x1;
	[dreg:$0x2] =	wrdreg s2  }
0xa9: {  	[dreg:$0x3] =	wrdreg s4  }
0xaa: {  	[dreg:$0x4] =	wrdreg $0xC0  }
0xab: {  	_ =	task [dreg:s6], $0x5FFFF  }
0xac: {  	[dreg:$0x1] =	wrdreg $0xFFFFFFFF  }
0xad: {  	[dreg:$0x0] =	wrdreg $0x60  }
0xae: {  	[dreg:$0x2] =	wrdreg s24  }
0xaf: {  	[dreg:$0x3] =	wrdreg $0x90000  }
0xb0: {  	[dreg:$0x4] =	wrdreg $0x9  }
0xb1: {  	_ =	task.clear_ibuf [dreg:s6], $0x5FFFF;
	_ =	strace $0x90000049  }
0xb2: {  	s29 =	simm.s32 $0x9;
	_ =	strace $0x8000004B  }
0xb3: {  	_ =	swait.ge [sflag:s29], $0x1  }
0xb4: {  	[sflag:s29] =	ssyncadd.s32 $0xFFFFFFFF  }
0xb5: {  	_ =	strace $0x9000004B  }
0xb6: {  	_ =	sfence  }
0xb7: {  	s30 =	sld [smem:$0x0];
	_ =	sdelay $0x2  }
0xb8: {  	s31 =	sshll.u32 s1, $0xD;
	s1 =	sshrl.u32 s1, $0x2  }
0xb9: {  	s3 =	sand.u32 $0x4000, s31;
	s1 =	sadd.s32 s1, s30  }
0xba: {  	s0 =	sor.u32 s3, s0;
	s1 =	sshll.u32 s1, $0x11  }
0xbb: {  	s0 =	sor.u32 s1, s0  }
0xbc: {  	s0 =	sadd.s32 $0x8F2B, s0  }
0xbd: {  	[sflag:s0] =	ssyncadd.remote.s32 $0x1  }
0xbe: {  	_ =	sfence.sel $0xFFFF  }
0xbf: {  	[dreg:$0x0] =	wrdreg $0xFFFFFFFF;
	(pc) =	sbr.abs _section_cstart, $3  }
0xc0: {  	[dreg:$0x1] =	wrdreg $0xFFFFFFFF  }
0xc1: {  	_ =	task.clear_ibuf [dreg:s6], $0x2FFFF;
	_ =	strace $0x9FFFFFFF  }
0xc2: {  	(tm) =	ssettm $0x7FFFFFFF  }
0xc3: {  	_ =	shalt  }
tec
execute0_lowered:
.L_overlay_start_1:
0x0: {  	(tag) =	ssettag $0x1  }
0x1: {  	s5 =	rddreg [dreg:$0x0]  }
0x2: {  	s1 =	rddreg [dreg:$0x1]  }
0x3: {  	s2 =	srdreg.scid;
	s0 =	rddreg [dreg:$0x2];
	s3 =	simm.s32 $0x0  }
0x4: {  	s17 =	simm.s32 $0x3;
	s18 =	simm.s32 $0x800;
	s6 =	sand.u32 $0x1, s2  }
0x5: {  	s19 =	simm.s32 $0x80;
	s2 =	stileid.u32;
	s7 =	smul.u32 $0x140000, s6  }
0x6: {  	s20 =	simm.s32 $0x5000;
	s21 =	simm.s32 $0x1;
	s8 =	smul.u32 $0x14000, s2  }
0x7: {  	s22 =	simm.s32 $0x2;
	[smem:$0x7FF] =	sst s3;
	s30 =	smul.u32 $0x50000, s2  }
0x8: {  	s4 =	sadd.s32 $0xB8400, s5;
	s15 =	sadd.s32 $0x90400, s5;
	s10 =	smul.u32 $0x50000, s6  }
0x9: {  	s14 =	sadd.s32 $0xA4400, s5;
	s9 =	ssub.s32 $0x2, s6;
	s11 =	smul.u32 $0x5000, s2  }
0xa: {  	_ =	strace $0x8000004A;
	s31 =	sshrl.u32 s9, $0x1;
	s7 =	sadd.s32 s8, s7  }
0xb: {  	s8 =	sshrl.u32 s30, $0x2;
	s13 =	ssub.s32 s9, s31;
	s16 =	sadd.s32 s11, s10  }
0xc: {  	s7 =	sshrl.u32 s7, $0x3;
	s11 =	sshrl.u32 s16, $0x3;
	s16 =	sor.u32 $0x400, s16  }
.Ltmp0:
0xd: {  	s13 =	smax.u32 s13, $0x1;
	s12 =	sadd.s32 s7, s5;
	(pc) =	sbr.rel .LBB2_1-.Ltmp0, $4  }
0xe: {  	s5 =	sadd.s32 s8, s1;
	s10 =	sadd.s32 s15, s11;
	s11 =	sadd.s32 s14, s11  }
0xf: {  	s16 =	sshrl.u32 s16, $0x3;
	s6 =	sadd.s32 $0x4000, s5;
	s7 =	sadd.s32 $0x8000, s5  }
0x10: {  	s8 =	sadd.s32 $0xC000, s5;
	s9 =	sadd.s32 $0x10000, s5;
	s12 =	sadd.s32 $0x108400, s12  }
0x11: {  	v0 =	vimm.f32 $0.0e+00;
	s14 =	sadd.s32 s16, s14;
	s15 =	sadd.s32 s16, s15;
	s16 =	simm.s32 $0x1000  }
.LBB2_5:
0x12: {  	_ =	swait.ge [sflag:s21], $0x4000  }
0x13: {  	[sflag:s21] =	ssyncset.done $0x0  }
0x14: {  	s23 =	sor.u32 $0x800, s28;
	[sflag:s21] =	ssyncadd.s32 $0xFFFFC000  }
0x15: {  	[spmem:s1] =	stream.indirect.scatter.add.f32 [tilespmem:s20], [sflag:$0x3], $0x80, s23, s19, $0xb8;
	[tilespmem:$0x1D000] =	vst v63  }
0x16: {  	_ =	swait.ge [sflag:s17], $0x4000  }
0x17: {  	[sflag:s17] =	ssyncset.done $0x0  }
0x18: {  	[sflag:s17] =	ssyncadd.s32 $0xFFFFC000  }
.LBB2_7:
0x19: {  	s3 =	sadd.s32 $0x1, s3  }
0x1a: {  	s23 =	sshll.u32 s2, $0x6;
	[bflag:$0x0] =	sbarrier.arrive $0xFFFF;
	p0 =	sne.s32 s3, s13  }
.Ltmp1:
0x1b: {  	s24 =	sshrl.u32 s5, $0x3;
	s23 =	sor.u32 $0x1C03, s23;
	(pc) =	sbr.rel @!p0 .LBB2_8-.Ltmp1, $4  }
0x1c: {  	[hbm:s12], [sflag:s23] =	dma.local [spmem:s24], $0x2800  }
0x1d: {  	_ =	swait.ge [sflag:s17], $0x2800  }
0x1e: {  	[sflag:s17] =	ssyncset.done $0x0  }
0x1f: {  	[sflag:s17] =	ssyncadd.s32 $0xFFFFD800  }
.LBB2_1:
0x20: {  	s23 =	simm.s32 $0x0;
	s24 =	simm.s32 $0x200  }
.LBB2_2:
0x21: {  	p0 =	sne.s32 s24, $0xFE00;
	[tilespmem:s23+$0x1070] =	vst v0  }
0x22: {  	[tilespmem:s23+$0x1000] =	vst v0  }
0x23: {  	[tilespmem:s23+$0x1010] =	vst v0  }
.Ltmp2:
0x24: {  	[tilespmem:s23+$0x1020] =	vst v0;
	(pc) =	sbr.rel @p0 .LBB2_2-.Ltmp2, $4  }
0x25: {  	[tilespmem:s23+$0x1030] =	vst v0  }
0x26: {  	[tilespmem:s23+$0x1040] =	vst v0  }
0x27: {  	[tilespmem:s23+$0x1050] =	vst v0  }
0x28: {  	[tilespmem:s23+$0x1060] =	vst v0;
	s23 =	sshra.s32 s24, $0x2;
	s24 =	sadd.s32 $0x200, s24  }
0x29: {  	[tilespmem:s23+$0x1070] =	vst v0  }
0x2a: {  	[tilespmem:s23+$0x1000] =	vst v0  }
0x2b: {  	[tilespmem:s23+$0x1010] =	vst v0  }
0x2c: {  	[tilespmem:s23+$0x1020] =	vst v0  }
0x2d: {  	[tilespmem:s23+$0x1030] =	vst v0  }
0x2e: {  	[tilespmem:s23+$0x1040] =	vst v0  }
0x2f: {  	[tilespmem:s23+$0x1050] =	vst v0  }
0x30: {  	[tilespmem:s23+$0x1060] =	vst v0  }
0x31: {  	[spmem:s5] =	stream.linear.scatter [tilespmem:s16], [sflag:$0x3], $0x4000, $0x38;
	[tilespmem:$0x1D000] =	vst v63  }
0x32: {  	_ =	swait.ge [sflag:s17], $0x4000  }
0x33: {  	[sflag:s17] =	ssyncset.done $0x0  }
0x34: {  	[sflag:s17] =	ssyncadd.s32 $0xFFFFC000  }
0x35: {  	[spmem:s6] =	stream.linear.scatter [tilespmem:s16], [sflag:$0x3], $0x4000, $0x38;
	[tilespmem:$0x1D000] =	vst v63  }
0x36: {  	_ =	swait.ge [sflag:s17], $0x4000  }
0x37: {  	[sflag:s17] =	ssyncset.done $0x0  }
0x38: {  	[sflag:s17] =	ssyncadd.s32 $0xFFFFC000  }
0x39: {  	[spmem:s7] =	stream.linear.scatter [tilespmem:s16], [sflag:$0x3], $0x4000, $0x38;
	[tilespmem:$0x1D000] =	vst v63  }
0x3a: {  	_ =	swait.ge [sflag:s17], $0x4000  }
0x3b: {  	[sflag:s17] =	ssyncset.done $0x0  }
0x3c: {  	[sflag:s17] =	ssyncadd.s32 $0xFFFFC000  }
0x3d: {  	[spmem:s8] =	stream.linear.scatter [tilespmem:s16], [sflag:$0x3], $0x4000, $0x38;
	[tilespmem:$0x1D000] =	vst v63  }
0x3e: {  	_ =	swait.ge [sflag:s17], $0x4000  }
0x3f: {  	[sflag:s17] =	ssyncset.done $0x0  }
0x40: {  	[sflag:s17] =	ssyncadd.s32 $0xFFFFC000  }
0x41: {  	[spmem:s9] =	stream.linear.scatter [tilespmem:s16], [sflag:$0x3], $0x4000, $0x38;
	[tilespmem:$0x1D000] =	vst v63  }
0x42: {  	_ =	swait.ge [sflag:s17], $0x4000  }
0x43: {  	[sflag:s17] =	ssyncset.done $0x0  }
0x44: {  	[sflag:s17] =	ssyncadd.s32 $0xFFFFC000  }
0x45: {  	s23 =	simm.s32 $0x0;
	[bflag:$0x0] =	sbarrier.arrive $0xFFFF  }
0x46: {  	[tilespmem:s23], [sflag:$0x3] =	stream.linear.gather [hbm4b:s10+s23], $0x400, $0x38;
	[tilespmem:$0x1D000] =	vst v63  }
0x47: {  	_ =	swait.ge [sflag:s17], $0x400  }
0x48: {  	[sflag:s17] =	ssyncset.done $0x0  }
0x49: {  	[sflag:s17] =	ssyncadd.s32 $0xFFFFFC00  }
0x4a: {  	[tilespmem:s18], [sflag:$0x3] =	stream.linear.gather [hbm4b:s11+s23], $0x400, $0x38;
	[tilespmem:$0x1D000] =	vst v63  }
0x4b: {  	_ =	swait.ge [sflag:s17], $0x400  }
0x4c: {  	[sflag:s17] =	ssyncset.done $0x0  }
0x4d: {  	[sflag:s17] =	ssyncadd.s32 $0xFFFFFC00  }
0x4e: {  	[tilespmem:s16], [sflag:$0x1] =	stream.indirect.gather [hbm4b:s4+s19], $0x80, s23, s19, $0xb8;
	[tilespmem:$0x1D000] =	vst v63  }
0x4f: {  	s24 =	smov.u32 s15;
	s25 =	smov.u32 s14  }
0x50: {  	[tilespmem:s20], [sflag:$0x1] =	stream.indirect.gather [hbm4b:s4+s19], $0x80, s19, s19, $0xb8;
	[tilespmem:$0x1D000] =	vst v63  }
.LBB2_4:
0x51: {  	s28 =	sand.u32 $0x1, s23  }
0x52: {  	p0 =	seq.s32 s23, $0x13;
	s26 =	sxor.u32 $0x1, s28  }
0x53: {  	s30 =	simm.s32 @!p0 $0x0;
	s29 =	sshll.u32 @!p0 s26, $0xA  }
0x54: {  	[tilespmem:s29], [sflag:$0x2] =	stream.linear.gather @!p0 [hbm4b:s24+s30], $0x400, $0x38;
	[tilespmem:$0x1D000] =	vst v63  }
0x55: {  	s29 =	sor.u32 @!p0 $0x800, s29  }
0x56: {  	[tilespmem:s29], [sflag:$0x2] =	stream.linear.gather @!p0 [hbm4b:s25+s30], $0x400, $0x38;
	[tilespmem:$0x1D000] =	vst v63  }
0x57: {  	_ =	swait.ge [sflag:s21], $0x4000  }
0x58: {  	s31 =	sshll.u32 s28, $0xA;
	[sflag:s21] =	ssyncset.done $0x0  }
0x59: {  	s28 =	sor.u32 $0x800, s31;
	[sflag:s21] =	ssyncadd.s32 $0xFFFFC000  }
0x5a: {  	[spmem:s1] =	stream.indirect.scatter.add.f32 [tilespmem:s16], [sflag:$0x3], $0x80, s28, s19, $0xb8;
	[tilespmem:$0x1D000] =	vst v63  }
0x5b: {  	_ =	swait.ge [sflag:s17], $0x4000  }
0x5c: {  	[sflag:s17] =	ssyncset.done $0x0  }
0x5d: {  	s28 =	sor.u32 $0x100, s31;
	[sflag:s17] =	ssyncadd.s32 $0xFFFFC000  }
0x5e: {  	[tilespmem:s16], [sflag:$0x1] =	stream.indirect.gather [hbm4b:s4+s19], $0x80, s28, s19, $0xb8;
	[tilespmem:$0x1D000] =	vst v63  }
0x5f: {  	_ =	swait.ge [sflag:s21], $0x4000  }
0x60: {  	[sflag:s21] =	ssyncset.done $0x0  }
0x61: {  	s28 =	sor.u32 $0x880, s31;
	[sflag:s21] =	ssyncadd.s32 $0xFFFFC000  }
0x62: {  	[spmem:s1] =	stream.indirect.scatter.add.f32 [tilespmem:s20], [sflag:$0x3], $0x80, s28, s19, $0xb8;
	[tilespmem:$0x1D000] =	vst v63  }
0x63: {  	_ =	swait.ge [sflag:s17], $0x4000  }
0x64: {  	[sflag:s17] =	ssyncset.done $0x0  }
0x65: {  	s28 =	sor.u32 $0x180, s31;
	[sflag:s17] =	ssyncadd.s32 $0xFFFFC000  }
0x66: {  	[tilespmem:s20], [sflag:$0x1] =	stream.indirect.gather [hbm4b:s4+s19], $0x80, s28, s19, $0xb8;
	[tilespmem:$0x1D000] =	vst v63  }
0x67: {  	_ =	swait.ge [sflag:s21], $0x4000  }
0x68: {  	[sflag:s21] =	ssyncset.done $0x0  }
0x69: {  	s28 =	sor.u32 $0x900, s31;
	[sflag:s21] =	ssyncadd.s32 $0xFFFFC000  }
0x6a: {  	[spmem:s1] =	stream.indirect.scatter.add.f32 [tilespmem:s16], [sflag:$0x3], $0x80, s28, s19, $0xb8;
	[tilespmem:$0x1D000] =	vst v63  }
0x6b: {  	_ =	swait.ge [sflag:s17], $0x4000  }
0x6c: {  	[sflag:s17] =	ssyncset.done $0x0  }
0x6d: {  	s28 =	sor.u32 $0x200, s31;
	[sflag:s17] =	ssyncadd.s32 $0xFFFFC000  }
0x6e: {  	[tilespmem:s16], [sflag:$0x1] =	stream.indirect.gather [hbm4b:s4+s19], $0x80, s28, s19, $0xb8;
	[tilespmem:$0x1D000] =	vst v63  }
0x6f: {  	_ =	swait.ge [sflag:s21], $0x4000  }
0x70: {  	[sflag:s21] =	ssyncset.done $0x0  }
0x71: {  	s28 =	sor.u32 $0x980, s31;
	[sflag:s21] =	ssyncadd.s32 $0xFFFFC000  }
0x72: {  	[spmem:s1] =	stream.indirect.scatter.add.f32 [tilespmem:s20], [sflag:$0x3], $0x80, s28, s19, $0xb8;
	[tilespmem:$0x1D000] =	vst v63  }
0x73: {  	_ =	swait.ge [sflag:s17], $0x4000  }
0x74: {  	[sflag:s17] =	ssyncset.done $0x0  }
0x75: {  	s28 =	sor.u32 $0x280, s31;
	[sflag:s17] =	ssyncadd.s32 $0xFFFFC000  }
0x76: {  	[tilespmem:s20], [sflag:$0x1] =	stream.indirect.gather [hbm4b:s4+s19], $0x80, s28, s19, $0xb8;
	[tilespmem:$0x1D000] =	vst v63  }
0x77: {  	_ =	swait.ge [sflag:s21], $0x4000  }
0x78: {  	[sflag:s21] =	ssyncset.done $0x0  }
0x79: {  	s28 =	sor.u32 $0xA00, s31;
	[sflag:s21] =	ssyncadd.s32 $0xFFFFC000  }
0x7a: {  	[spmem:s1] =	stream.indirect.scatter.add.f32 [tilespmem:s16], [sflag:$0x3], $0x80, s28, s19, $0xb8;
	[tilespmem:$0x1D000] =	vst v63  }
0x7b: {  	_ =	swait.ge [sflag:s17], $0x4000  }
0x7c: {  	[sflag:s17] =	ssyncset.done $0x0  }
0x7d: {  	s28 =	sor.u32 $0x300, s31;
	[sflag:s17] =	ssyncadd.s32 $0xFFFFC000  }
0x7e: {  	[tilespmem:s16], [sflag:$0x1] =	stream.indirect.gather [hbm4b:s4+s19], $0x80, s28, s19, $0xb8;
	[tilespmem:$0x1D000] =	vst v63  }
0x7f: {  	_ =	swait.ge [sflag:s21], $0x4000  }
0x80: {  	[sflag:s21] =	ssyncset.done $0x0  }
0x81: {  	s28 =	sor.u32 $0xA80, s31;
	[sflag:s21] =	ssyncadd.s32 $0xFFFFC000  }
0x82: {  	[spmem:s1] =	stream.indirect.scatter.add.f32 [tilespmem:s20], [sflag:$0x3], $0x80, s28, s19, $0xb8;
	[tilespmem:$0x1D000] =	vst v63  }
0x83: {  	_ =	swait.ge [sflag:s17], $0x4000  }
0x84: {  	[sflag:s17] =	ssyncset.done $0x0  }
0x85: {  	s28 =	sor.u32 $0x380, s31;
	[sflag:s17] =	ssyncadd.s32 $0xFFFFC000  }
0x86: {  	[tilespmem:s20], [sflag:$0x1] =	stream.indirect.gather [hbm4b:s4+s19], $0x80, s28, s19, $0xb8;
	[tilespmem:$0x1D000] =	vst v63  }
0x87: {  	_ =	swait.ge [sflag:s21], $0x4000  }
0x88: {  	p0 =	sne.s32 s23, $0x13;
	[sflag:s21] =	ssyncset.done $0x0  }
.Ltmp3:
0x89: {  	s29 =	sor.u32 $0xB00, s31;
	[sflag:s21] =	ssyncadd.s32 $0xFFFFC000;
	(pc) =	sbr.rel @!p0 .LBB2_5-.Ltmp3, $4  }
0x8a: {  	[spmem:s1] =	stream.indirect.scatter.add.f32 [tilespmem:s16], [sflag:$0x3], $0x80, s29, s19, $0xb8;
	[tilespmem:$0x1D000] =	vst v63  }
0x8b: {  	_ =	swait.ge [sflag:s17], $0x4000  }
0x8c: {  	[sflag:s17] =	ssyncset.done $0x0  }
0x8d: {  	[sflag:s17] =	ssyncadd.s32 $0xFFFFC000  }
0x8e: {  	_ =	swait.ge [sflag:s22], $0x400  }
0x8f: {  	[sflag:s22] =	ssyncset.done $0x0  }
0x90: {  	[sflag:s22] =	ssyncadd.s32 $0xFFFFFC00  }
0x91: {  	_ =	swait.ge [sflag:s22], $0x400  }
0x92: {  	[sflag:s22] =	ssyncset.done $0x0  }
0x93: {  	s26 =	sshll.u32 s26, $0xA;
	[sflag:s22] =	ssyncadd.s32 $0xFFFFFC00  }
0x94: {  	[tilespmem:s16], [sflag:$0x1] =	stream.indirect.gather [hbm4b:s4+s19], $0x80, s26, s19, $0xb8;
	[tilespmem:$0x1D000] =	vst v63  }
0x95: {  	_ =	swait.ge [sflag:s21], $0x4000  }
0x96: {  	s23 =	sadd.s32 $0x1, s23;
	[sflag:s21] =	ssyncset.done $0x0  }
0x97: {  	s28 =	sor.u32 $0x800, s28;
	p0 =	sne.s32 s23, $0x14;
	[sflag:s21] =	ssyncadd.s32 $0xFFFFC000  }
0x98: {  	[spmem:s1] =	stream.indirect.scatter.add.f32 [tilespmem:s20], [sflag:$0x3], $0x80, s28, s19, $0xb8;
	[tilespmem:$0x1D000] =	vst v63  }
.Ltmp4:
0x99: {  	_ = 	snop;
	(pc) =	sbr.rel @p0 .LBB2_4-.Ltmp4, $4  }
.Ltmp5:
0x9a: {  	_ =	swait.ge [sflag:s17], $0x4000;
	(pc) =	sbr.rel @!p0 .LBB2_7-.Ltmp5, $4  }
0x9b: {  	s25 =	sadd.s32 $0x80, s25;
	[sflag:s17] =	ssyncset.done $0x0  }
0x9c: {  	s24 =	sadd.s32 $0x80, s24;
	s26 =	sor.u32 $0x80, s26;
	[sflag:s17] =	ssyncadd.s32 $0xFFFFC000  }
0x9d: {  	[tilespmem:s20], [sflag:$0x1] =	stream.indirect.gather [hbm4b:s4+s19], $0x80, s26, s19, $0xb8;
	[tilespmem:$0x1D000] =	vst v63  }
0x9e: {  	_ = 	snop  }
.LBB2_8:
0x9f: {  	_ =	sfence.sel $0x180000  }
0xa0: {  	[bflag:$0x0] =	sbarrier.arrive $0xFFFF  }
0xa1: {  	p0 =	sne.s32 s2, $0x0;
	_ =	strace $0x9000004A  }
0xa2: {  	s0 =	sadd.s32 @!p0 $0x100000, s0;
	[bflag:$0x2] =	sbarrier.arrive $0xFFFF  }
0xa3: {  	[sflag:s0] =	ssyncadd.tile.s32 @!p0 $0x1;
	_ =	shalt  }
.Lfunc_end2:
_tile_overlayer_lowered:
.L_overlay_start_2:
0xa4: {  	(tag) =	ssettag $0x2  }
0xa5: {  	s0 =	rddreg [dreg:$0x0];
	s2 =	stileid.u32  }
0xa6: {  	s1 =	rddreg [dreg:$0x1];
	p0 =	sne.s32 s2, $0x0  }
0xa7: {  	s3 =	rddreg [dreg:$0x2];
	[bflag:$0x3] =	sbarrier.arrive $0xFFFF;
	s2 =	simm.s32 @!p0 $0x1C03  }
0xa8: {  	[timem:s3], [sflag:s2] =	dma.local @!p0 [hbm:s0], s1  }
0xa9: {  	s0 =	simm.s32 @!p0 $0x3  }
0xaa: {  	_ =	swait.ge @!p0 [sflag:s0], s1  }
0xab: {  	s1 =	ssub.s32 @!p0 $0x0, s1;
	[sflag:s0] =	ssyncset.done @!p0 $0x0  }
0xac: {  	[sflag:s0] =	ssyncadd.s32 @!p0 s1  }
0xad: {  	[bflag:$0x3] =	sbarrier.arrive $0xFFFF  }
0xae: {  	_ =	shalt  }

// kernel: kernel.7.cloned.1.call-start
scs
__scs_entry_jumppad:
0x0: {  	(pc) =	sbr.rel $0x88, $3  }
0x1: {  	(tag) =	ssettag $0x0;
	lr =	simm.s32 $0x1  }
0x2: {  	[smem:$0x3F89] =	sst lr;
	_ =	strace $0xD0000000  }
0x3: {  	_ = 	snop  }
0x4: {  	_ = 	snop  }
0x5: {  	_ = 	snop  }
0x6: {  	_ = 	snop  }
0x7: {  	_ = 	snop  }
__scs_overlays_trampoline_lowered:
0x8: {  	[smem:$0x3F98] =	sst s0  }
0x9: {  	[smem:$0x3F99] =	sst s1  }
0xa: {  	[smem:$0x3F9A] =	sst s2  }
0xb: {  	[smem:$0x3F9B] =	sst s3  }
0xc: {  	[smem:$0x3F9C] =	sst s4  }
0xd: {  	[smem:$0x3F9D] =	sst s5  }
0xe: {  	[smem:$0x3F9E] =	sst s6  }
0xf: {  	[smem:$0x3F9F] =	sst s7  }
0x10: {  	[smem:$0x3FA0] =	sst s8  }
0x11: {  	[smem:$0x3FA1] =	sst s9;
	s0 =	simm.s32 @!p0 $0x0  }
0x12: {  	s1 =	sld [smem:$0x3F87];
	s0 =	simm.s32 @p0 $0x1  }
0x13: {  	[smem:$0x3FA2] =	sst s0;
	s0 =	simm.s32 @!p1 $0x0  }
0x14: {  	s2 =	sld [smem:$0x3F86];
	s0 =	simm.s32 @p1 $0x1  }
0x15: {  	[smem:$0x3FA3] =	sst s0;
	s0 =	simm.s32 @!p2 $0x0  }
0x16: {  	s3 =	sld [smem:$0x3FDB];
	s0 =	simm.s32 @p2 $0x1  }
0x17: {  	s4 =	simm.s32 $0x1BF5;
	[smem:$0x3FA5] =	sst s0  }
0x18: {  	s0 =	sld [smem:$0x3F88];
	_ =	swait.ge [sflag:s4], $0x0  }
0x19: {  	s7 =	sld [smem:$0x3F89]  }
0x1a: {  	s8 =	sadd.s32 $0xFFFFE003, lr  }
0x1b: {  	s9 =	sadd.s32 $0xFFFFFEF7, lr;
	s5 =	simm.s32 $0xFFFFFFFF;
	p2 =	slt.u32 s8, $0xFFFFF086  }
0x1c: {  	p1 =	slt.u32 s9, $0xF7A;
	s5 =	simm.s32 @!p2 $0x0  }
0x1d: {  	s5 =	simm.s32 @p1 $0x1;
	p0 =	seq.s32 s7, s2  }
0x1e: {  	s7 =	smul.u32 @!p0 $0xF7A, s2;
	p2 =	seq.s32 @!p0 s5, $0x0  }
0x1f: {  	s9 =	smul.u32 $0xF7A, s1;
	s8 =	simm.s32 @!p0 $0x1BF5;
	p2 =	por !p2, p0  }
0x20: {  	[sflag:s8] =	ssyncset.s32 @!p0 $0xFFFFF086;
	s6 =	sadd.s32 @!p0 s3, s7;
	s7 =	simm.s32 @!p0 $0x108  }
0x21: {  	s3 =	sadd.s32 s3, s9;
	s6 =	sadd.s32 @!p0 $0x88, s6;
	s7 =	simm.s32 @p2 $0x1082  }
0x22: {  	[simem:s7], [sflag:s8] =	dma.local @!p0 [hbm:s6], $0xF7A  }
0x23: {  	s9 =	sor.u32 $0xD0000000, s2;
	s6 =	simm.s32 $0x108;
	_ =	swait.ge @!p0 [sflag:s8], $0x0  }
0x24: {  	s3 =	sadd.s32 $0x88, s3;
	s6 =	simm.s32 @!p1 $0x1082;
	[sflag:s4] =	ssyncset.s32 $0xFFFFF086  }
0x25: {  	[simem:s6], [sflag:s4] =	dma.local [hbm:s3], $0xF7A  }
0x26: {  	[smem:$0x3F89] =	sst s1;
	(tag) =	ssettag s2;
	_ =	strace s9  }
0x27: {  	s1 =	sld [smem:$0x3F99]  }
0x28: {  	s2 =	sld [smem:$0x3F9A]  }
0x29: {  	s4 =	sld [smem:$0x3F9C]  }
0x2a: {  	p0 =	seq.s32 s5, $0x0;
	s5 =	sld [smem:$0x3F9D]  }
0x2b: {  	s6 =	sld [smem:$0x3F9E]  }
0x2c: {  	s7 =	sld [smem:$0x3F9F]  }
0x2d: {  	s3 =	simm.s32 $0x108;
	s8 =	sld [smem:$0x3FA0]  }
0x2e: {  	s3 =	simm.s32 @!p0 $0x1082;
	s9 =	sld [smem:$0x3FA1]  }
0x2f: {  	lr =	sadd.s32 s0, s3;
	s0 =	sld [smem:$0x3F98]  }
0x30: {  	s3 =	sld [smem:$0x3F9B]  }
0x31: {  	[smem:$0x3FA4] =	sst s10  }
0x32: {  	s10 =	sld [smem:$0x3FA2];
	_ =	sdelay $0x3  }
0x33: {  	p0 =	seq.s32 s10, $0x1;
	s10 =	sld [smem:$0x3FA4];
	_ =	sdelay $0x3  }
0x34: {  	[smem:$0x3FA4] =	sst s10  }
0x35: {  	s10 =	sld [smem:$0x3FA3];
	_ =	sdelay $0x3  }
0x36: {  	p1 =	seq.s32 s10, $0x1;
	s10 =	sld [smem:$0x3FA4];
	_ =	sdelay $0x3  }
0x37: {  	[smem:$0x3FA4] =	sst s10  }
0x38: {  	s10 =	sld [smem:$0x3FA5]  }
0x39: {  	_ = 	snop;
	(pc) =	sbr.ind lr, $3  }
0x3a: {  	_ = 	snop  }
0x3b: {  	_ = 	snop  }
0x3c: {  	p2 =	seq.s32 s10, $0x1;
	s10 =	sld [smem:$0x3FA4]  }
0x3d: {  	_ =	shalt  }
0x3e: {  	_ =	shalt  }
0x3f: {  	_ =	shalt  }
0x40: {  	_ =	shalt  }
0x41: {  	_ =	shalt  }
0x42: {  	_ =	shalt  }
0x43: {  	_ =	shalt  }
0x44: {  	_ =	shalt  }
0x45: {  	_ =	shalt  }
0x46: {  	_ =	shalt  }
0x47: {  	_ =	shalt  }
0x48: {  	_ =	shalt  }
0x49: {  	_ =	shalt  }
0x4a: {  	_ =	shalt  }
0x4b: {  	_ =	shalt  }
0x4c: {  	_ =	shalt  }
0x4d: {  	_ =	shalt  }
0x4e: {  	_ =	shalt  }
0x4f: {  	_ =	shalt  }
0x50: {  	_ =	shalt  }
0x51: {  	_ =	shalt  }
0x52: {  	_ =	shalt  }
0x53: {  	_ =	shalt  }
0x54: {  	_ =	shalt  }
0x55: {  	_ =	shalt  }
0x56: {  	_ =	shalt  }
0x57: {  	_ =	shalt  }
0x58: {  	_ =	shalt  }
0x59: {  	_ =	shalt  }
0x5a: {  	_ =	shalt  }
0x5b: {  	_ =	shalt  }
0x5c: {  	_ =	shalt  }
0x5d: {  	_ =	shalt  }
0x5e: {  	_ =	shalt  }
0x5f: {  	_ =	shalt  }
0x60: {  	_ =	shalt  }
0x61: {  	_ =	shalt  }
0x62: {  	_ =	shalt  }
0x63: {  	_ =	shalt  }
0x64: {  	_ =	shalt  }
0x65: {  	_ =	shalt  }
0x66: {  	_ =	shalt  }
0x67: {  	_ =	shalt  }
0x68: {  	_ =	shalt  }
0x69: {  	_ =	shalt  }
0x6a: {  	_ =	shalt  }
0x6b: {  	_ =	shalt  }
0x6c: {  	_ =	shalt  }
0x6d: {  	_ =	shalt  }
0x6e: {  	_ =	shalt  }
0x6f: {  	_ =	shalt  }
0x70: {  	_ =	shalt  }
0x71: {  	_ =	shalt  }
0x72: {  	_ =	shalt  }
0x73: {  	_ =	shalt  }
0x74: {  	_ =	shalt  }
0x75: {  	_ =	shalt  }
0x76: {  	_ =	shalt  }
0x77: {  	_ =	shalt  }
0x78: {  	_ =	shalt  }
0x79: {  	_ =	shalt  }
0x7a: {  	_ =	shalt  }
0x7b: {  	_ =	shalt  }
0x7c: {  	_ =	shalt  }
0x7d: {  	_ =	shalt  }
0x7e: {  	_ =	shalt  }
0x7f: {  	_ =	shalt  }
0x80: {  	_ =	shalt  }
0x81: {  	_ =	shalt  }
0x82: {  	_ =	shalt  }
0x83: {  	_ =	shalt  }
0x84: {  	_ =	shalt  }
0x85: {  	_ =	shalt  }
0x86: {  	_ =	shalt  }
0x87: {  	_ =	shalt  }
.Lfunc_end0:
.L_simem_size_0:
called_computation_lowered:
.L_overlay_start_0:
0x88: {  	s2 =	sld [smem:$0x3FD9]  }
0x89: {  	s3 =	sld [smem:$0x3FFE];
	_ =	sdelay $0x1  }
0x8a: {  	s1 =	srdreg.scid  }
0x8b: {  	s0 =	sand.u32 $0x1, s1  }
0x8c: {  	s16 =	sshll.u32 s0, $0xA;
	s2 =	sadd.s32 s3, s2  }
0x8d: {  	s2 =	sadd.s32 s2, s16  }
0x8e: {  	[smem:$0x3FB0] =	sst s2  }
0x8f: {  	_ = 	snop  }
0x90: {  	(tm) =	ssettm $0x1  }
0x91: {  	s17 =	sld [smem:$0x3FFB];
	_ =	sdelay $0x3  }
0x92: {  	_ =	strace s17  }
0x93: {  	s2 =	sld [smem:$0x3FFC];
	_ =	sdelay $0x3  }
0x94: {  	_ =	strace s2  }
0x95: {  	s2 =	sld [smem:$0x3FFD];
	_ =	sdelay $0x3  }
0x96: {  	_ =	strace s2  }
0x97: {  	_ =	strace $0x8FFFFFFF  }
0x98: {  	s18 =	sld [smem:$0x3FDB];
	_ =	sdelay $0x1  }
0x99: {  	s19 =	simm.s32 $_scs_section_size  }
0x9a: {  	s4 =	simm.s32 $_size__tile_overlayer_lowered;
	s5 =	simm.s32 $_tile_overlayer_lowered  }
0x9b: {  	s22 =	simm.s32 $0x1BFF;
	s21 =	sshll.u32 s5, $0x1;
	s2 =	sadd.s32 s19, s18  }
0x9c: {  	s6 =	simm.s32 $0x0;
	s20 =	sshll.u32 s4, $0x1;
	s4 =	sadd.s32 s21, s2  }
0x9d: {  	[timem:s6], [sflag:s22] =	dma.local [hbm:s4], s20  }
0x9e: {  	_ =	swait.ge [sflag:s22], s20  }
0x9f: {  	s3 =	ssub.s32 $0x0, s20;
	[sflag:s22] =	ssyncset.done $0x0  }
0xa0: {  	[sflag:s22] =	ssyncadd.s32 s3;
	_ =	sdelay $0x1  }
0xa1: {  	s23 =	simm.s32 $0x1B8B  }
0xa2: {  	_ =	swait.ge [sflag:s23], $0x1  }
0xa3: {  	[sflag:s23] =	ssyncset.done $0x0  }
0xa4: {  	s25 =	simm.s32 $0x1B8E;
	s24 =	sld [smem:$0x3FFE];
	[sflag:s23] =	ssyncadd.s32 $0xFFFFFFFF  }
0xa5: {  	s26 =	simm.s32 $execute0_lowered;
	[smem:$0x3FD2] =	sst s25  }
0xa6: {  	s4 =	sshll.u32 s26, $0x1;
	_ =	strace $0x80000046;
	[dreg:$0x1] =	wrdreg $0xFFFFFFFF  }
0xa7: {  	s28 =	simm.s32 $_size_execute0_lowered;
	s2 =	sadd.s32 s2, s4;
	[dreg:$0x0] =	wrdreg $0x0  }
0xa8: {  	s4 =	sshll.u32 s28, $0x1;
	[dreg:$0x2] =	wrdreg s2  }
0xa9: {  	[dreg:$0x3] =	wrdreg s4  }
0xaa: {  	[dreg:$0x4] =	wrdreg $0xC0  }
0xab: {  	_ =	task [dreg:s6], $0x5FFFF  }
0xac: {  	[dreg:$0x1] =	wrdreg $0xFFFFFFFF  }
0xad: {  	[dreg:$0x0] =	wrdreg $0x60  }
0xae: {  	[dreg:$0x2] =	wrdreg s24  }
0xaf: {  	[dreg:$0x3] =	wrdreg $0x90000  }
0xb0: {  	[dreg:$0x4] =	wrdreg $0x9  }
0xb1: {  	_ =	task.clear_ibuf [dreg:s6], $0x5FFFF;
	_ =	strace $0x90000046  }
0xb2: {  	s29 =	simm.s32 $0x9;
	_ =	strace $0x80000048  }
0xb3: {  	_ =	swait.ge [sflag:s29], $0x1  }
0xb4: {  	[sflag:s29] =	ssyncadd.s32 $0xFFFFFFFF  }
0xb5: {  	_ =	strace $0x90000048  }
0xb6: {  	_ =	sfence  }
0xb7: {  	s30 =	sld [smem:$0x0];
	_ =	sdelay $0x2  }
0xb8: {  	s31 =	sshll.u32 s1, $0xD;
	s1 =	sshrl.u32 s1, $0x2  }
0xb9: {  	s3 =	sand.u32 $0x4000, s31;
	s1 =	sadd.s32 s1, s30  }
0xba: {  	s0 =	sor.u32 s3, s0;
	s1 =	sshll.u32 s1, $0x11  }
0xbb: {  	s0 =	sor.u32 s1, s0  }
0xbc: {  	s0 =	sadd.s32 $0x8F2B, s0  }
0xbd: {  	[sflag:s0] =	ssyncadd.remote.s32 $0x1  }
0xbe: {  	_ =	sfence.sel $0xFFFF  }
0xbf: {  	[dreg:$0x0] =	wrdreg $0xFFFFFFFF;
	(pc) =	sbr.abs _section_cstart, $3  }
0xc0: {  	[dreg:$0x1] =	wrdreg $0xFFFFFFFF  }
0xc1: {  	_ =	task.clear_ibuf [dreg:s6], $0x2FFFF;
	_ =	strace $0x9FFFFFFF  }
0xc2: {  	(tm) =	ssettm $0x7FFFFFFF  }
0xc3: {  	_ =	shalt  }
tec
execute0_lowered:
.L_overlay_start_1:
0x0: {  	(tag) =	ssettag $0x1  }
0x1: {  	s5 =	rddreg [dreg:$0x0]  }
0x2: {  	s1 =	rddreg [dreg:$0x1]  }
0x3: {  	s2 =	srdreg.scid;
	s0 =	rddreg [dreg:$0x2];
	s3 =	simm.s32 $0x0  }
0x4: {  	s17 =	simm.s32 $0x3;
	s18 =	simm.s32 $0x800;
	s6 =	sand.u32 $0x1, s2  }
0x5: {  	s19 =	simm.s32 $0x80;
	s2 =	stileid.u32;
	s7 =	smul.u32 $0x140000, s6  }
0x6: {  	s20 =	simm.s32 $0x5000;
	s21 =	simm.s32 $0x1;
	s8 =	smul.u32 $0x14000, s2  }
0x7: {  	s22 =	simm.s32 $0x2;
	[smem:$0x7FF] =	sst s3;
	s30 =	smul.u32 $0x50000, s2  }
0x8: {  	s4 =	sadd.s32 $0x18400, s5;
	s15 =	sadd.s32 $0x4400, s5;
	s10 =	smul.u32 $0x28000, s6  }
0x9: {  	s14 =	sadd.s32 $0xE400, s5;
	s9 =	ssub.s32 $0x2, s6;
	s11 =	smul.u32 $0x2800, s2  }
0xa: {  	_ =	strace $0x80000047;
	s31 =	sshrl.u32 s9, $0x1;
	s7 =	sadd.s32 s8, s7  }
0xb: {  	s8 =	sshrl.u32 s30, $0x2;
	s13 =	ssub.s32 s9, s31;
	s16 =	sadd.s32 s11, s10  }
0xc: {  	s7 =	sshrl.u32 s7, $0x3;
	s11 =	sshrl.u32 s16, $0x3;
	s16 =	sor.u32 $0x400, s16  }
.Ltmp0:
0xd: {  	s13 =	smax.u32 s13, $0x1;
	s12 =	sadd.s32 s7, s5;
	(pc) =	sbr.rel .LBB2_1-.Ltmp0, $4  }
0xe: {  	s5 =	sadd.s32 s8, s1;
	s10 =	sadd.s32 s15, s11;
	s11 =	sadd.s32 s14, s11  }
0xf: {  	s16 =	sshrl.u32 s16, $0x3;
	s6 =	sadd.s32 $0x4000, s5;
	s7 =	sadd.s32 $0x8000, s5  }
0x10: {  	s8 =	sadd.s32 $0xC000, s5;
	s9 =	sadd.s32 $0x10000, s5;
	s12 =	sadd.s32 $0x40400, s12  }
0x11: {  	v0 =	vimm.f32 $0.0e+00;
	s14 =	sadd.s32 s16, s14;
	s15 =	sadd.s32 s16, s15;
	s16 =	simm.s32 $0x1000  }
.LBB2_5:
0x12: {  	_ =	swait.ge [sflag:s21], $0x4000  }
0x13: {  	[sflag:s21] =	ssyncset.done $0x0  }
0x14: {  	s23 =	sor.u32 $0x800, s28;
	[sflag:s21] =	ssyncadd.s32 $0xFFFFC000  }
0x15: {  	[spmem:s1] =	stream.indirect.scatter.add.f32 [tilespmem:s20], [sflag:$0x3], $0x80, s23, s19, $0xb8;
	[tilespmem:$0x1D000] =	vst v63  }
0x16: {  	_ =	swait.ge [sflag:s17], $0x4000  }
0x17: {  	[sflag:s17] =	ssyncset.done $0x0  }
0x18: {  	[sflag:s17] =	ssyncadd.s32 $0xFFFFC000  }
.LBB2_7:
0x19: {  	s3 =	sadd.s32 $0x1, s3  }
0x1a: {  	s23 =	sshll.u32 s2, $0x6;
	[bflag:$0x0] =	sbarrier.arrive $0xFFFF;
	p0 =	sne.s32 s3, s13  }
.Ltmp1:
0x1b: {  	s24 =	sshrl.u32 s5, $0x3;
	s23 =	sor.u32 $0x1C03, s23;
	(pc) =	sbr.rel @!p0 .LBB2_8-.Ltmp1, $4  }
0x1c: {  	[hbm:s12], [sflag:s23] =	dma.local [spmem:s24], $0x2800  }
0x1d: {  	_ =	swait.ge [sflag:s17], $0x2800  }
0x1e: {  	[sflag:s17] =	ssyncset.done $0x0  }
0x1f: {  	[sflag:s17] =	ssyncadd.s32 $0xFFFFD800  }
.LBB2_1:
0x20: {  	s23 =	simm.s32 $0x0;
	s24 =	simm.s32 $0x200  }
.LBB2_2:
0x21: {  	p0 =	sne.s32 s24, $0xFE00;
	[tilespmem:s23+$0x1070] =	vst v0  }
0x22: {  	[tilespmem:s23+$0x1000] =	vst v0  }
0x23: {  	[tilespmem:s23+$0x1010] =	vst v0  }
.Ltmp2:
0x24: {  	[tilespmem:s23+$0x1020] =	vst v0;
	(pc) =	sbr.rel @p0 .LBB2_2-.Ltmp2, $4  }
0x25: {  	[tilespmem:s23+$0x1030] =	vst v0  }
0x26: {  	[tilespmem:s23+$0x1040] =	vst v0  }
0x27: {  	[tilespmem:s23+$0x1050] =	vst v0  }
0x28: {  	[tilespmem:s23+$0x1060] =	vst v0;
	s23 =	sshra.s32 s24, $0x2;
	s24 =	sadd.s32 $0x200, s24  }
0x29: {  	[tilespmem:s23+$0x1070] =	vst v0  }
0x2a: {  	[tilespmem:s23+$0x1000] =	vst v0  }
0x2b: {  	[tilespmem:s23+$0x1010] =	vst v0  }
0x2c: {  	[tilespmem:s23+$0x1020] =	vst v0  }
0x2d: {  	[tilespmem:s23+$0x1030] =	vst v0  }
0x2e: {  	[tilespmem:s23+$0x1040] =	vst v0  }
0x2f: {  	[tilespmem:s23+$0x1050] =	vst v0  }
0x30: {  	[tilespmem:s23+$0x1060] =	vst v0  }
0x31: {  	[spmem:s5] =	stream.linear.scatter [tilespmem:s16], [sflag:$0x3], $0x4000, $0x38;
	[tilespmem:$0x1D000] =	vst v63  }
0x32: {  	_ =	swait.ge [sflag:s17], $0x4000  }
0x33: {  	[sflag:s17] =	ssyncset.done $0x0  }
0x34: {  	[sflag:s17] =	ssyncadd.s32 $0xFFFFC000  }
0x35: {  	[spmem:s6] =	stream.linear.scatter [tilespmem:s16], [sflag:$0x3], $0x4000, $0x38;
	[tilespmem:$0x1D000] =	vst v63  }
0x36: {  	_ =	swait.ge [sflag:s17], $0x4000  }
0x37: {  	[sflag:s17] =	ssyncset.done $0x0  }
0x38: {  	[sflag:s17] =	ssyncadd.s32 $0xFFFFC000  }
0x39: {  	[spmem:s7] =	stream.linear.scatter [tilespmem:s16], [sflag:$0x3], $0x4000, $0x38;
	[tilespmem:$0x1D000] =	vst v63  }
0x3a: {  	_ =	swait.ge [sflag:s17], $0x4000  }
0x3b: {  	[sflag:s17] =	ssyncset.done $0x0  }
0x3c: {  	[sflag:s17] =	ssyncadd.s32 $0xFFFFC000  }
0x3d: {  	[spmem:s8] =	stream.linear.scatter [tilespmem:s16], [sflag:$0x3], $0x4000, $0x38;
	[tilespmem:$0x1D000] =	vst v63  }
0x3e: {  	_ =	swait.ge [sflag:s17], $0x4000  }
0x3f: {  	[sflag:s17] =	ssyncset.done $0x0  }
0x40: {  	[sflag:s17] =	ssyncadd.s32 $0xFFFFC000  }
0x41: {  	[spmem:s9] =	stream.linear.scatter [tilespmem:s16], [sflag:$0x3], $0x4000, $0x38;
	[tilespmem:$0x1D000] =	vst v63  }
0x42: {  	_ =	swait.ge [sflag:s17], $0x4000  }
0x43: {  	[sflag:s17] =	ssyncset.done $0x0  }
0x44: {  	[sflag:s17] =	ssyncadd.s32 $0xFFFFC000  }
0x45: {  	s23 =	simm.s32 $0x0;
	[bflag:$0x0] =	sbarrier.arrive $0xFFFF  }
0x46: {  	[tilespmem:s23], [sflag:$0x3] =	stream.linear.gather [hbm4b:s10+s23], $0x400, $0x38;
	[tilespmem:$0x1D000] =	vst v63  }
0x47: {  	_ =	swait.ge [sflag:s17], $0x400  }
0x48: {  	[sflag:s17] =	ssyncset.done $0x0  }
0x49: {  	[sflag:s17] =	ssyncadd.s32 $0xFFFFFC00  }
0x4a: {  	[tilespmem:s18], [sflag:$0x3] =	stream.linear.gather [hbm4b:s11+s23], $0x400, $0x38;
	[tilespmem:$0x1D000] =	vst v63  }
0x4b: {  	_ =	swait.ge [sflag:s17], $0x400  }
0x4c: {  	[sflag:s17] =	ssyncset.done $0x0  }
0x4d: {  	[sflag:s17] =	ssyncadd.s32 $0xFFFFFC00  }
0x4e: {  	[tilespmem:s16], [sflag:$0x1] =	stream.indirect.gather [hbm4b:s4+s19], $0x80, s23, s19, $0xb8;
	[tilespmem:$0x1D000] =	vst v63  }
0x4f: {  	s24 =	smov.u32 s15;
	s25 =	smov.u32 s14  }
0x50: {  	[tilespmem:s20], [sflag:$0x1] =	stream.indirect.gather [hbm4b:s4+s19], $0x80, s19, s19, $0xb8;
	[tilespmem:$0x1D000] =	vst v63  }
.LBB2_4:
0x51: {  	s28 =	sand.u32 $0x1, s23  }
0x52: {  	p0 =	seq.s32 s23, $0x9;
	s26 =	sxor.u32 $0x1, s28  }
0x53: {  	s30 =	simm.s32 @!p0 $0x0;
	s29 =	sshll.u32 @!p0 s26, $0xA  }
0x54: {  	[tilespmem:s29], [sflag:$0x2] =	stream.linear.gather @!p0 [hbm4b:s24+s30], $0x400, $0x38;
	[tilespmem:$0x1D000] =	vst v63  }
0x55: {  	s29 =	sor.u32 @!p0 $0x800, s29  }
0x56: {  	[tilespmem:s29], [sflag:$0x2] =	stream.linear.gather @!p0 [hbm4b:s25+s30], $0x400, $0x38;
	[tilespmem:$0x1D000] =	vst v63  }
0x57: {  	_ =	swait.ge [sflag:s21], $0x4000  }
0x58: {  	s31 =	sshll.u32 s28, $0xA;
	[sflag:s21] =	ssyncset.done $0x0  }
0x59: {  	s28 =	sor.u32 $0x800, s31;
	[sflag:s21] =	ssyncadd.s32 $0xFFFFC000  }
0x5a: {  	[spmem:s1] =	stream.indirect.scatter.add.f32 [tilespmem:s16], [sflag:$0x3], $0x80, s28, s19, $0xb8;
	[tilespmem:$0x1D000] =	vst v63  }
0x5b: {  	_ =	swait.ge [sflag:s17], $0x4000  }
0x5c: {  	[sflag:s17] =	ssyncset.done $0x0  }
0x5d: {  	s28 =	sor.u32 $0x100, s31;
	[sflag:s17] =	ssyncadd.s32 $0xFFFFC000  }
0x5e: {  	[tilespmem:s16], [sflag:$0x1] =	stream.indirect.gather [hbm4b:s4+s19], $0x80, s28, s19, $0xb8;
	[tilespmem:$0x1D000] =	vst v63  }
0x5f: {  	_ =	swait.ge [sflag:s21], $0x4000  }
0x60: {  	[sflag:s21] =	ssyncset.done $0x0  }
0x61: {  	s28 =	sor.u32 $0x880, s31;
	[sflag:s21] =	ssyncadd.s32 $0xFFFFC000  }
0x62: {  	[spmem:s1] =	stream.indirect.scatter.add.f32 [tilespmem:s20], [sflag:$0x3], $0x80, s28, s19, $0xb8;
	[tilespmem:$0x1D000] =	vst v63  }
0x63: {  	_ =	swait.ge [sflag:s17], $0x4000  }
0x64: {  	[sflag:s17] =	ssyncset.done $0x0  }
0x65: {  	s28 =	sor.u32 $0x180, s31;
	[sflag:s17] =	ssyncadd.s32 $0xFFFFC000  }
0x66: {  	[tilespmem:s20], [sflag:$0x1] =	stream.indirect.gather [hbm4b:s4+s19], $0x80, s28, s19, $0xb8;
	[tilespmem:$0x1D000] =	vst v63  }
0x67: {  	_ =	swait.ge [sflag:s21], $0x4000  }
0x68: {  	[sflag:s21] =	ssyncset.done $0x0  }
0x69: {  	s28 =	sor.u32 $0x900, s31;
	[sflag:s21] =	ssyncadd.s32 $0xFFFFC000  }
0x6a: {  	[spmem:s1] =	stream.indirect.scatter.add.f32 [tilespmem:s16], [sflag:$0x3], $0x80, s28, s19, $0xb8;
	[tilespmem:$0x1D000] =	vst v63  }
0x6b: {  	_ =	swait.ge [sflag:s17], $0x4000  }
0x6c: {  	[sflag:s17] =	ssyncset.done $0x0  }
0x6d: {  	s28 =	sor.u32 $0x200, s31;
	[sflag:s17] =	ssyncadd.s32 $0xFFFFC000  }
0x6e: {  	[tilespmem:s16], [sflag:$0x1] =	stream.indirect.gather [hbm4b:s4+s19], $0x80, s28, s19, $0xb8;
	[tilespmem:$0x1D000] =	vst v63  }
0x6f: {  	_ =	swait.ge [sflag:s21], $0x4000  }
0x70: {  	[sflag:s21] =	ssyncset.done $0x0  }
0x71: {  	s28 =	sor.u32 $0x980, s31;
	[sflag:s21] =	ssyncadd.s32 $0xFFFFC000  }
0x72: {  	[spmem:s1] =	stream.indirect.scatter.add.f32 [tilespmem:s20], [sflag:$0x3], $0x80, s28, s19, $0xb8;
	[tilespmem:$0x1D000] =	vst v63  }
0x73: {  	_ =	swait.ge [sflag:s17], $0x4000  }
0x74: {  	[sflag:s17] =	ssyncset.done $0x0  }
0x75: {  	s28 =	sor.u32 $0x280, s31;
	[sflag:s17] =	ssyncadd.s32 $0xFFFFC000  }
0x76: {  	[tilespmem:s20], [sflag:$0x1] =	stream.indirect.gather [hbm4b:s4+s19], $0x80, s28, s19, $0xb8;
	[tilespmem:$0x1D000] =	vst v63  }
0x77: {  	_ =	swait.ge [sflag:s21], $0x4000  }
0x78: {  	[sflag:s21] =	ssyncset.done $0x0  }
0x79: {  	s28 =	sor.u32 $0xA00, s31;
	[sflag:s21] =	ssyncadd.s32 $0xFFFFC000  }
0x7a: {  	[spmem:s1] =	stream.indirect.scatter.add.f32 [tilespmem:s16], [sflag:$0x3], $0x80, s28, s19, $0xb8;
	[tilespmem:$0x1D000] =	vst v63  }
0x7b: {  	_ =	swait.ge [sflag:s17], $0x4000  }
0x7c: {  	[sflag:s17] =	ssyncset.done $0x0  }
0x7d: {  	s28 =	sor.u32 $0x300, s31;
	[sflag:s17] =	ssyncadd.s32 $0xFFFFC000  }
0x7e: {  	[tilespmem:s16], [sflag:$0x1] =	stream.indirect.gather [hbm4b:s4+s19], $0x80, s28, s19, $0xb8;
	[tilespmem:$0x1D000] =	vst v63  }
0x7f: {  	_ =	swait.ge [sflag:s21], $0x4000  }
0x80: {  	[sflag:s21] =	ssyncset.done $0x0  }
0x81: {  	s28 =	sor.u32 $0xA80, s31;
	[sflag:s21] =	ssyncadd.s32 $0xFFFFC000  }
0x82: {  	[spmem:s1] =	stream.indirect.scatter.add.f32 [tilespmem:s20], [sflag:$0x3], $0x80, s28, s19, $0xb8;
	[tilespmem:$0x1D000] =	vst v63  }
0x83: {  	_ =	swait.ge [sflag:s17], $0x4000  }
0x84: {  	[sflag:s17] =	ssyncset.done $0x0  }
0x85: {  	s28 =	sor.u32 $0x380, s31;
	[sflag:s17] =	ssyncadd.s32 $0xFFFFC000  }
0x86: {  	[tilespmem:s20], [sflag:$0x1] =	stream.indirect.gather [hbm4b:s4+s19], $0x80, s28, s19, $0xb8;
	[tilespmem:$0x1D000] =	vst v63  }
0x87: {  	_ =	swait.ge [sflag:s21], $0x4000  }
0x88: {  	p0 =	sne.s32 s23, $0x9;
	[sflag:s21] =	ssyncset.done $0x0  }
.Ltmp3:
0x89: {  	s29 =	sor.u32 $0xB00, s31;
	[sflag:s21] =	ssyncadd.s32 $0xFFFFC000;
	(pc) =	sbr.rel @!p0 .LBB2_5-.Ltmp3, $4  }
0x8a: {  	[spmem:s1] =	stream.indirect.scatter.add.f32 [tilespmem:s16], [sflag:$0x3], $0x80, s29, s19, $0xb8;
	[tilespmem:$0x1D000] =	vst v63  }
0x8b: {  	_ =	swait.ge [sflag:s17], $0x4000  }
0x8c: {  	[sflag:s17] =	ssyncset.done $0x0  }
0x8d: {  	[sflag:s17] =	ssyncadd.s32 $0xFFFFC000  }
0x8e: {  	_ =	swait.ge [sflag:s22], $0x400  }
0x8f: {  	[sflag:s22] =	ssyncset.done $0x0  }
0x90: {  	[sflag:s22] =	ssyncadd.s32 $0xFFFFFC00  }
0x91: {  	_ =	swait.ge [sflag:s22], $0x400  }
0x92: {  	[sflag:s22] =	ssyncset.done $0x0  }
0x93: {  	s26 =	sshll.u32 s26, $0xA;
	[sflag:s22] =	ssyncadd.s32 $0xFFFFFC00  }
0x94: {  	[tilespmem:s16], [sflag:$0x1] =	stream.indirect.gather [hbm4b:s4+s19], $0x80, s26, s19, $0xb8;
	[tilespmem:$0x1D000] =	vst v63  }
0x95: {  	_ =	swait.ge [sflag:s21], $0x4000  }
0x96: {  	s23 =	sadd.s32 $0x1, s23;
	[sflag:s21] =	ssyncset.done $0x0  }
0x97: {  	s28 =	sor.u32 $0x800, s28;
	p0 =	sne.s32 s23, $0xA;
	[sflag:s21] =	ssyncadd.s32 $0xFFFFC000  }
0x98: {  	[spmem:s1] =	stream.indirect.scatter.add.f32 [tilespmem:s20], [sflag:$0x3], $0x80, s28, s19, $0xb8;
	[tilespmem:$0x1D000] =	vst v63  }
.Ltmp4:
0x99: {  	_ = 	snop;
	(pc) =	sbr.rel @p0 .LBB2_4-.Ltmp4, $4  }
.Ltmp5:
0x9a: {  	_ =	swait.ge [sflag:s17], $0x4000;
	(pc) =	sbr.rel @!p0 .LBB2_7-.Ltmp5, $4  }
0x9b: {  	s25 =	sadd.s32 $0x80, s25;
	[sflag:s17] =	ssyncset.done $0x0  }
0x9c: {  	s24 =	sadd.s32 $0x80, s24;
	s26 =	sor.u32 $0x80, s26;
	[sflag:s17] =	ssyncadd.s32 $0xFFFFC000  }
0x9d: {  	[tilespmem:s20], [sflag:$0x1] =	stream.indirect.gather [hbm4b:s4+s19], $0x80, s26, s19, $0xb8;
	[tilespmem:$0x1D000] =	vst v63  }
0x9e: {  	_ = 	snop  }
.LBB2_8:
0x9f: {  	_ =	sfence.sel $0x180000  }
0xa0: {  	[bflag:$0x0] =	sbarrier.arrive $0xFFFF  }
0xa1: {  	p0 =	sne.s32 s2, $0x0;
	_ =	strace $0x90000047  }
0xa2: {  	s0 =	sadd.s32 @!p0 $0x100000, s0;
	[bflag:$0x2] =	sbarrier.arrive $0xFFFF  }
0xa3: {  	[sflag:s0] =	ssyncadd.tile.s32 @!p0 $0x1;
	_ =	shalt  }
.Lfunc_end2:
_tile_overlayer_lowered:
.L_overlay_start_2:
0xa4: {  	(tag) =	ssettag $0x2  }
0xa5: {  	s0 =	rddreg [dreg:$0x0];
	s2 =	stileid.u32  }
0xa6: {  	s1 =	rddreg [dreg:$0x1];
	p0 =	sne.s32 s2, $0x0  }
0xa7: {  	s3 =	rddreg [dreg:$0x2];
	[bflag:$0x3] =	sbarrier.arrive $0xFFFF;
	s2 =	simm.s32 @!p0 $0x1C03  }
0xa8: {  	[timem:s3], [sflag:s2] =	dma.local @!p0 [hbm:s0], s1  }
0xa9: {  	s0 =	simm.s32 @!p0 $0x3  }
0xaa: {  	_ =	swait.ge @!p0 [sflag:s0], s1  }
0xab: {  	s1 =	ssub.s32 @!p0 $0x0, s1;
	[sflag:s0] =	ssyncset.done @!p0 $0x0  }
0xac: {  	[sflag:s0] =	ssyncadd.s32 @!p0 s1  }
0xad: {  	[bflag:$0x3] =	sbarrier.arrive $0xFFFF  }
0xae: {  	_ =	shalt  }

</sc_bundles>
